<compile_context>
chip_gen: v7x
topology: tpu7x:2x2x1
jax: 0.10.2.dev20260603
libtpu: 0.0.44.dev20260713+nightly
codegen_flags: <defaults>
</compile_context>

<pallas_src>
import functools

import jax
import jax.numpy as jnp
from jax import lax
from jax.experimental import pallas as pl
from jax.experimental.pallas import tpu as pltpu
from jax.experimental.pallas import tpu_sc as plsc

N = 8192
G = 16
KNN = 5
ROWS = 256
NB = N // ROWS
BIG = 1e30
BIGI = 2**30

_NC, _NS = 2, 16
_NW = _NC * _NS
_CH = 128


W = 512
PAD = 128
KR = 256
KNB = N // KR


def _knn_body(bounds_ref, f_ref, fT_ref, br_ref, bc_ref, idx_ref,
              rv_ref, rc_ref):
    i = pl.program_id(0)
    r = f_ref[...]
    sq_r = jnp.sum(r * r, axis=1, keepdims=True)
    br = br_ref[...]
    rv_ref[...] = jnp.full((N // W, KR, 8), BIG, jnp.float32)
    rc_ref[...] = jnp.full((N // W, KR, 8), BIGI, jnp.int32)
    c0 = bounds_ref[i, 0]
    c1 = bounds_ref[i, 1]

    def chunk(c, _):
        cT = fT_ref[:, pl.ds(c * W, W)]
        d = jnp.dot(r, cT, preferred_element_type=jnp.float32) * -2.0
        d = d + sq_r
        d = d + jnp.sum(cT * cT, axis=0, keepdims=True)
        vals = jnp.where(br == bc_ref[:, pl.ds(c * W, W)], d, BIG)
        cols = c * W + lax.broadcasted_iota(jnp.int32, (KR, W), 1)
        ms, its = [], []
        for _ in range(KNN):
            m = jnp.min(vals, axis=1, keepdims=True)
            it = jnp.min(jnp.where(vals == m, cols, BIGI), axis=1,
                         keepdims=True)
            ms.append(m)
            its.append(it)
            vals = jnp.where(cols == it, float("inf"), vals)
        padv = [jnp.full((KR, 8 - KNN), BIG, jnp.float32)]
        padc = [jnp.full((KR, 8 - KNN), BIGI, jnp.int32)]
        rv_ref[c] = jnp.concatenate(ms + padv, axis=1)
        rc_ref[c] = jnp.concatenate(its + padc, axis=1)
        return 0

    lax.fori_loop(c0, c1, chunk, 0)
    vals = jnp.concatenate([rv_ref[cl] for cl in range(N // W)], axis=1)
    cols = jnp.concatenate([rc_ref[cl] for cl in range(N // W)], axis=1)
    outs = []
    for _ in range(KNN):
        m = jnp.min(vals, axis=1, keepdims=True)
        it = jnp.min(jnp.where(vals == m, cols, BIGI), axis=1, keepdims=True)
        outs.append(it)
        vals = jnp.where(cols == it, float("inf"), vals)
    idx_ref[...] = jnp.concatenate(outs, axis=1)


def _knn_call(f, fT, br, bc, bounds, feat):
    return pl.pallas_call(
        _knn_body,
        grid=(KNB,),
        in_specs=[
            pl.BlockSpec(memory_space=pltpu.SMEM),
            pl.BlockSpec((KR, feat), lambda i: (i, 0)),
            pl.BlockSpec((feat, N), lambda i: (0, 0)),
            pl.BlockSpec((KR, 1), lambda i: (i, 0)),
            pl.BlockSpec((1, N), lambda i: (0, 0)),
        ],
        out_specs=pl.BlockSpec((KR, KNN), lambda i: (i, 0)),
        out_shape=jax.ShapeDtypeStruct((N, KNN), jnp.int32),
        scratch_shapes=[
            pltpu.VMEM((N // W, KR, 8), jnp.float32),
            pltpu.VMEM((N // W, KR, 8), jnp.int32),
        ],
    )(bounds, f, fT, br, bc)


def _sc_gather(table, idx_flat, depth, total):
    per_w = total // _NW
    nchunk = per_w // _CH
    mesh = plsc.VectorSubcoreMesh(core_axis_name="c", subcore_axis_name="s",
                                  num_cores=_NC, num_subcores=_NS)

    @functools.partial(
        pl.kernel,
        out_type=jax.ShapeDtypeStruct((total, depth), jnp.float32),
        mesh=mesh,
        compiler_params=pltpu.CompilerParams(use_tc_tiling_on_sc=False),
        scratch_types=[
            pltpu.VMEM((_CH,), jnp.int32),
            pltpu.VMEM((_CH, depth), jnp.float32),
            pltpu.SemaphoreType.DMA,
        ],
    )
    def gather_k(table_hbm, idx_hbm, out_hbm, idx_v, rows_v, sem):
        wid = lax.axis_index("s") * _NC + lax.axis_index("c")
        base = wid * per_w
        for j in range(nchunk):
            off = base + j * _CH
            pltpu.sync_copy(idx_hbm.at[pl.ds(off, _CH)], idx_v)
            pltpu.async_copy(table_hbm.at[idx_v], rows_v, sem).wait()
            pltpu.sync_copy(rows_v, out_hbm.at[pl.ds(off, _CH)])

    return gather_k(table, idx_flat)


def _conv1_body(x_ref, g_ref, w1_ref, b1_ref, w2_ref, b2_ref, w3_ref, b3_ref,
                x1_ref):
    xi = x_ref[...]
    xi5 = jnp.concatenate([xi] * KNN, axis=0)
    xj = g_ref[...].reshape(KNN * ROWS, 8)[:, :4]
    e = jnp.concatenate([xi5, xj - xi5], axis=1)
    h = jnp.maximum(
        jnp.dot(e, w1_ref[...], preferred_element_type=jnp.float32)
        + b1_ref[...], 0.0)
    h = jnp.maximum(
        jnp.dot(h, w2_ref[...], preferred_element_type=jnp.float32)
        + b2_ref[...], 0.0)
    h = jnp.maximum(
        jnp.dot(h, w3_ref[...], preferred_element_type=jnp.float32)
        + b3_ref[...], 0.0)
    acc = h[0:ROWS]
    for k in range(1, KNN):
        acc = acc + h[k * ROWS:(k + 1) * ROWS]
    x1_ref[...] = acc


def _conv1_call(xx, g1, W1, b1, W2, b2, W3, b3):
    return pl.pallas_call(
        _conv1_body,
        grid=(NB,),
        in_specs=[
            pl.BlockSpec((ROWS, 4), lambda i: (i, 0)),
            pl.BlockSpec((KNN, ROWS, 8), lambda i: (0, i, 0)),
            pl.BlockSpec((8, 64), lambda i: (0, 0)),
            pl.BlockSpec((1, 64), lambda i: (0, 0)),
            pl.BlockSpec((64, 64), lambda i: (0, 0)),
            pl.BlockSpec((1, 64), lambda i: (0, 0)),
            pl.BlockSpec((64, 64), lambda i: (0, 0)),
            pl.BlockSpec((1, 64), lambda i: (0, 0)),
        ],
        out_specs=pl.BlockSpec((ROWS, 64), lambda i: (i, 0)),
        out_shape=jax.ShapeDtypeStruct((N, 64), jnp.float32),
    )(xx, g1, W1, b1, W2, b2, W3, b3)


def _conv2_body(gb_ref, x1_ref, g2_ref, w4_ref, b4_ref, wl_ref, bl_ref,
                br_ref, wm1_ref, bm1_ref, wm2_ref, bm2_ref, wm3_ref, bm3_ref,
                o_ref, pooled_ref):
    i = pl.program_id(0)

    @pl.when(i == 0)
    def _():
        pooled_ref[...] = jnp.full((G, 1024), -jnp.inf, jnp.float32)

    xi = x1_ref[...]
    xi5 = jnp.concatenate([xi] * KNN, axis=0)
    gall = g2_ref[...].reshape(KNN * ROWS, 64)
    e = jnp.concatenate([xi5, gall - xi5], axis=1)
    hh = jnp.maximum(
        jnp.dot(e, w4_ref[...], preferred_element_type=jnp.float32)
        + b4_ref[...], 0.0)
    x2 = hh[0:ROWS]
    for k in range(1, KNN):
        x2 = x2 + hh[k * ROWS:(k + 1) * ROWS]
    cat = jnp.concatenate([xi, x2], axis=1)
    out = jnp.dot(cat, wl_ref[...], preferred_element_type=jnp.float32)
    out = out + bl_ref[...]
    b = br_ref[...]
    glo = gb_ref[i, 0]
    ghi = gb_ref[i, 1]
    neg = float("-inf")
    for g in range(G):
        @pl.when((glo <= g) & (g <= ghi))
        def _(g=g):
            m = jnp.max(jnp.where(b == g, out, neg), axis=0, keepdims=True)
            pooled_ref[pl.ds(g, 1), :] = jnp.maximum(
                pooled_ref[pl.ds(g, 1), :], m)

    @pl.when(i == NB - 1)
    def _():
        h = jnp.maximum(
            jnp.dot(pooled_ref[...], wm1_ref[...],
                    preferred_element_type=jnp.float32) + bm1_ref[...], 0.0)
        h = jnp.maximum(
            jnp.dot(h, wm2_ref[...], preferred_element_type=jnp.float32)
            + bm2_ref[...], 0.0)
        o_ref[...] = (
            jnp.dot(h, wm3_ref[...], preferred_element_type=jnp.float32)
            + bm3_ref[...])


def _conv2_call(gb, x1, g2, W4, b4, Wl, bl, br, Wm1, bm1, Wm2, bm2, Wm3, bm3):
    return pl.pallas_call(
        _conv2_body,
        grid=(NB,),
        in_specs=[
            pl.BlockSpec(memory_space=pltpu.SMEM),
            pl.BlockSpec((ROWS, 64), lambda i: (i, 0)),
            pl.BlockSpec((KNN, ROWS, 64), lambda i: (0, i, 0)),
            pl.BlockSpec((128, 128), lambda i: (0, 0)),
            pl.BlockSpec((1, 128), lambda i: (0, 0)),
            pl.BlockSpec((192, 1024), lambda i: (0, 0)),
            pl.BlockSpec((1, 1024), lambda i: (0, 0)),
            pl.BlockSpec((ROWS, 1), lambda i: (i, 0)),
            pl.BlockSpec((1024, 512), lambda i: (0, 0)),
            pl.BlockSpec((1, 512), lambda i: (0, 0)),
            pl.BlockSpec((512, 256), lambda i: (0, 0)),
            pl.BlockSpec((1, 256), lambda i: (0, 0)),
            pl.BlockSpec((256, 40), lambda i: (0, 0)),
            pl.BlockSpec((1, 40), lambda i: (0, 0)),
        ],
        out_specs=pl.BlockSpec((G, 40), lambda i: (0, 0)),
        out_shape=jax.ShapeDtypeStruct((G, 40), jnp.float32),
        scratch_shapes=[pltpu.VMEM((G, 1024), jnp.float32)],
    )(gb, x1, g2, W4, b4, Wl, bl, br, Wm1, bm1, Wm2, bm2, Wm3, bm3)


def kernel(x, pos, batch, W1, b1, W2, b2, W3, b3, W4, b4, Wl, bl,
           Wm1, bm1, Wm2, bm2, Wm3, bm3):
    xx = jnp.concatenate([x, pos], axis=1)
    batch = batch.astype(jnp.int32)
    br = batch.reshape(N, 1)
    bc = batch.reshape(1, N)

    seg_lo = jnp.searchsorted(batch, jnp.arange(G, dtype=jnp.int32))
    seg_hi = jnp.searchsorted(batch, jnp.arange(G, dtype=jnp.int32),
                              side="right")
    lo = seg_lo[batch[::KR]].astype(jnp.int32)
    hi = seg_hi[batch[KR - 1::KR]].astype(jnp.int32)
    bounds = jnp.stack([lo // W, (hi + W - 1) // W], axis=1).astype(jnp.int32)

    idx1 = _knn_call(xx, xx.T, br, bc, bounds, 4)
    xx8 = jnp.pad(xx, ((0, 0), (0, 4)))
    g1 = _sc_gather(xx8, idx1.T.reshape(-1), 8, KNN * N).reshape(KNN, N, 8)
    x1 = _conv1_call(xx, g1, W1, b1.reshape(1, 64), W2, b2.reshape(1, 64),
                     W3, b3.reshape(1, 64))

    idx2 = _knn_call(x1, x1.T, br, bc, bounds, 64)
    g2 = _sc_gather(x1, idx2.T.reshape(-1), 64, KNN * N).reshape(KNN, N, 64)

    gb = jnp.stack([batch[::ROWS], batch[ROWS - 1::ROWS]],
                   axis=1).astype(jnp.int32)
    return _conv2_call(gb, x1, g2, W4, b4.reshape(1, 128), Wl,
                       bl.reshape(1, 1024), br, Wm1, bm1.reshape(1, 512),
                       Wm2, bm2.reshape(1, 256), Wm3, bm3.reshape(1, 40))

# --- scband reference (transcript-rebuilt; emitter-appended) ---
"""Pipeline reference for scband-dgcnn3-33105607917643 (READ-ONLY COPY).

The authoritative reference and input builder live on the scoring server;
editing this copy changes nothing except your own understanding.
"""

import jax, jax.numpy as jnp
import numpy as np

K = 5
NUM_GRAPHS = 16
N = 8192

def _lin_init(k, fi, fo):
    s = 1.0 / np.sqrt(fi)
    kw, kb = jax.random.split(k)
    W = jax.random.uniform(kw, (fi, fo), jnp.float32, -s, s)
    b = jax.random.uniform(kb, (fo,), jnp.float32, -s, s)
    return W, b

def knn_idx(feat, batch, k):
    f = jax.lax.stop_gradient(feat)
    sq = jnp.sum(f * f, axis=1)
    d = sq[:, None] - 2.0 * (f @ f.T) + sq[None, :]
    d = jnp.where(batch[:, None] != batch[None, :], jnp.inf, d)
    _, idx = jax.lax.top_k(-d, k)
    return idx

def edge_conv(xf, idx, mlp_fn):
    xj = xf[idx]
    xi = jnp.broadcast_to(xf[:, None, :], xj.shape)
    e = jnp.concatenate([xi, xj - xi], axis=-1)
    return jnp.sum(mlp_fn(e), axis=1)

def setup_inputs(seed: int = 0):
    key = jax.random.key(seed)
    ks = jax.random.split(key, 12)
    x = jax.random.normal(ks[0], (N, 1), dtype=jnp.float32)
    pos = jax.random.normal(ks[1], (N, 3), dtype=jnp.float32)
    batch = jnp.sort(jax.random.randint(ks[2], (N,), 0, NUM_GRAPHS)).astype(jnp.int32)
    W1, b1 = _lin_init(ks[3], 8, 64)
    W2, b2 = _lin_init(ks[4], 64, 64)
    W3, b3 = _lin_init(ks[5], 64, 64)
    W4, b4 = _lin_init(ks[6], 128, 128)
    Wl, bl = _lin_init(ks[7], 192, 1024)
    Wm1, bm1 = _lin_init(ks[8], 1024, 512)
    Wm2, bm2 = _lin_init(ks[9], 512, 256)
    Wm3, bm3 = _lin_init(ks[10], 256, 40)
    return {"x": x, "pos": pos, "batch": batch,
            "W1": W1, "b1": b1, "W2": W2, "b2": b2, "W3": W3, "b3": b3,
            "W4": W4, "b4": b4, "Wl": Wl, "bl": bl,
            "Wm1": Wm1, "bm1": bm1, "Wm2": Wm2, "bm2": bm2, "Wm3": Wm3, "bm3": bm3}

def reference(x, pos, batch, W1, b1, W2, b2, W3, b3, W4, b4, Wl, bl, Wm1, bm1, Wm2, bm2, Wm3, bm3):
    xx = jnp.concatenate([x, pos], axis=1)
    def mlp1(e):
        h = jax.nn.relu(e @ W1 + b1)
        h = jax.nn.relu(h @ W2 + b2)
        return jax.nn.relu(h @ W3 + b3)
    idx1 = knn_idx(xx, batch, K)
    x1 = edge_conv(xx, idx1, mlp1)
    def mlp2(e):
        return jax.nn.relu(e @ W4 + b4)
    idx2 = knn_idx(x1, batch, K)
    x2 = edge_conv(x1, idx2, mlp2)
    out = jnp.concatenate([x1, x2], axis=1) @ Wl + bl
    pooled = jax.ops.segment_max(out, batch, num_segments=NUM_GRAPHS)
    h = jax.nn.relu(pooled @ Wm1 + bm1)
    h = jax.nn.relu(h @ Wm2 + bm2)
    return h @ Wm3 + bm3

if __name__ == "__main__":
    import jax
    _d = setup_inputs()
    print(jax.jit(kernel)(*tuple(_d.values())))

</pallas_src>

<mosaic_0001>
#map = affine_map<(d0, d1) -> (0, 0)>
#map1 = affine_map<(d0, d1) -> (0)>
module attributes {stable_mosaic.version = 14 : i64} {
  func.func @gather_k(%arg0: i32, %arg1: i32, %arg2: memref<8192x8xf32, #tpu.memory_space<hbm>>, %arg3: memref<40960xi32, #tpu.memory_space<hbm>>, %arg4: memref<40960x8xf32, #tpu.memory_space<hbm>>, %arg5: memref<128xi32, #tpu.memory_space<vmem>>, %arg6: memref<128x8xf32, #tpu.memory_space<vmem>>, %arg7: memref<!tpu.dma_semaphore, #tpu.memory_space<semaphore_mem>>) attributes {dimension_semantics = [#tpu.dimension_semantics<core_parallel>, #tpu.dimension_semantics<subcore_parallel>], iteration_bounds = array<i64: 2, 16>, scalar_prefetch = 0 : i64, scratch_operands = 3 : i64, tpu.core_type = #tpu.core_type<sc_vector_subcore>, window_params = [{transform_indices = #map}, {transform_indices = #map1}, {transform_indices = #map}]} {
    %mul3A = arith.constant 2 : i32
    %mul3A_0 = arith.muli %arg1, %mul3A : i32
    %add3A = arith.addi %mul3A_0, %arg0 : i32
    %mul3A_1 = arith.constant 1280 : i32
    %mul3A_2 = arith.muli %add3A, %mul3A_1 : i32
    %add3A_3 = arith.constant 0 : i32
    %add3A_4 = arith.addi %mul3A_2, %add3A_3 : i32
    "tpu.region"() ({
      %run_scoped3A = tpu.sem_alloc : memref<!tpu.dma_semaphore, #tpu.memory_space<semaphore_mem>>
      %dma_start3A_81 = tpu.memref_slice %arg3[%add3A_4] : memref<40960xi32, #tpu.memory_space<hbm>> -> memref<128xi32, #tpu.memory_space<hbm>>
      %dma_start3A_82 = tpu.memref_slice %arg3[%add3A_4] : memref<40960xi32, #tpu.memory_space<hbm>> -> memref<128xi32, #tpu.memory_space<hbm>>
      tpu.enqueue_dma source(%dma_start3A_82 : memref<128xi32, #tpu.memory_space<hbm>>) target(%arg5 : memref<128xi32, #tpu.memory_space<vmem>>) target_semaphore(%run_scoped3A : memref<!tpu.dma_semaphore, #tpu.memory_space<semaphore_mem>>)
      %dma_wait3A_83 = tpu.memref_slice %arg3[%add3A_4] : memref<40960xi32, #tpu.memory_space<hbm>> -> memref<128xi32, #tpu.memory_space<hbm>>
      %dma_wait3A_84 = tpu.memref_slice %arg3[%add3A_4] : memref<40960xi32, #tpu.memory_space<hbm>> -> memref<128xi32, #tpu.memory_space<hbm>>
      tpu.wait_dma2 semaphore(%run_scoped3A : memref<!tpu.dma_semaphore, #tpu.memory_space<semaphore_mem>>) src(%dma_wait3A_84 : memref<128xi32, #tpu.memory_space<hbm>>) dst(%arg5 : memref<128xi32, #tpu.memory_space<vmem>>)
      tpu.yield
    }) : () -> ()
    %dma_start3A = arith.constant 0 : i32
    %dma_start3A_5 = arith.constant 0 : i32
    %dma_start3A_6 = tpu.memref_slice %arg2[%dma_start3A, %dma_start3A_5] : memref<8192x8xf32, #tpu.memory_space<hbm>> -> memref<8192x8xf32, #tpu.memory_space<hbm>>
    tpu.enqueue_indirect_dma source(%dma_start3A_6 : memref<8192x8xf32, #tpu.memory_space<hbm>>) target(%arg6 : memref<128x8xf32, #tpu.memory_space<vmem>>) offsets(%arg5 : memref<128xi32, #tpu.memory_space<vmem>>) semaphore(%arg7 : memref<!tpu.dma_semaphore, #tpu.memory_space<semaphore_mem>>)
    %dma_wait3A = arith.constant 0 : i32
    %dma_wait3A_7 = arith.constant 0 : i32
    %dma_wait3A_8 = tpu.memref_slice %arg2[%dma_wait3A, %dma_wait3A_7] : memref<8192x8xf32, #tpu.memory_space<hbm>> -> memref<8192x8xf32, #tpu.memory_space<hbm>>
    tpu.wait_indirect_dma semaphore(%arg7 : memref<!tpu.dma_semaphore, #tpu.memory_space<semaphore_mem>>) src(%dma_wait3A_8 : memref<8192x8xf32, #tpu.memory_space<hbm>>) dst(%arg6 : memref<128x8xf32, #tpu.memory_space<vmem>>)
    "tpu.region"() ({
      %run_scoped3A = tpu.sem_alloc : memref<!tpu.dma_semaphore, #tpu.memory_space<semaphore_mem>>
      %dma_start3A_81 = arith.constant 0 : i32
      %dma_start3A_82 = tpu.memref_slice %arg4[%add3A_4, %dma_start3A_81] : memref<40960x8xf32, #tpu.memory_space<hbm>> -> memref<128x8xf32, #tpu.memory_space<hbm>>
      %dma_start3A_83 = arith.constant 0 : i32
      %dma_start3A_84 = tpu.memref_slice %arg4[%add3A_4, %dma_start3A_83] : memref<40960x8xf32, #tpu.memory_space<hbm>> -> memref<128x8xf32, #tpu.memory_space<hbm>>
      tpu.enqueue_dma source(%arg6 : memref<128x8xf32, #tpu.memory_space<vmem>>) target(%dma_start3A_84 : memref<128x8xf32, #tpu.memory_space<hbm>>) target_semaphore(%run_scoped3A : memref<!tpu.dma_semaphore, #tpu.memory_space<semaphore_mem>>)
      %dma_wait3A_85 = arith.constant 0 : i32
      %dma_wait3A_86 = tpu.memref_slice %arg4[%add3A_4, %dma_wait3A_85] : memref<40960x8xf32, #tpu.memory_space<hbm>> -> memref<128x8xf32, #tpu.memory_space<hbm>>
      %dma_wait3A_87 = arith.constant 0 : i32
      %dma_wait3A_88 = tpu.memref_slice %arg4[%add3A_4, %dma_wait3A_87] : memref<40960x8xf32, #tpu.memory_space<hbm>> -> memref<128x8xf32, #tpu.memory_space<hbm>>
      tpu.wait_dma2 semaphore(%run_scoped3A : memref<!tpu.dma_semaphore, #tpu.memory_space<semaphore_mem>>) src(%arg6 : memref<128x8xf32, #tpu.memory_space<vmem>>) dst(%dma_wait3A_88 : memref<128x8xf32, #tpu.memory_space<hbm>>)
      tpu.yield
    }) : () -> ()
    %add3A_9 = arith.constant 128 : i32
    %add3A_10 = arith.addi %mul3A_2, %add3A_9 : i32
    "tpu.region"() ({
      %run_scoped3A = tpu.sem_alloc : memref<!tpu.dma_semaphore, #tpu.memory_space<semaphore_mem>>
      %dma_start3A_81 = tpu.memref_slice %arg3[%add3A_10] : memref<40960xi32, #tpu.memory_space<hbm>> -> memref<128xi32, #tpu.memory_space<hbm>>
      %dma_start3A_82 = tpu.memref_slice %arg3[%add3A_10] : memref<40960xi32, #tpu.memory_space<hbm>> -> memref<128xi32, #tpu.memory_space<hbm>>
      tpu.enqueue_dma source(%dma_start3A_82 : memref<128xi32, #tpu.memory_space<hbm>>) target(%arg5 : memref<128xi32, #tpu.memory_space<vmem>>) target_semaphore(%run_scoped3A : memref<!tpu.dma_semaphore, #tpu.memory_space<semaphore_mem>>)
      %dma_wait3A_83 = tpu.memref_slice %arg3[%add3A_10] : memref<40960xi32, #tpu.memory_space<hbm>> -> memref<128xi32, #tpu.memory_space<hbm>>
      %dma_wait3A_84 = tpu.memref_slice %arg3[%add3A_10] : memref<40960xi32, #tpu.memory_space<hbm>> -> memref<128xi32, #tpu.memory_space<hbm>>
      tpu.wait_dma2 semaphore(%run_scoped3A : memref<!tpu.dma_semaphore, #tpu.memory_space<semaphore_mem>>) src(%dma_wait3A_84 : memref<128xi32, #tpu.memory_space<hbm>>) dst(%arg5 : memref<128xi32, #tpu.memory_space<vmem>>)
      tpu.yield
    }) : () -> ()
    %dma_start3A_11 = arith.constant 0 : i32
    %dma_start3A_12 = arith.constant 0 : i32
    %dma_start3A_13 = tpu.memref_slice %arg2[%dma_start3A_11, %dma_start3A_12] : memref<8192x8xf32, #tpu.memory_space<hbm>> -> memref<8192x8xf32, #tpu.memory_space<hbm>>
    tpu.enqueue_indirect_dma source(%dma_start3A_13 : memref<8192x8xf32, #tpu.memory_space<hbm>>) target(%arg6 : memref<128x8xf32, #tpu.memory_space<vmem>>) offsets(%arg5 : memref<128xi32, #tpu.memory_space<vmem>>) semaphore(%arg7 : memref<!tpu.dma_semaphore, #tpu.memory_space<semaphore_mem>>)
    %dma_wait3A_14 = arith.constant 0 : i32
    %dma_wait3A_15 = arith.constant 0 : i32
    %dma_wait3A_16 = tpu.memref_slice %arg2[%dma_wait3A_14, %dma_wait3A_15] : memref<8192x8xf32, #tpu.memory_space<hbm>> -> memref<8192x8xf32, #tpu.memory_space<hbm>>
    tpu.wait_indirect_dma semaphore(%arg7 : memref<!tpu.dma_semaphore, #tpu.memory_space<semaphore_mem>>) src(%dma_wait3A_16 : memref<8192x8xf32, #tpu.memory_space<hbm>>) dst(%arg6 : memref<128x8xf32, #tpu.memory_space<vmem>>)
    "tpu.region"() ({
      %run_scoped3A = tpu.sem_alloc : memref<!tpu.dma_semaphore, #tpu.memory_space<semaphore_mem>>
      %dma_start3A_81 = arith.constant 0 : i32
      %dma_start3A_82 = tpu.memref_slice %arg4[%add3A_10, %dma_start3A_81] : memref<40960x8xf32, #tpu.memory_space<hbm>> -> memref<128x8xf32, #tpu.memory_space<hbm>>
      %dma_start3A_83 = arith.constant 0 : i32
      %dma_start3A_84 = tpu.memref_slice %arg4[%add3A_10, %dma_start3A_83] : memref<40960x8xf32, #tpu.memory_space<hbm>> -> memref<128x8xf32, #tpu.memory_space<hbm>>
      tpu.enqueue_dma source(%arg6 : memref<128x8xf32, #tpu.memory_space<vmem>>) target(%dma_start3A_84 : memref<128x8xf32, #tpu.memory_space<hbm>>) target_semaphore(%run_scoped3A : memref<!tpu.dma_semaphore, #tpu.memory_space<semaphore_mem>>)
      %dma_wait3A_85 = arith.constant 0 : i32
      %dma_wait3A_86 = tpu.memref_slice %arg4[%add3A_10, %dma_wait3A_85] : memref<40960x8xf32, #tpu.memory_space<hbm>> -> memref<128x8xf32, #tpu.memory_space<hbm>>
      %dma_wait3A_87 = arith.constant 0 : i32
      %dma_wait3A_88 = tpu.memref_slice %arg4[%add3A_10, %dma_wait3A_87] : memref<40960x8xf32, #tpu.memory_space<hbm>> -> memref<128x8xf32, #tpu.memory_space<hbm>>
      tpu.wait_dma2 semaphore(%run_scoped3A : memref<!tpu.dma_semaphore, #tpu.memory_space<semaphore_mem>>) src(%arg6 : memref<128x8xf32, #tpu.memory_space<vmem>>) dst(%dma_wait3A_88 : memref<128x8xf32, #tpu.memory_space<hbm>>)
      tpu.yield
    }) : () -> ()
    %add3A_17 = arith.constant 256 : i32
    %add3A_18 = arith.addi %mul3A_2, %add3A_17 : i32
    "tpu.region"() ({
      %run_scoped3A = tpu.sem_alloc : memref<!tpu.dma_semaphore, #tpu.memory_space<semaphore_mem>>
      %dma_start3A_81 = tpu.memref_slice %arg3[%add3A_18] : memref<40960xi32, #tpu.memory_space<hbm>> -> memref<128xi32, #tpu.memory_space<hbm>>
      %dma_start3A_82 = tpu.memref_slice %arg3[%add3A_18] : memref<40960xi32, #tpu.memory_space<hbm>> -> memref<128xi32, #tpu.memory_space<hbm>>
      tpu.enqueue_dma source(%dma_start3A_82 : memref<128xi32, #tpu.memory_space<hbm>>) target(%arg5 : memref<128xi32, #tpu.memory_space<vmem>>) target_semaphore(%run_scoped3A : memref<!tpu.dma_semaphore, #tpu.memory_space<semaphore_mem>>)
      %dma_wait3A_83 = tpu.memref_slice %arg3[%add3A_18] : memref<40960xi32, #tpu.memory_space<hbm>> -> memref<128xi32, #tpu.memory_space<hbm>>
      %dma_wait3A_84 = tpu.memref_slice %arg3[%add3A_18] : memref<40960xi32, #tpu.memory_space<hbm>> -> memref<128xi32, #tpu.memory_space<hbm>>
      tpu.wait_dma2 semaphore(%run_scoped3A : memref<!tpu.dma_semaphore, #tpu.memory_space<semaphore_mem>>) src(%dma_wait3A_84 : memref<128xi32, #tpu.memory_space<hbm>>) dst(%arg5 : memref<128xi32, #tpu.memory_space<vmem>>)
      tpu.yield
    }) : () -> ()
    %dma_start3A_19 = arith.constant 0 : i32
    %dma_start3A_20 = arith.constant 0 : i32
    %dma_start3A_21 = tpu.memref_slice %arg2[%dma_start3A_19, %dma_start3A_20] : memref<8192x8xf32, #tpu.memory_space<hbm>> -> memref<8192x8xf32, #tpu.memory_space<hbm>>
    tpu.enqueue_indirect_dma source(%dma_start3A_21 : memref<8192x8xf32, #tpu.memory_space<hbm>>) target(%arg6 : memref<128x8xf32, #tpu.memory_space<vmem>>) offsets(%arg5 : memref<128xi32, #tpu.memory_space<vmem>>) semaphore(%arg7 : memref<!tpu.dma_semaphore, #tpu.memory_space<semaphore_mem>>)
    %dma_wait3A_22 = arith.constant 0 : i32
    %dma_wait3A_23 = arith.constant 0 : i32
    %dma_wait3A_24 = tpu.memref_slice %arg2[%dma_wait3A_22, %dma_wait3A_23] : memref<8192x8xf32, #tpu.memory_space<hbm>> -> memref<8192x8xf32, #tpu.memory_space<hbm>>
    tpu.wait_indirect_dma semaphore(%arg7 : memref<!tpu.dma_semaphore, #tpu.memory_space<semaphore_mem>>) src(%dma_wait3A_24 : memref<8192x8xf32, #tpu.memory_space<hbm>>) dst(%arg6 : memref<128x8xf32, #tpu.memory_space<vmem>>)
    "tpu.region"() ({
      %run_scoped3A = tpu.sem_alloc : memref<!tpu.dma_semaphore, #tpu.memory_space<semaphore_mem>>
      %dma_start3A_81 = arith.constant 0 : i32
      %dma_start3A_82 = tpu.memref_slice %arg4[%add3A_18, %dma_start3A_81] : memref<40960x8xf32, #tpu.memory_space<hbm>> -> memref<128x8xf32, #tpu.memory_space<hbm>>
      %dma_start3A_83 = arith.constant 0 : i32
      %dma_start3A_84 = tpu.memref_slice %arg4[%add3A_18, %dma_start3A_83] : memref<40960x8xf32, #tpu.memory_space<hbm>> -> memref<128x8xf32, #tpu.memory_space<hbm>>
      tpu.enqueue_dma source(%arg6 : memref<128x8xf32, #tpu.memory_space<vmem>>) target(%dma_start3A_84 : memref<128x8xf32, #tpu.memory_space<hbm>>) target_semaphore(%run_scoped3A : memref<!tpu.dma_semaphore, #tpu.memory_space<semaphore_mem>>)
      %dma_wait3A_85 = arith.constant 0 : i32
      %dma_wait3A_86 = tpu.memref_slice %arg4[%add3A_18, %dma_wait3A_85] : memref<40960x8xf32, #tpu.memory_space<hbm>> -> memref<128x8xf32, #tpu.memory_space<hbm>>
      %dma_wait3A_87 = arith.constant 0 : i32
      %dma_wait3A_88 = tpu.memref_slice %arg4[%add3A_18, %dma_wait3A_87] : memref<40960x8xf32, #tpu.memory_space<hbm>> -> memref<128x8xf32, #tpu.memory_space<hbm>>
      tpu.wait_dma2 semaphore(%run_scoped3A : memref<!tpu.dma_semaphore, #tpu.memory_space<semaphore_mem>>) src(%arg6 : memref<128x8xf32, #tpu.memory_space<vmem>>) dst(%dma_wait3A_88 : memref<128x8xf32, #tpu.memory_space<hbm>>)
      tpu.yield
    }) : () -> ()
    %add3A_25 = arith.constant 384 : i32
    %add3A_26 = arith.addi %mul3A_2, %add3A_25 : i32
    "tpu.region"() ({
      %run_scoped3A = tpu.sem_alloc : memref<!tpu.dma_semaphore, #tpu.memory_space<semaphore_mem>>
      %dma_start3A_81 = tpu.memref_slice %arg3[%add3A_26] : memref<40960xi32, #tpu.memory_space<hbm>> -> memref<128xi32, #tpu.memory_space<hbm>>
      %dma_start3A_82 = tpu.memref_slice %arg3[%add3A_26] : memref<40960xi32, #tpu.memory_space<hbm>> -> memref<128xi32, #tpu.memory_space<hbm>>
      tpu.enqueue_dma source(%dma_start3A_82 : memref<128xi32, #tpu.memory_space<hbm>>) target(%arg5 : memref<128xi32, #tpu.memory_space<vmem>>) target_semaphore(%run_scoped3A : memref<!tpu.dma_semaphore, #tpu.memory_space<semaphore_mem>>)
      %dma_wait3A_83 = tpu.memref_slice %arg3[%add3A_26] : memref<40960xi32, #tpu.memory_space<hbm>> -> memref<128xi32, #tpu.memory_space<hbm>>
      %dma_wait3A_84 = tpu.memref_slice %arg3[%add3A_26] : memref<40960xi32, #tpu.memory_space<hbm>> -> memref<128xi32, #tpu.memory_space<hbm>>
      tpu.wait_dma2 semaphore(%run_scoped3A : memref<!tpu.dma_semaphore, #tpu.memory_space<semaphore_mem>>) src(%dma_wait3A_84 : memref<128xi32, #tpu.memory_space<hbm>>) dst(%arg5 : memref<128xi32, #tpu.memory_space<vmem>>)
      tpu.yield
    }) : () -> ()
    %dma_start3A_27 = arith.constant 0 : i32
    %dma_start3A_28 = arith.constant 0 : i32
    %dma_start3A_29 = tpu.memref_slice %arg2[%dma_start3A_27, %dma_start3A_28] : memref<8192x8xf32, #tpu.memory_space<hbm>> -> memref<8192x8xf32, #tpu.memory_space<hbm>>
    tpu.enqueue_indirect_dma source(%dma_start3A_29 : memref<8192x8xf32, #tpu.memory_space<hbm>>) target(%arg6 : memref<128x8xf32, #tpu.memory_space<vmem>>) offsets(%arg5 : memref<128xi32, #tpu.memory_space<vmem>>) semaphore(%arg7 : memref<!tpu.dma_semaphore, #tpu.memory_space<semaphore_mem>>)
    %dma_wait3A_30 = arith.constant 0 : i32
    %dma_wait3A_31 = arith.constant 0 : i32
    %dma_wait3A_32 = tpu.memref_slice %arg2[%dma_wait3A_30, %dma_wait3A_31] : memref<8192x8xf32, #tpu.memory_space<hbm>> -> memref<8192x8xf32, #tpu.memory_space<hbm>>
    tpu.wait_indirect_dma semaphore(%arg7 : memref<!tpu.dma_semaphore, #tpu.memory_space<semaphore_mem>>) src(%dma_wait3A_32 : memref<8192x8xf32, #tpu.memory_space<hbm>>) dst(%arg6 : memref<128x8xf32, #tpu.memory_space<vmem>>)
    "tpu.region"() ({
      %run_scoped3A = tpu.sem_alloc : memref<!tpu.dma_semaphore, #tpu.memory_space<semaphore_mem>>
      %dma_start3A_81 = arith.constant 0 : i32
      %dma_start3A_82 = tpu.memref_slice %arg4[%add3A_26, %dma_start3A_81] : memref<40960x8xf32, #tpu.memory_space<hbm>> -> memref<128x8xf32, #tpu.memory_space<hbm>>
      %dma_start3A_83 = arith.constant 0 : i32
      %dma_start3A_84 = tpu.memref_slice %arg4[%add3A_26, %dma_start3A_83] : memref<40960x8xf32, #tpu.memory_space<hbm>> -> memref<128x8xf32, #tpu.memory_space<hbm>>
      tpu.enqueue_dma source(%arg6 : memref<128x8xf32, #tpu.memory_space<vmem>>) target(%dma_start3A_84 : memref<128x8xf32, #tpu.memory_space<hbm>>) target_semaphore(%run_scoped3A : memref<!tpu.dma_semaphore, #tpu.memory_space<semaphore_mem>>)
      %dma_wait3A_85 = arith.constant 0 : i32
      %dma_wait3A_86 = tpu.memref_slice %arg4[%add3A_26, %dma_wait3A_85] : memref<40960x8xf32, #tpu.memory_space<hbm>> -> memref<128x8xf32, #tpu.memory_space<hbm>>
      %dma_wait3A_87 = arith.constant 0 : i32
      %dma_wait3A_88 = tpu.memref_slice %arg4[%add3A_26, %dma_wait3A_87] : memref<40960x8xf32, #tpu.memory_space<hbm>> -> memref<128x8xf32, #tpu.memory_space<hbm>>
      tpu.wait_dma2 semaphore(%run_scoped3A : memref<!tpu.dma_semaphore, #tpu.memory_space<semaphore_mem>>) src(%arg6 : memref<128x8xf32, #tpu.memory_space<vmem>>) dst(%dma_wait3A_88 : memref<128x8xf32, #tpu.memory_space<hbm>>)
      tpu.yield
    }) : () -> ()
    %add3A_33 = arith.constant 512 : i32
    %add3A_34 = arith.addi %mul3A_2, %add3A_33 : i32
    "tpu.region"() ({
      %run_scoped3A = tpu.sem_alloc : memref<!tpu.dma_semaphore, #tpu.memory_space<semaphore_mem>>
      %dma_start3A_81 = tpu.memref_slice %arg3[%add3A_34] : memref<40960xi32, #tpu.memory_space<hbm>> -> memref<128xi32, #tpu.memory_space<hbm>>
      %dma_start3A_82 = tpu.memref_slice %arg3[%add3A_34] : memref<40960xi32, #tpu.memory_space<hbm>> -> memref<128xi32, #tpu.memory_space<hbm>>
      tpu.enqueue_dma source(%dma_start3A_82 : memref<128xi32, #tpu.memory_space<hbm>>) target(%arg5 : memref<128xi32, #tpu.memory_space<vmem>>) target_semaphore(%run_scoped3A : memref<!tpu.dma_semaphore, #tpu.memory_space<semaphore_mem>>)
      %dma_wait3A_83 = tpu.memref_slice %arg3[%add3A_34] : memref<40960xi32, #tpu.memory_space<hbm>> -> memref<128xi32, #tpu.memory_space<hbm>>
      %dma_wait3A_84 = tpu.memref_slice %arg3[%add3A_34] : memref<40960xi32, #tpu.memory_space<hbm>> -> memref<128xi32, #tpu.memory_space<hbm>>
      tpu.wait_dma2 semaphore(%run_scoped3A : memref<!tpu.dma_semaphore, #tpu.memory_space<semaphore_mem>>) src(%dma_wait3A_84 : memref<128xi32, #tpu.memory_space<hbm>>) dst(%arg5 : memref<128xi32, #tpu.memory_space<vmem>>)
      tpu.yield
    }) : () -> ()
    %dma_start3A_35 = arith.constant 0 : i32
    %dma_start3A_36 = arith.constant 0 : i32
    %dma_start3A_37 = tpu.memref_slice %arg2[%dma_start3A_35, %dma_start3A_36] : memref<8192x8xf32, #tpu.memory_space<hbm>> -> memref<8192x8xf32, #tpu.memory_space<hbm>>
    tpu.enqueue_indirect_dma source(%dma_start3A_37 : memref<8192x8xf32, #tpu.memory_space<hbm>>) target(%arg6 : memref<128x8xf32, #tpu.memory_space<vmem>>) offsets(%arg5 : memref<128xi32, #tpu.memory_space<vmem>>) semaphore(%arg7 : memref<!tpu.dma_semaphore, #tpu.memory_space<semaphore_mem>>)
    %dma_wait3A_38 = arith.constant 0 : i32
    %dma_wait3A_39 = arith.constant 0 : i32
    %dma_wait3A_40 = tpu.memref_slice %arg2[%dma_wait3A_38, %dma_wait3A_39] : memref<8192x8xf32, #tpu.memory_space<hbm>> -> memref<8192x8xf32, #tpu.memory_space<hbm>>
    tpu.wait_indirect_dma semaphore(%arg7 : memref<!tpu.dma_semaphore, #tpu.memory_space<semaphore_mem>>) src(%dma_wait3A_40 : memref<8192x8xf32, #tpu.memory_space<hbm>>) dst(%arg6 : memref<128x8xf32, #tpu.memory_space<vmem>>)
    "tpu.region"() ({
      %run_scoped3A = tpu.sem_alloc : memref<!tpu.dma_semaphore, #tpu.memory_space<semaphore_mem>>
      %dma_start3A_81 = arith.constant 0 : i32
      %dma_start3A_82 = tpu.memref_slice %arg4[%add3A_34, %dma_start3A_81] : memref<40960x8xf32, #tpu.memory_space<hbm>> -> memref<128x8xf32, #tpu.memory_space<hbm>>
      %dma_start3A_83 = arith.constant 0 : i32
      %dma_start3A_84 = tpu.memref_slice %arg4[%add3A_34, %dma_start3A_83] : memref<40960x8xf32, #tpu.memory_space<hbm>> -> memref<128x8xf32, #tpu.memory_space<hbm>>
      tpu.enqueue_dma source(%arg6 : memref<128x8xf32, #tpu.memory_space<vmem>>) target(%dma_start3A_84 : memref<128x8xf32, #tpu.memory_space<hbm>>) target_semaphore(%run_scoped3A : memref<!tpu.dma_semaphore, #tpu.memory_space<semaphore_mem>>)
      %dma_wait3A_85 = arith.constant 0 : i32
      %dma_wait3A_86 = tpu.memref_slice %arg4[%add3A_34, %dma_wait3A_85] : memref<40960x8xf32, #tpu.memory_space<hbm>> -> memref<128x8xf32, #tpu.memory_space<hbm>>
      %dma_wait3A_87 = arith.constant 0 : i32
      %dma_wait3A_88 = tpu.memref_slice %arg4[%add3A_34, %dma_wait3A_87] : memref<40960x8xf32, #tpu.memory_space<hbm>> -> memref<128x8xf32, #tpu.memory_space<hbm>>
      tpu.wait_dma2 semaphore(%run_scoped3A : memref<!tpu.dma_semaphore, #tpu.memory_space<semaphore_mem>>) src(%arg6 : memref<128x8xf32, #tpu.memory_space<vmem>>) dst(%dma_wait3A_88 : memref<128x8xf32, #tpu.memory_space<hbm>>)
      tpu.yield
    }) : () -> ()
    %add3A_41 = arith.constant 640 : i32
    %add3A_42 = arith.addi %mul3A_2, %add3A_41 : i32
    "tpu.region"() ({
      %run_scoped3A = tpu.sem_alloc : memref<!tpu.dma_semaphore, #tpu.memory_space<semaphore_mem>>
      %dma_start3A_81 = tpu.memref_slice %arg3[%add3A_42] : memref<40960xi32, #tpu.memory_space<hbm>> -> memref<128xi32, #tpu.memory_space<hbm>>
      %dma_start3A_82 = tpu.memref_slice %arg3[%add3A_42] : memref<40960xi32, #tpu.memory_space<hbm>> -> memref<128xi32, #tpu.memory_space<hbm>>
      tpu.enqueue_dma source(%dma_start3A_82 : memref<128xi32, #tpu.memory_space<hbm>>) target(%arg5 : memref<128xi32, #tpu.memory_space<vmem>>) target_semaphore(%run_scoped3A : memref<!tpu.dma_semaphore, #tpu.memory_space<semaphore_mem>>)
      %dma_wait3A_83 = tpu.memref_slice %arg3[%add3A_42] : memref<40960xi32, #tpu.memory_space<hbm>> -> memref<128xi32, #tpu.memory_space<hbm>>
      %dma_wait3A_84 = tpu.memref_slice %arg3[%add3A_42] : memref<40960xi32, #tpu.memory_space<hbm>> -> memref<128xi32, #tpu.memory_space<hbm>>
      tpu.wait_dma2 semaphore(%run_scoped3A : memref<!tpu.dma_semaphore, #tpu.memory_space<semaphore_mem>>) src(%dma_wait3A_84 : memref<128xi32, #tpu.memory_space<hbm>>) dst(%arg5 : memref<128xi32, #tpu.memory_space<vmem>>)
      tpu.yield
    }) : () -> ()
    %dma_start3A_43 = arith.constant 0 : i32
    %dma_start3A_44 = arith.constant 0 : i32
    %dma_start3A_45 = tpu.memref_slice %arg2[%dma_start3A_43, %dma_start3A_44] : memref<8192x8xf32, #tpu.memory_space<hbm>> -> memref<8192x8xf32, #tpu.memory_space<hbm>>
    tpu.enqueue_indirect_dma source(%dma_start3A_45 : memref<8192x8xf32, #tpu.memory_space<hbm>>) target(%arg6 : memref<128x8xf32, #tpu.memory_space<vmem>>) offsets(%arg5 : memref<128xi32, #tpu.memory_space<vmem>>) semaphore(%arg7 : memref<!tpu.dma_semaphore, #tpu.memory_space<semaphore_mem>>)
    %dma_wait3A_46 = arith.constant 0 : i32
    %dma_wait3A_47 = arith.constant 0 : i32
    %dma_wait3A_48 = tpu.memref_slice %arg2[%dma_wait3A_46, %dma_wait3A_47] : memref<8192x8xf32, #tpu.memory_space<hbm>> -> memref<8192x8xf32, #tpu.memory_space<hbm>>
    tpu.wait_indirect_dma semaphore(%arg7 : memref<!tpu.dma_semaphore, #tpu.memory_space<semaphore_mem>>) src(%dma_wait3A_48 : memref<8192x8xf32, #tpu.memory_space<hbm>>) dst(%arg6 : memref<128x8xf32, #tpu.memory_space<vmem>>)
    "tpu.region"() ({
      %run_scoped3A = tpu.sem_alloc : memref<!tpu.dma_semaphore, #tpu.memory_space<semaphore_mem>>
      %dma_start3A_81 = arith.constant 0 : i32
      %dma_start3A_82 = tpu.memref_slice %arg4[%add3A_42, %dma_start3A_81] : memref<40960x8xf32, #tpu.memory_space<hbm>> -> memref<128x8xf32, #tpu.memory_space<hbm>>
      %dma_start3A_83 = arith.constant 0 : i32
      %dma_start3A_84 = tpu.memref_slice %arg4[%add3A_42, %dma_start3A_83] : memref<40960x8xf32, #tpu.memory_space<hbm>> -> memref<128x8xf32, #tpu.memory_space<hbm>>
      tpu.enqueue_dma source(%arg6 : memref<128x8xf32, #tpu.memory_space<vmem>>) target(%dma_start3A_84 : memref<128x8xf32, #tpu.memory_space<hbm>>) target_semaphore(%run_scoped3A : memref<!tpu.dma_semaphore, #tpu.memory_space<semaphore_mem>>)
      %dma_wait3A_85 = arith.constant 0 : i32
      %dma_wait3A_86 = tpu.memref_slice %arg4[%add3A_42, %dma_wait3A_85] : memref<40960x8xf32, #tpu.memory_space<hbm>> -> memref<128x8xf32, #tpu.memory_space<hbm>>
      %dma_wait3A_87 = arith.constant 0 : i32
      %dma_wait3A_88 = tpu.memref_slice %arg4[%add3A_42, %dma_wait3A_87] : memref<40960x8xf32, #tpu.memory_space<hbm>> -> memref<128x8xf32, #tpu.memory_space<hbm>>
      tpu.wait_dma2 semaphore(%run_scoped3A : memref<!tpu.dma_semaphore, #tpu.memory_space<semaphore_mem>>) src(%arg6 : memref<128x8xf32, #tpu.memory_space<vmem>>) dst(%dma_wait3A_88 : memref<128x8xf32, #tpu.memory_space<hbm>>)
      tpu.yield
    }) : () -> ()
    %add3A_49 = arith.constant 768 : i32
    %add3A_50 = arith.addi %mul3A_2, %add3A_49 : i32
    "tpu.region"() ({
      %run_scoped3A = tpu.sem_alloc : memref<!tpu.dma_semaphore, #tpu.memory_space<semaphore_mem>>
      %dma_start3A_81 = tpu.memref_slice %arg3[%add3A_50] : memref<40960xi32, #tpu.memory_space<hbm>> -> memref<128xi32, #tpu.memory_space<hbm>>
      %dma_start3A_82 = tpu.memref_slice %arg3[%add3A_50] : memref<40960xi32, #tpu.memory_space<hbm>> -> memref<128xi32, #tpu.memory_space<hbm>>
      tpu.enqueue_dma source(%dma_start3A_82 : memref<128xi32, #tpu.memory_space<hbm>>) target(%arg5 : memref<128xi32, #tpu.memory_space<vmem>>) target_semaphore(%run_scoped3A : memref<!tpu.dma_semaphore, #tpu.memory_space<semaphore_mem>>)
      %dma_wait3A_83 = tpu.memref_slice %arg3[%add3A_50] : memref<40960xi32, #tpu.memory_space<hbm>> -> memref<128xi32, #tpu.memory_space<hbm>>
      %dma_wait3A_84 = tpu.memref_slice %arg3[%add3A_50] : memref<40960xi32, #tpu.memory_space<hbm>> -> memref<128xi32, #tpu.memory_space<hbm>>
      tpu.wait_dma2 semaphore(%run_scoped3A : memref<!tpu.dma_semaphore, #tpu.memory_space<semaphore_mem>>) src(%dma_wait3A_84 : memref<128xi32, #tpu.memory_space<hbm>>) dst(%arg5 : memref<128xi32, #tpu.memory_space<vmem>>)
      tpu.yield
    }) : () -> ()
    %dma_start3A_51 = arith.constant 0 : i32
    %dma_start3A_52 = arith.constant 0 : i32
    %dma_start3A_53 = tpu.memref_slice %arg2[%dma_start3A_51, %dma_start3A_52] : memref<8192x8xf32, #tpu.memory_space<hbm>> -> memref<8192x8xf32, #tpu.memory_space<hbm>>
    tpu.enqueue_indirect_dma source(%dma_start3A_53 : memref<8192x8xf32, #tpu.memory_space<hbm>>) target(%arg6 : memref<128x8xf32, #tpu.memory_space<vmem>>) offsets(%arg5 : memref<128xi32, #tpu.memory_space<vmem>>) semaphore(%arg7 : memref<!tpu.dma_semaphore, #tpu.memory_space<semaphore_mem>>)
    %dma_wait3A_54 = arith.constant 0 : i32
    %dma_wait3A_55 = arith.constant 0 : i32
    %dma_wait3A_56 = tpu.memref_slice %arg2[%dma_wait3A_54, %dma_wait3A_55] : memref<8192x8xf32, #tpu.memory_space<hbm>> -> memref<8192x8xf32, #tpu.memory_space<hbm>>
    tpu.wait_indirect_dma semaphore(%arg7 : memref<!tpu.dma_semaphore, #tpu.memory_space<semaphore_mem>>) src(%dma_wait3A_56 : memref<8192x8xf32, #tpu.memory_space<hbm>>) dst(%arg6 : memref<128x8xf32, #tpu.memory_space<vmem>>)
    "tpu.region"() ({
      %run_scoped3A = tpu.sem_alloc : memref<!tpu.dma_semaphore, #tpu.memory_space<semaphore_mem>>
      %dma_start3A_81 = arith.constant 0 : i32
      %dma_start3A_82 = tpu.memref_slice %arg4[%add3A_50, %dma_start3A_81] : memref<40960x8xf32, #tpu.memory_space<hbm>> -> memref<128x8xf32, #tpu.memory_space<hbm>>
      %dma_start3A_83 = arith.constant 0 : i32
      %dma_start3A_84 = tpu.memref_slice %arg4[%add3A_50, %dma_start3A_83] : memref<40960x8xf32, #tpu.memory_space<hbm>> -> memref<128x8xf32, #tpu.memory_space<hbm>>
      tpu.enqueue_dma source(%arg6 : memref<128x8xf32, #tpu.memory_space<vmem>>) target(%dma_start3A_84 : memref<128x8xf32, #tpu.memory_space<hbm>>) target_semaphore(%run_scoped3A : memref<!tpu.dma_semaphore, #tpu.memory_space<semaphore_mem>>)
      %dma_wait3A_85 = arith.constant 0 : i32
      %dma_wait3A_86 = tpu.memref_slice %arg4[%add3A_50, %dma_wait3A_85] : memref<40960x8xf32, #tpu.memory_space<hbm>> -> memref<128x8xf32, #tpu.memory_space<hbm>>
      %dma_wait3A_87 = arith.constant 0 : i32
      %dma_wait3A_88 = tpu.memref_slice %arg4[%add3A_50, %dma_wait3A_87] : memref<40960x8xf32, #tpu.memory_space<hbm>> -> memref<128x8xf32, #tpu.memory_space<hbm>>
      tpu.wait_dma2 semaphore(%run_scoped3A : memref<!tpu.dma_semaphore, #tpu.memory_space<semaphore_mem>>) src(%arg6 : memref<128x8xf32, #tpu.memory_space<vmem>>) dst(%dma_wait3A_88 : memref<128x8xf32, #tpu.memory_space<hbm>>)
      tpu.yield
    }) : () -> ()
    %add3A_57 = arith.constant 896 : i32
    %add3A_58 = arith.addi %mul3A_2, %add3A_57 : i32
    "tpu.region"() ({
      %run_scoped3A = tpu.sem_alloc : memref<!tpu.dma_semaphore, #tpu.memory_space<semaphore_mem>>
      %dma_start3A_81 = tpu.memref_slice %arg3[%add3A_58] : memref<40960xi32, #tpu.memory_space<hbm>> -> memref<128xi32, #tpu.memory_space<hbm>>
      %dma_start3A_82 = tpu.memref_slice %arg3[%add3A_58] : memref<40960xi32, #tpu.memory_space<hbm>> -> memref<128xi32, #tpu.memory_space<hbm>>
      tpu.enqueue_dma source(%dma_start3A_82 : memref<128xi32, #tpu.memory_space<hbm>>) target(%arg5 : memref<128xi32, #tpu.memory_space<vmem>>) target_semaphore(%run_scoped3A : memref<!tpu.dma_semaphore, #tpu.memory_space<semaphore_mem>>)
      %dma_wait3A_83 = tpu.memref_slice %arg3[%add3A_58] : memref<40960xi32, #tpu.memory_space<hbm>> -> memref<128xi32, #tpu.memory_space<hbm>>
      %dma_wait3A_84 = tpu.memref_slice %arg3[%add3A_58] : memref<40960xi32, #tpu.memory_space<hbm>> -> memref<128xi32, #tpu.memory_space<hbm>>
      tpu.wait_dma2 semaphore(%run_scoped3A : memref<!tpu.dma_semaphore, #tpu.memory_space<semaphore_mem>>) src(%dma_wait3A_84 : memref<128xi32, #tpu.memory_space<hbm>>) dst(%arg5 : memref<128xi32, #tpu.memory_space<vmem>>)
      tpu.yield
    }) : () -> ()
    %dma_start3A_59 = arith.constant 0 : i32
    %dma_start3A_60 = arith.constant 0 : i32
    %dma_start3A_61 = tpu.memref_slice %arg2[%dma_start3A_59, %dma_start3A_60] : memref<8192x8xf32, #tpu.memory_space<hbm>> -> memref<8192x8xf32, #tpu.memory_space<hbm>>
    tpu.enqueue_indirect_dma source(%dma_start3A_61 : memref<8192x8xf32, #tpu.memory_space<hbm>>) target(%arg6 : memref<128x8xf32, #tpu.memory_space<vmem>>) offsets(%arg5 : memref<128xi32, #tpu.memory_space<vmem>>) semaphore(%arg7 : memref<!tpu.dma_semaphore, #tpu.memory_space<semaphore_mem>>)
    %dma_wait3A_62 = arith.constant 0 : i32
    %dma_wait3A_63 = arith.constant 0 : i32
    %dma_wait3A_64 = tpu.memref_slice %arg2[%dma_wait3A_62, %dma_wait3A_63] : memref<8192x8xf32, #tpu.memory_space<hbm>> -> memref<8192x8xf32, #tpu.memory_space<hbm>>
    tpu.wait_indirect_dma semaphore(%arg7 : memref<!tpu.dma_semaphore, #tpu.memory_space<semaphore_mem>>) src(%dma_wait3A_64 : memref<8192x8xf32, #tpu.memory_space<hbm>>) dst(%arg6 : memref<128x8xf32, #tpu.memory_space<vmem>>)
    "tpu.region"() ({
      %run_scoped3A = tpu.sem_alloc : memref<!tpu.dma_semaphore, #tpu.memory_space<semaphore_mem>>
      %dma_start3A_81 = arith.constant 0 : i32
      %dma_start3A_82 = tpu.memref_slice %arg4[%add3A_58, %dma_start3A_81] : memref<40960x8xf32, #tpu.memory_space<hbm>> -> memref<128x8xf32, #tpu.memory_space<hbm>>
      %dma_start3A_83 = arith.constant 0 : i32
      %dma_start3A_84 = tpu.memref_slice %arg4[%add3A_58, %dma_start3A_83] : memref<40960x8xf32, #tpu.memory_space<hbm>> -> memref<128x8xf32, #tpu.memory_space<hbm>>
      tpu.enqueue_dma source(%arg6 : memref<128x8xf32, #tpu.memory_space<vmem>>) target(%dma_start3A_84 : memref<128x8xf32, #tpu.memory_space<hbm>>) target_semaphore(%run_scoped3A : memref<!tpu.dma_semaphore, #tpu.memory_space<semaphore_mem>>)
      %dma_wait3A_85 = arith.constant 0 : i32
      %dma_wait3A_86 = tpu.memref_slice %arg4[%add3A_58, %dma_wait3A_85] : memref<40960x8xf32, #tpu.memory_space<hbm>> -> memref<128x8xf32, #tpu.memory_space<hbm>>
      %dma_wait3A_87 = arith.constant 0 : i32
      %dma_wait3A_88 = tpu.memref_slice %arg4[%add3A_58, %dma_wait3A_87] : memref<40960x8xf32, #tpu.memory_space<hbm>> -> memref<128x8xf32, #tpu.memory_space<hbm>>
      tpu.wait_dma2 semaphore(%run_scoped3A : memref<!tpu.dma_semaphore, #tpu.memory_space<semaphore_mem>>) src(%arg6 : memref<128x8xf32, #tpu.memory_space<vmem>>) dst(%dma_wait3A_88 : memref<128x8xf32, #tpu.memory_space<hbm>>)
      tpu.yield
    }) : () -> ()
    %add3A_65 = arith.constant 1024 : i32
    %add3A_66 = arith.addi %mul3A_2, %add3A_65 : i32
    "tpu.region"() ({
      %run_scoped3A = tpu.sem_alloc : memref<!tpu.dma_semaphore, #tpu.memory_space<semaphore_mem>>
      %dma_start3A_81 = tpu.memref_slice %arg3[%add3A_66] : memref<40960xi32, #tpu.memory_space<hbm>> -> memref<128xi32, #tpu.memory_space<hbm>>
      %dma_start3A_82 = tpu.memref_slice %arg3[%add3A_66] : memref<40960xi32, #tpu.memory_space<hbm>> -> memref<128xi32, #tpu.memory_space<hbm>>
      tpu.enqueue_dma source(%dma_start3A_82 : memref<128xi32, #tpu.memory_space<hbm>>) target(%arg5 : memref<128xi32, #tpu.memory_space<vmem>>) target_semaphore(%run_scoped3A : memref<!tpu.dma_semaphore, #tpu.memory_space<semaphore_mem>>)
      %dma_wait3A_83 = tpu.memref_slice %arg3[%add3A_66] : memref<40960xi32, #tpu.memory_space<hbm>> -> memref<128xi32, #tpu.memory_space<hbm>>
      %dma_wait3A_84 = tpu.memref_slice %arg3[%add3A_66] : memref<40960xi32, #tpu.memory_space<hbm>> -> memref<128xi32, #tpu.memory_space<hbm>>
      tpu.wait_dma2 semaphore(%run_scoped3A : memref<!tpu.dma_semaphore, #tpu.memory_space<semaphore_mem>>) src(%dma_wait3A_84 : memref<128xi32, #tpu.memory_space<hbm>>) dst(%arg5 : memref<128xi32, #tpu.memory_space<vmem>>)
      tpu.yield
    }) : () -> ()
    %dma_start3A_67 = arith.constant 0 : i32
    %dma_start3A_68 = arith.constant 0 : i32
    %dma_start3A_69 = tpu.memref_slice %arg2[%dma_start3A_67, %dma_start3A_68] : memref<8192x8xf32, #tpu.memory_space<hbm>> -> memref<8192x8xf32, #tpu.memory_space<hbm>>
    tpu.enqueue_indirect_dma source(%dma_start3A_69 : memref<8192x8xf32, #tpu.memory_space<hbm>>) target(%arg6 : memref<128x8xf32, #tpu.memory_space<vmem>>) offsets(%arg5 : memref<128xi32, #tpu.memory_space<vmem>>) semaphore(%arg7 : memref<!tpu.dma_semaphore, #tpu.memory_space<semaphore_mem>>)
    %dma_wait3A_70 = arith.constant 0 : i32
    %dma_wait3A_71 = arith.constant 0 : i32
    %dma_wait3A_72 = tpu.memref_slice %arg2[%dma_wait3A_70, %dma_wait3A_71] : memref<8192x8xf32, #tpu.memory_space<hbm>> -> memref<8192x8xf32, #tpu.memory_space<hbm>>
    tpu.wait_indirect_dma semaphore(%arg7 : memref<!tpu.dma_semaphore, #tpu.memory_space<semaphore_mem>>) src(%dma_wait3A_72 : memref<8192x8xf32, #tpu.memory_space<hbm>>) dst(%arg6 : memref<128x8xf32, #tpu.memory_space<vmem>>)
    "tpu.region"() ({
      %run_scoped3A = tpu.sem_alloc : memref<!tpu.dma_semaphore, #tpu.memory_space<semaphore_mem>>
      %dma_start3A_81 = arith.constant 0 : i32
      %dma_start3A_82 = tpu.memref_slice %arg4[%add3A_66, %dma_start3A_81] : memref<40960x8xf32, #tpu.memory_space<hbm>> -> memref<128x8xf32, #tpu.memory_space<hbm>>
      %dma_start3A_83 = arith.constant 0 : i32
      %dma_start3A_84 = tpu.memref_slice %arg4[%add3A_66, %dma_start3A_83] : memref<40960x8xf32, #tpu.memory_space<hbm>> -> memref<128x8xf32, #tpu.memory_space<hbm>>
      tpu.enqueue_dma source(%arg6 : memref<128x8xf32, #tpu.memory_space<vmem>>) target(%dma_start3A_84 : memref<128x8xf32, #tpu.memory_space<hbm>>) target_semaphore(%run_scoped3A : memref<!tpu.dma_semaphore, #tpu.memory_space<semaphore_mem>>)
      %dma_wait3A_85 = arith.constant 0 : i32
      %dma_wait3A_86 = tpu.memref_slice %arg4[%add3A_66, %dma_wait3A_85] : memref<40960x8xf32, #tpu.memory_space<hbm>> -> memref<128x8xf32, #tpu.memory_space<hbm>>
      %dma_wait3A_87 = arith.constant 0 : i32
      %dma_wait3A_88 = tpu.memref_slice %arg4[%add3A_66, %dma_wait3A_87] : memref<40960x8xf32, #tpu.memory_space<hbm>> -> memref<128x8xf32, #tpu.memory_space<hbm>>
      tpu.wait_dma2 semaphore(%run_scoped3A : memref<!tpu.dma_semaphore, #tpu.memory_space<semaphore_mem>>) src(%arg6 : memref<128x8xf32, #tpu.memory_space<vmem>>) dst(%dma_wait3A_88 : memref<128x8xf32, #tpu.memory_space<hbm>>)
      tpu.yield
    }) : () -> ()
    %add3A_73 = arith.constant 1152 : i32
    %add3A_74 = arith.addi %mul3A_2, %add3A_73 : i32
    "tpu.region"() ({
      %run_scoped3A = tpu.sem_alloc : memref<!tpu.dma_semaphore, #tpu.memory_space<semaphore_mem>>
      %dma_start3A_81 = tpu.memref_slice %arg3[%add3A_74] : memref<40960xi32, #tpu.memory_space<hbm>> -> memref<128xi32, #tpu.memory_space<hbm>>
      %dma_start3A_82 = tpu.memref_slice %arg3[%add3A_74] : memref<40960xi32, #tpu.memory_space<hbm>> -> memref<128xi32, #tpu.memory_space<hbm>>
      tpu.enqueue_dma source(%dma_start3A_82 : memref<128xi32, #tpu.memory_space<hbm>>) target(%arg5 : memref<128xi32, #tpu.memory_space<vmem>>) target_semaphore(%run_scoped3A : memref<!tpu.dma_semaphore, #tpu.memory_space<semaphore_mem>>)
      %dma_wait3A_83 = tpu.memref_slice %arg3[%add3A_74] : memref<40960xi32, #tpu.memory_space<hbm>> -> memref<128xi32, #tpu.memory_space<hbm>>
      %dma_wait3A_84 = tpu.memref_slice %arg3[%add3A_74] : memref<40960xi32, #tpu.memory_space<hbm>> -> memref<128xi32, #tpu.memory_space<hbm>>
      tpu.wait_dma2 semaphore(%run_scoped3A : memref<!tpu.dma_semaphore, #tpu.memory_space<semaphore_mem>>) src(%dma_wait3A_84 : memref<128xi32, #tpu.memory_space<hbm>>) dst(%arg5 : memref<128xi32, #tpu.memory_space<vmem>>)
      tpu.yield
    }) : () -> ()
    %dma_start3A_75 = arith.constant 0 : i32
    %dma_start3A_76 = arith.constant 0 : i32
    %dma_start3A_77 = tpu.memref_slice %arg2[%dma_start3A_75, %dma_start3A_76] : memref<8192x8xf32, #tpu.memory_space<hbm>> -> memref<8192x8xf32, #tpu.memory_space<hbm>>
    tpu.enqueue_indirect_dma source(%dma_start3A_77 : memref<8192x8xf32, #tpu.memory_space<hbm>>) target(%arg6 : memref<128x8xf32, #tpu.memory_space<vmem>>) offsets(%arg5 : memref<128xi32, #tpu.memory_space<vmem>>) semaphore(%arg7 : memref<!tpu.dma_semaphore, #tpu.memory_space<semaphore_mem>>)
    %dma_wait3A_78 = arith.constant 0 : i32
    %dma_wait3A_79 = arith.constant 0 : i32
    %dma_wait3A_80 = tpu.memref_slice %arg2[%dma_wait3A_78, %dma_wait3A_79] : memref<8192x8xf32, #tpu.memory_space<hbm>> -> memref<8192x8xf32, #tpu.memory_space<hbm>>
    tpu.wait_indirect_dma semaphore(%arg7 : memref<!tpu.dma_semaphore, #tpu.memory_space<semaphore_mem>>) src(%dma_wait3A_80 : memref<8192x8xf32, #tpu.memory_space<hbm>>) dst(%arg6 : memref<128x8xf32, #tpu.memory_space<vmem>>)
    "tpu.region"() ({
      %run_scoped3A = tpu.sem_alloc : memref<!tpu.dma_semaphore, #tpu.memory_space<semaphore_mem>>
      %dma_start3A_81 = arith.constant 0 : i32
      %dma_start3A_82 = tpu.memref_slice %arg4[%add3A_74, %dma_start3A_81] : memref<40960x8xf32, #tpu.memory_space<hbm>> -> memref<128x8xf32, #tpu.memory_space<hbm>>
      %dma_start3A_83 = arith.constant 0 : i32
      %dma_start3A_84 = tpu.memref_slice %arg4[%add3A_74, %dma_start3A_83] : memref<40960x8xf32, #tpu.memory_space<hbm>> -> memref<128x8xf32, #tpu.memory_space<hbm>>
      tpu.enqueue_dma source(%arg6 : memref<128x8xf32, #tpu.memory_space<vmem>>) target(%dma_start3A_84 : memref<128x8xf32, #tpu.memory_space<hbm>>) target_semaphore(%run_scoped3A : memref<!tpu.dma_semaphore, #tpu.memory_space<semaphore_mem>>)
      %dma_wait3A_85 = arith.constant 0 : i32
      %dma_wait3A_86 = tpu.memref_slice %arg4[%add3A_74, %dma_wait3A_85] : memref<40960x8xf32, #tpu.memory_space<hbm>> -> memref<128x8xf32, #tpu.memory_space<hbm>>
      %dma_wait3A_87 = arith.constant 0 : i32
      %dma_wait3A_88 = tpu.memref_slice %arg4[%add3A_74, %dma_wait3A_87] : memref<40960x8xf32, #tpu.memory_space<hbm>> -> memref<128x8xf32, #tpu.memory_space<hbm>>
      tpu.wait_dma2 semaphore(%run_scoped3A : memref<!tpu.dma_semaphore, #tpu.memory_space<semaphore_mem>>) src(%arg6 : memref<128x8xf32, #tpu.memory_space<vmem>>) dst(%dma_wait3A_88 : memref<128x8xf32, #tpu.memory_space<hbm>>)
      tpu.yield
    }) : () -> ()
    return
  }
}

#map = affine_map<(d0, d1) -> (0, 0)>
#map1 = affine_map<(d0, d1) -> (0)>
module attributes {stable_mosaic.version = 14 : i64} {
  func.func @gather_k(%arg0: i32, %arg1: i32, %arg2: memref<8192x64xf32, #tpu.memory_space<hbm>>, %arg3: memref<40960xi32, #tpu.memory_space<hbm>>, %arg4: memref<40960x64xf32, #tpu.memory_space<hbm>>, %arg5: memref<128xi32, #tpu.memory_space<vmem>>, %arg6: memref<128x64xf32, #tpu.memory_space<vmem>>, %arg7: memref<!tpu.dma_semaphore, #tpu.memory_space<semaphore_mem>>) attributes {dimension_semantics = [#tpu.dimension_semantics<core_parallel>, #tpu.dimension_semantics<subcore_parallel>], iteration_bounds = array<i64: 2, 16>, scalar_prefetch = 0 : i64, scratch_operands = 3 : i64, tpu.core_type = #tpu.core_type<sc_vector_subcore>, window_params = [{transform_indices = #map}, {transform_indices = #map1}, {transform_indices = #map}]} {
    %mul3A = arith.constant 2 : i32
    %mul3A_0 = arith.muli %arg1, %mul3A : i32
    %add3A = arith.addi %mul3A_0, %arg0 : i32
    %mul3A_1 = arith.constant 1280 : i32
    %mul3A_2 = arith.muli %add3A, %mul3A_1 : i32
    %add3A_3 = arith.constant 0 : i32
    %add3A_4 = arith.addi %mul3A_2, %add3A_3 : i32
    "tpu.region"() ({
      %run_scoped3A = tpu.sem_alloc : memref<!tpu.dma_semaphore, #tpu.memory_space<semaphore_mem>>
      %dma_start3A_81 = tpu.memref_slice %arg3[%add3A_4] : memref<40960xi32, #tpu.memory_space<hbm>> -> memref<128xi32, #tpu.memory_space<hbm>>
      %dma_start3A_82 = tpu.memref_slice %arg3[%add3A_4] : memref<40960xi32, #tpu.memory_space<hbm>> -> memref<128xi32, #tpu.memory_space<hbm>>
      tpu.enqueue_dma source(%dma_start3A_82 : memref<128xi32, #tpu.memory_space<hbm>>) target(%arg5 : memref<128xi32, #tpu.memory_space<vmem>>) target_semaphore(%run_scoped3A : memref<!tpu.dma_semaphore, #tpu.memory_space<semaphore_mem>>)
      %dma_wait3A_83 = tpu.memref_slice %arg3[%add3A_4] : memref<40960xi32, #tpu.memory_space<hbm>> -> memref<128xi32, #tpu.memory_space<hbm>>
      %dma_wait3A_84 = tpu.memref_slice %arg3[%add3A_4] : memref<40960xi32, #tpu.memory_space<hbm>> -> memref<128xi32, #tpu.memory_space<hbm>>
      tpu.wait_dma2 semaphore(%run_scoped3A : memref<!tpu.dma_semaphore, #tpu.memory_space<semaphore_mem>>) src(%dma_wait3A_84 : memref<128xi32, #tpu.memory_space<hbm>>) dst(%arg5 : memref<128xi32, #tpu.memory_space<vmem>>)
      tpu.yield
    }) : () -> ()
    %dma_start3A = arith.constant 0 : i32
    %dma_start3A_5 = arith.constant 0 : i32
    %dma_start3A_6 = tpu.memref_slice %arg2[%dma_start3A, %dma_start3A_5] : memref<8192x64xf32, #tpu.memory_space<hbm>> -> memref<8192x64xf32, #tpu.memory_space<hbm>>
    tpu.enqueue_indirect_dma source(%dma_start3A_6 : memref<8192x64xf32, #tpu.memory_space<hbm>>) target(%arg6 : memref<128x64xf32, #tpu.memory_space<vmem>>) offsets(%arg5 : memref<128xi32, #tpu.memory_space<vmem>>) semaphore(%arg7 : memref<!tpu.dma_semaphore, #tpu.memory_space<semaphore_mem>>)
    %dma_wait3A = arith.constant 0 : i32
    %dma_wait3A_7 = arith.constant 0 : i32
    %dma_wait3A_8 = tpu.memref_slice %arg2[%dma_wait3A, %dma_wait3A_7] : memref<8192x64xf32, #tpu.memory_space<hbm>> -> memref<8192x64xf32, #tpu.memory_space<hbm>>
    tpu.wait_indirect_dma semaphore(%arg7 : memref<!tpu.dma_semaphore, #tpu.memory_space<semaphore_mem>>) src(%dma_wait3A_8 : memref<8192x64xf32, #tpu.memory_space<hbm>>) dst(%arg6 : memref<128x64xf32, #tpu.memory_space<vmem>>)
    "tpu.region"() ({
      %run_scoped3A = tpu.sem_alloc : memref<!tpu.dma_semaphore, #tpu.memory_space<semaphore_mem>>
      %dma_start3A_81 = arith.constant 0 : i32
      %dma_start3A_82 = tpu.memref_slice %arg4[%add3A_4, %dma_start3A_81] : memref<40960x64xf32, #tpu.memory_space<hbm>> -> memref<128x64xf32, #tpu.memory_space<hbm>>
      %dma_start3A_83 = arith.constant 0 : i32
      %dma_start3A_84 = tpu.memref_slice %arg4[%add3A_4, %dma_start3A_83] : memref<40960x64xf32, #tpu.memory_space<hbm>> -> memref<128x64xf32, #tpu.memory_space<hbm>>
      tpu.enqueue_dma source(%arg6 : memref<128x64xf32, #tpu.memory_space<vmem>>) target(%dma_start3A_84 : memref<128x64xf32, #tpu.memory_space<hbm>>) target_semaphore(%run_scoped3A : memref<!tpu.dma_semaphore, #tpu.memory_space<semaphore_mem>>)
      %dma_wait3A_85 = arith.constant 0 : i32
      %dma_wait3A_86 = tpu.memref_slice %arg4[%add3A_4, %dma_wait3A_85] : memref<40960x64xf32, #tpu.memory_space<hbm>> -> memref<128x64xf32, #tpu.memory_space<hbm>>
      %dma_wait3A_87 = arith.constant 0 : i32
      %dma_wait3A_88 = tpu.memref_slice %arg4[%add3A_4, %dma_wait3A_87] : memref<40960x64xf32, #tpu.memory_space<hbm>> -> memref<128x64xf32, #tpu.memory_space<hbm>>
      tpu.wait_dma2 semaphore(%run_scoped3A : memref<!tpu.dma_semaphore, #tpu.memory_space<semaphore_mem>>) src(%arg6 : memref<128x64xf32, #tpu.memory_space<vmem>>) dst(%dma_wait3A_88 : memref<128x64xf32, #tpu.memory_space<hbm>>)
      tpu.yield
    }) : () -> ()
    %add3A_9 = arith.constant 128 : i32
    %add3A_10 = arith.addi %mul3A_2, %add3A_9 : i32
    "tpu.region"() ({
      %run_scoped3A = tpu.sem_alloc : memref<!tpu.dma_semaphore, #tpu.memory_space<semaphore_mem>>
      %dma_start3A_81 = tpu.memref_slice %arg3[%add3A_10] : memref<40960xi32, #tpu.memory_space<hbm>> -> memref<128xi32, #tpu.memory_space<hbm>>
      %dma_start3A_82 = tpu.memref_slice %arg3[%add3A_10] : memref<40960xi32, #tpu.memory_space<hbm>> -> memref<128xi32, #tpu.memory_space<hbm>>
      tpu.enqueue_dma source(%dma_start3A_82 : memref<128xi32, #tpu.memory_space<hbm>>) target(%arg5 : memref<128xi32, #tpu.memory_space<vmem>>) target_semaphore(%run_scoped3A : memref<!tpu.dma_semaphore, #tpu.memory_space<semaphore_mem>>)
      %dma_wait3A_83 = tpu.memref_slice %arg3[%add3A_10] : memref<40960xi32, #tpu.memory_space<hbm>> -> memref<128xi32, #tpu.memory_space<hbm>>
      %dma_wait3A_84 = tpu.memref_slice %arg3[%add3A_10] : memref<40960xi32, #tpu.memory_space<hbm>> -> memref<128xi32, #tpu.memory_space<hbm>>
      tpu.wait_dma2 semaphore(%run_scoped3A : memref<!tpu.dma_semaphore, #tpu.memory_space<semaphore_mem>>) src(%dma_wait3A_84 : memref<128xi32, #tpu.memory_space<hbm>>) dst(%arg5 : memref<128xi32, #tpu.memory_space<vmem>>)
      tpu.yield
    }) : () -> ()
    %dma_start3A_11 = arith.constant 0 : i32
    %dma_start3A_12 = arith.constant 0 : i32
    %dma_start3A_13 = tpu.memref_slice %arg2[%dma_start3A_11, %dma_start3A_12] : memref<8192x64xf32, #tpu.memory_space<hbm>> -> memref<8192x64xf32, #tpu.memory_space<hbm>>
    tpu.enqueue_indirect_dma source(%dma_start3A_13 : memref<8192x64xf32, #tpu.memory_space<hbm>>) target(%arg6 : memref<128x64xf32, #tpu.memory_space<vmem>>) offsets(%arg5 : memref<128xi32, #tpu.memory_space<vmem>>) semaphore(%arg7 : memref<!tpu.dma_semaphore, #tpu.memory_space<semaphore_mem>>)
    %dma_wait3A_14 = arith.constant 0 : i32
    %dma_wait3A_15 = arith.constant 0 : i32
    %dma_wait3A_16 = tpu.memref_slice %arg2[%dma_wait3A_14, %dma_wait3A_15] : memref<8192x64xf32, #tpu.memory_space<hbm>> -> memref<8192x64xf32, #tpu.memory_space<hbm>>
    tpu.wait_indirect_dma semaphore(%arg7 : memref<!tpu.dma_semaphore, #tpu.memory_space<semaphore_mem>>) src(%dma_wait3A_16 : memref<8192x64xf32, #tpu.memory_space<hbm>>) dst(%arg6 : memref<128x64xf32, #tpu.memory_space<vmem>>)
    "tpu.region"() ({
      %run_scoped3A = tpu.sem_alloc : memref<!tpu.dma_semaphore, #tpu.memory_space<semaphore_mem>>
      %dma_start3A_81 = arith.constant 0 : i32
      %dma_start3A_82 = tpu.memref_slice %arg4[%add3A_10, %dma_start3A_81] : memref<40960x64xf32, #tpu.memory_space<hbm>> -> memref<128x64xf32, #tpu.memory_space<hbm>>
      %dma_start3A_83 = arith.constant 0 : i32
      %dma_start3A_84 = tpu.memref_slice %arg4[%add3A_10, %dma_start3A_83] : memref<40960x64xf32, #tpu.memory_space<hbm>> -> memref<128x64xf32, #tpu.memory_space<hbm>>
      tpu.enqueue_dma source(%arg6 : memref<128x64xf32, #tpu.memory_space<vmem>>) target(%dma_start3A_84 : memref<128x64xf32, #tpu.memory_space<hbm>>) target_semaphore(%run_scoped3A : memref<!tpu.dma_semaphore, #tpu.memory_space<semaphore_mem>>)
      %dma_wait3A_85 = arith.constant 0 : i32
      %dma_wait3A_86 = tpu.memref_slice %arg4[%add3A_10, %dma_wait3A_85] : memref<40960x64xf32, #tpu.memory_space<hbm>> -> memref<128x64xf32, #tpu.memory_space<hbm>>
      %dma_wait3A_87 = arith.constant 0 : i32
      %dma_wait3A_88 = tpu.memref_slice %arg4[%add3A_10, %dma_wait3A_87] : memref<40960x64xf32, #tpu.memory_space<hbm>> -> memref<128x64xf32, #tpu.memory_space<hbm>>
      tpu.wait_dma2 semaphore(%run_scoped3A : memref<!tpu.dma_semaphore, #tpu.memory_space<semaphore_mem>>) src(%arg6 : memref<128x64xf32, #tpu.memory_space<vmem>>) dst(%dma_wait3A_88 : memref<128x64xf32, #tpu.memory_space<hbm>>)
      tpu.yield
    }) : () -> ()
    %add3A_17 = arith.constant 256 : i32
    %add3A_18 = arith.addi %mul3A_2, %add3A_17 : i32
    "tpu.region"() ({
      %run_scoped3A = tpu.sem_alloc : memref<!tpu.dma_semaphore, #tpu.memory_space<semaphore_mem>>
      %dma_start3A_81 = tpu.memref_slice %arg3[%add3A_18] : memref<40960xi32, #tpu.memory_space<hbm>> -> memref<128xi32, #tpu.memory_space<hbm>>
      %dma_start3A_82 = tpu.memref_slice %arg3[%add3A_18] : memref<40960xi32, #tpu.memory_space<hbm>> -> memref<128xi32, #tpu.memory_space<hbm>>
      tpu.enqueue_dma source(%dma_start3A_82 : memref<128xi32, #tpu.memory_space<hbm>>) target(%arg5 : memref<128xi32, #tpu.memory_space<vmem>>) target_semaphore(%run_scoped3A : memref<!tpu.dma_semaphore, #tpu.memory_space<semaphore_mem>>)
      %dma_wait3A_83 = tpu.memref_slice %arg3[%add3A_18] : memref<40960xi32, #tpu.memory_space<hbm>> -> memref<128xi32, #tpu.memory_space<hbm>>
      %dma_wait3A_84 = tpu.memref_slice %arg3[%add3A_18] : memref<40960xi32, #tpu.memory_space<hbm>> -> memref<128xi32, #tpu.memory_space<hbm>>
      tpu.wait_dma2 semaphore(%run_scoped3A : memref<!tpu.dma_semaphore, #tpu.memory_space<semaphore_mem>>) src(%dma_wait3A_84 : memref<128xi32, #tpu.memory_space<hbm>>) dst(%arg5 : memref<128xi32, #tpu.memory_space<vmem>>)
      tpu.yield
    }) : () -> ()
    %dma_start3A_19 = arith.constant 0 : i32
    %dma_start3A_20 = arith.constant 0 : i32
    %dma_start3A_21 = tpu.memref_slice %arg2[%dma_start3A_19, %dma_start3A_20] : memref<8192x64xf32, #tpu.memory_space<hbm>> -> memref<8192x64xf32, #tpu.memory_space<hbm>>
    tpu.enqueue_indirect_dma source(%dma_start3A_21 : memref<8192x64xf32, #tpu.memory_space<hbm>>) target(%arg6 : memref<128x64xf32, #tpu.memory_space<vmem>>) offsets(%arg5 : memref<128xi32, #tpu.memory_space<vmem>>) semaphore(%arg7 : memref<!tpu.dma_semaphore, #tpu.memory_space<semaphore_mem>>)
    %dma_wait3A_22 = arith.constant 0 : i32
    %dma_wait3A_23 = arith.constant 0 : i32
    %dma_wait3A_24 = tpu.memref_slice %arg2[%dma_wait3A_22, %dma_wait3A_23] : memref<8192x64xf32, #tpu.memory_space<hbm>> -> memref<8192x64xf32, #tpu.memory_space<hbm>>
    tpu.wait_indirect_dma semaphore(%arg7 : memref<!tpu.dma_semaphore, #tpu.memory_space<semaphore_mem>>) src(%dma_wait3A_24 : memref<8192x64xf32, #tpu.memory_space<hbm>>) dst(%arg6 : memref<128x64xf32, #tpu.memory_space<vmem>>)
    "tpu.region"() ({
      %run_scoped3A = tpu.sem_alloc : memref<!tpu.dma_semaphore, #tpu.memory_space<semaphore_mem>>
      %dma_start3A_81 = arith.constant 0 : i32
      %dma_start3A_82 = tpu.memref_slice %arg4[%add3A_18, %dma_start3A_81] : memref<40960x64xf32, #tpu.memory_space<hbm>> -> memref<128x64xf32, #tpu.memory_space<hbm>>
      %dma_start3A_83 = arith.constant 0 : i32
      %dma_start3A_84 = tpu.memref_slice %arg4[%add3A_18, %dma_start3A_83] : memref<40960x64xf32, #tpu.memory_space<hbm>> -> memref<128x64xf32, #tpu.memory_space<hbm>>
      tpu.enqueue_dma source(%arg6 : memref<128x64xf32, #tpu.memory_space<vmem>>) target(%dma_start3A_84 : memref<128x64xf32, #tpu.memory_space<hbm>>) target_semaphore(%run_scoped3A : memref<!tpu.dma_semaphore, #tpu.memory_space<semaphore_mem>>)
      %dma_wait3A_85 = arith.constant 0 : i32
      %dma_wait3A_86 = tpu.memref_slice %arg4[%add3A_18, %dma_wait3A_85] : memref<40960x64xf32, #tpu.memory_space<hbm>> -> memref<128x64xf32, #tpu.memory_space<hbm>>
      %dma_wait3A_87 = arith.constant 0 : i32
      %dma_wait3A_88 = tpu.memref_slice %arg4[%add3A_18, %dma_wait3A_87] : memref<40960x64xf32, #tpu.memory_space<hbm>> -> memref<128x64xf32, #tpu.memory_space<hbm>>
      tpu.wait_dma2 semaphore(%run_scoped3A : memref<!tpu.dma_semaphore, #tpu.memory_space<semaphore_mem>>) src(%arg6 : memref<128x64xf32, #tpu.memory_space<vmem>>) dst(%dma_wait3A_88 : memref<128x64xf32, #tpu.memory_space<hbm>>)
      tpu.yield
    }) : () -> ()
    %add3A_25 = arith.constant 384 : i32
    %add3A_26 = arith.addi %mul3A_2, %add3A_25 : i32
    "tpu.region"() ({
      %run_scoped3A = tpu.sem_alloc : memref<!tpu.dma_semaphore, #tpu.memory_space<semaphore_mem>>
      %dma_start3A_81 = tpu.memref_slice %arg3[%add3A_26] : memref<40960xi32, #tpu.memory_space<hbm>> -> memref<128xi32, #tpu.memory_space<hbm>>
      %dma_start3A_82 = tpu.memref_slice %arg3[%add3A_26] : memref<40960xi32, #tpu.memory_space<hbm>> -> memref<128xi32, #tpu.memory_space<hbm>>
      tpu.enqueue_dma source(%dma_start3A_82 : memref<128xi32, #tpu.memory_space<hbm>>) target(%arg5 : memref<128xi32, #tpu.memory_space<vmem>>) target_semaphore(%run_scoped3A : memref<!tpu.dma_semaphore, #tpu.memory_space<semaphore_mem>>)
      %dma_wait3A_83 = tpu.memref_slice %arg3[%add3A_26] : memref<40960xi32, #tpu.memory_space<hbm>> -> memref<128xi32, #tpu.memory_space<hbm>>
      %dma_wait3A_84 = tpu.memref_slice %arg3[%add3A_26] : memref<40960xi32, #tpu.memory_space<hbm>> -> memref<128xi32, #tpu.memory_space<hbm>>
      tpu.wait_dma2 semaphore(%run_scoped3A : memref<!tpu.dma_semaphore, #tpu.memory_space<semaphore_mem>>) src(%dma_wait3A_84 : memref<128xi32, #tpu.memory_space<hbm>>) dst(%arg5 : memref<128xi32, #tpu.memory_space<vmem>>)
      tpu.yield
    }) : () -> ()
    %dma_start3A_27 = arith.constant 0 : i32
    %dma_start3A_28 = arith.constant 0 : i32
    %dma_start3A_29 = tpu.memref_slice %arg2[%dma_start3A_27, %dma_start3A_28] : memref<8192x64xf32, #tpu.memory_space<hbm>> -> memref<8192x64xf32, #tpu.memory_space<hbm>>
    tpu.enqueue_indirect_dma source(%dma_start3A_29 : memref<8192x64xf32, #tpu.memory_space<hbm>>) target(%arg6 : memref<128x64xf32, #tpu.memory_space<vmem>>) offsets(%arg5 : memref<128xi32, #tpu.memory_space<vmem>>) semaphore(%arg7 : memref<!tpu.dma_semaphore, #tpu.memory_space<semaphore_mem>>)
    %dma_wait3A_30 = arith.constant 0 : i32
    %dma_wait3A_31 = arith.constant 0 : i32
    %dma_wait3A_32 = tpu.memref_slice %arg2[%dma_wait3A_30, %dma_wait3A_31] : memref<8192x64xf32, #tpu.memory_space<hbm>> -> memref<8192x64xf32, #tpu.memory_space<hbm>>
    tpu.wait_indirect_dma semaphore(%arg7 : memref<!tpu.dma_semaphore, #tpu.memory_space<semaphore_mem>>) src(%dma_wait3A_32 : memref<8192x64xf32, #tpu.memory_space<hbm>>) dst(%arg6 : memref<128x64xf32, #tpu.memory_space<vmem>>)
    "tpu.region"() ({
      %run_scoped3A = tpu.sem_alloc : memref<!tpu.dma_semaphore, #tpu.memory_space<semaphore_mem>>
      %dma_start3A_81 = arith.constant 0 : i32
      %dma_start3A_82 = tpu.memref_slice %arg4[%add3A_26, %dma_start3A_81] : memref<40960x64xf32, #tpu.memory_space<hbm>> -> memref<128x64xf32, #tpu.memory_space<hbm>>
      %dma_start3A_83 = arith.constant 0 : i32
      %dma_start3A_84 = tpu.memref_slice %arg4[%add3A_26, %dma_start3A_83] : memref<40960x64xf32, #tpu.memory_space<hbm>> -> memref<128x64xf32, #tpu.memory_space<hbm>>
      tpu.enqueue_dma source(%arg6 : memref<128x64xf32, #tpu.memory_space<vmem>>) target(%dma_start3A_84 : memref<128x64xf32, #tpu.memory_space<hbm>>) target_semaphore(%run_scoped3A : memref<!tpu.dma_semaphore, #tpu.memory_space<semaphore_mem>>)
      %dma_wait3A_85 = arith.constant 0 : i32
      %dma_wait3A_86 = tpu.memref_slice %arg4[%add3A_26, %dma_wait3A_85] : memref<40960x64xf32, #tpu.memory_space<hbm>> -> memref<128x64xf32, #tpu.memory_space<hbm>>
      %dma_wait3A_87 = arith.constant 0 : i32
      %dma_wait3A_88 = tpu.memref_slice %arg4[%add3A_26, %dma_wait3A_87] : memref<40960x64xf32, #tpu.memory_space<hbm>> -> memref<128x64xf32, #tpu.memory_space<hbm>>
      tpu.wait_dma2 semaphore(%run_scoped3A : memref<!tpu.dma_semaphore, #tpu.memory_space<semaphore_mem>>) src(%arg6 : memref<128x64xf32, #tpu.memory_space<vmem>>) dst(%dma_wait3A_88 : memref<128x64xf32, #tpu.memory_space<hbm>>)
      tpu.yield
    }) : () -> ()
    %add3A_33 = arith.constant 512 : i32
    %add3A_34 = arith.addi %mul3A_2, %add3A_33 : i32
    "tpu.region"() ({
      %run_scoped3A = tpu.sem_alloc : memref<!tpu.dma_semaphore, #tpu.memory_space<semaphore_mem>>
      %dma_start3A_81 = tpu.memref_slice %arg3[%add3A_34] : memref<40960xi32, #tpu.memory_space<hbm>> -> memref<128xi32, #tpu.memory_space<hbm>>
      %dma_start3A_82 = tpu.memref_slice %arg3[%add3A_34] : memref<40960xi32, #tpu.memory_space<hbm>> -> memref<128xi32, #tpu.memory_space<hbm>>
      tpu.enqueue_dma source(%dma_start3A_82 : memref<128xi32, #tpu.memory_space<hbm>>) target(%arg5 : memref<128xi32, #tpu.memory_space<vmem>>) target_semaphore(%run_scoped3A : memref<!tpu.dma_semaphore, #tpu.memory_space<semaphore_mem>>)
      %dma_wait3A_83 = tpu.memref_slice %arg3[%add3A_34] : memref<40960xi32, #tpu.memory_space<hbm>> -> memref<128xi32, #tpu.memory_space<hbm>>
      %dma_wait3A_84 = tpu.memref_slice %arg3[%add3A_34] : memref<40960xi32, #tpu.memory_space<hbm>> -> memref<128xi32, #tpu.memory_space<hbm>>
      tpu.wait_dma2 semaphore(%run_scoped3A : memref<!tpu.dma_semaphore, #tpu.memory_space<semaphore_mem>>) src(%dma_wait3A_84 : memref<128xi32, #tpu.memory_space<hbm>>) dst(%arg5 : memref<128xi32, #tpu.memory_space<vmem>>)
      tpu.yield
    }) : () -> ()
    %dma_start3A_35 = arith.constant 0 : i32
    %dma_start3A_36 = arith.constant 0 : i32
    %dma_start3A_37 = tpu.memref_slice %arg2[%dma_start3A_35, %dma_start3A_36] : memref<8192x64xf32, #tpu.memory_space<hbm>> -> memref<8192x64xf32, #tpu.memory_space<hbm>>
    tpu.enqueue_indirect_dma source(%dma_start3A_37 : memref<8192x64xf32, #tpu.memory_space<hbm>>) target(%arg6 : memref<128x64xf32, #tpu.memory_space<vmem>>) offsets(%arg5 : memref<128xi32, #tpu.memory_space<vmem>>) semaphore(%arg7 : memref<!tpu.dma_semaphore, #tpu.memory_space<semaphore_mem>>)
    %dma_wait3A_38 = arith.constant 0 : i32
    %dma_wait3A_39 = arith.constant 0 : i32
    %dma_wait3A_40 = tpu.memref_slice %arg2[%dma_wait3A_38, %dma_wait3A_39] : memref<8192x64xf32, #tpu.memory_space<hbm>> -> memref<8192x64xf32, #tpu.memory_space<hbm>>
    tpu.wait_indirect_dma semaphore(%arg7 : memref<!tpu.dma_semaphore, #tpu.memory_space<semaphore_mem>>) src(%dma_wait3A_40 : memref<8192x64xf32, #tpu.memory_space<hbm>>) dst(%arg6 : memref<128x64xf32, #tpu.memory_space<vmem>>)
    "tpu.region"() ({
      %run_scoped3A = tpu.sem_alloc : memref<!tpu.dma_semaphore, #tpu.memory_space<semaphore_mem>>
      %dma_start3A_81 = arith.constant 0 : i32
      %dma_start3A_82 = tpu.memref_slice %arg4[%add3A_34, %dma_start3A_81] : memref<40960x64xf32, #tpu.memory_space<hbm>> -> memref<128x64xf32, #tpu.memory_space<hbm>>
      %dma_start3A_83 = arith.constant 0 : i32
      %dma_start3A_84 = tpu.memref_slice %arg4[%add3A_34, %dma_start3A_83] : memref<40960x64xf32, #tpu.memory_space<hbm>> -> memref<128x64xf32, #tpu.memory_space<hbm>>
      tpu.enqueue_dma source(%arg6 : memref<128x64xf32, #tpu.memory_space<vmem>>) target(%dma_start3A_84 : memref<128x64xf32, #tpu.memory_space<hbm>>) target_semaphore(%run_scoped3A : memref<!tpu.dma_semaphore, #tpu.memory_space<semaphore_mem>>)
      %dma_wait3A_85 = arith.constant 0 : i32
      %dma_wait3A_86 = tpu.memref_slice %arg4[%add3A_34, %dma_wait3A_85] : memref<40960x64xf32, #tpu.memory_space<hbm>> -> memref<128x64xf32, #tpu.memory_space<hbm>>
      %dma_wait3A_87 = arith.constant 0 : i32
      %dma_wait3A_88 = tpu.memref_slice %arg4[%add3A_34, %dma_wait3A_87] : memref<40960x64xf32, #tpu.memory_space<hbm>> -> memref<128x64xf32, #tpu.memory_space<hbm>>
      tpu.wait_dma2 semaphore(%run_scoped3A : memref<!tpu.dma_semaphore, #tpu.memory_space<semaphore_mem>>) src(%arg6 : memref<128x64xf32, #tpu.memory_space<vmem>>) dst(%dma_wait3A_88 : memref<128x64xf32, #tpu.memory_space<hbm>>)
      tpu.yield
    }) : () -> ()
    %add3A_41 = arith.constant 640 : i32
    %add3A_42 = arith.addi %mul3A_2, %add3A_41 : i32
    "tpu.region"() ({
      %run_scoped3A = tpu.sem_alloc : memref<!tpu.dma_semaphore, #tpu.memory_space<semaphore_mem>>
      %dma_start3A_81 = tpu.memref_slice %arg3[%add3A_42] : memref<40960xi32, #tpu.memory_space<hbm>> -> memref<128xi32, #tpu.memory_space<hbm>>
      %dma_start3A_82 = tpu.memref_slice %arg3[%add3A_42] : memref<40960xi32, #tpu.memory_space<hbm>> -> memref<128xi32, #tpu.memory_space<hbm>>
      tpu.enqueue_dma source(%dma_start3A_82 : memref<128xi32, #tpu.memory_space<hbm>>) target(%arg5 : memref<128xi32, #tpu.memory_space<vmem>>) target_semaphore(%run_scoped3A : memref<!tpu.dma_semaphore, #tpu.memory_space<semaphore_mem>>)
      %dma_wait3A_83 = tpu.memref_slice %arg3[%add3A_42] : memref<40960xi32, #tpu.memory_space<hbm>> -> memref<128xi32, #tpu.memory_space<hbm>>
      %dma_wait3A_84 = tpu.memref_slice %arg3[%add3A_42] : memref<40960xi32, #tpu.memory_space<hbm>> -> memref<128xi32, #tpu.memory_space<hbm>>
      tpu.wait_dma2 semaphore(%run_scoped3A : memref<!tpu.dma_semaphore, #tpu.memory_space<semaphore_mem>>) src(%dma_wait3A_84 : memref<128xi32, #tpu.memory_space<hbm>>) dst(%arg5 : memref<128xi32, #tpu.memory_space<vmem>>)
      tpu.yield
    }) : () -> ()
    %dma_start3A_43 = arith.constant 0 : i32
    %dma_start3A_44 = arith.constant 0 : i32
    %dma_start3A_45 = tpu.memref_slice %arg2[%dma_start3A_43, %dma_start3A_44] : memref<8192x64xf32, #tpu.memory_space<hbm>> -> memref<8192x64xf32, #tpu.memory_space<hbm>>
    tpu.enqueue_indirect_dma source(%dma_start3A_45 : memref<8192x64xf32, #tpu.memory_space<hbm>>) target(%arg6 : memref<128x64xf32, #tpu.memory_space<vmem>>) offsets(%arg5 : memref<128xi32, #tpu.memory_space<vmem>>) semaphore(%arg7 : memref<!tpu.dma_semaphore, #tpu.memory_space<semaphore_mem>>)
    %dma_wait3A_46 = arith.constant 0 : i32
    %dma_wait3A_47 = arith.constant 0 : i32
    %dma_wait3A_48 = tpu.memref_slice %arg2[%dma_wait3A_46, %dma_wait3A_47] : memref<8192x64xf32, #tpu.memory_space<hbm>> -> memref<8192x64xf32, #tpu.memory_space<hbm>>
    tpu.wait_indirect_dma semaphore(%arg7 : memref<!tpu.dma_semaphore, #tpu.memory_space<semaphore_mem>>) src(%dma_wait3A_48 : memref<8192x64xf32, #tpu.memory_space<hbm>>) dst(%arg6 : memref<128x64xf32, #tpu.memory_space<vmem>>)
    "tpu.region"() ({
      %run_scoped3A = tpu.sem_alloc : memref<!tpu.dma_semaphore, #tpu.memory_space<semaphore_mem>>
      %dma_start3A_81 = arith.constant 0 : i32
      %dma_start3A_82 = tpu.memref_slice %arg4[%add3A_42, %dma_start3A_81] : memref<40960x64xf32, #tpu.memory_space<hbm>> -> memref<128x64xf32, #tpu.memory_space<hbm>>
      %dma_start3A_83 = arith.constant 0 : i32
      %dma_start3A_84 = tpu.memref_slice %arg4[%add3A_42, %dma_start3A_83] : memref<40960x64xf32, #tpu.memory_space<hbm>> -> memref<128x64xf32, #tpu.memory_space<hbm>>
      tpu.enqueue_dma source(%arg6 : memref<128x64xf32, #tpu.memory_space<vmem>>) target(%dma_start3A_84 : memref<128x64xf32, #tpu.memory_space<hbm>>) target_semaphore(%run_scoped3A : memref<!tpu.dma_semaphore, #tpu.memory_space<semaphore_mem>>)
      %dma_wait3A_85 = arith.constant 0 : i32
      %dma_wait3A_86 = tpu.memref_slice %arg4[%add3A_42, %dma_wait3A_85] : memref<40960x64xf32, #tpu.memory_space<hbm>> -> memref<128x64xf32, #tpu.memory_space<hbm>>
      %dma_wait3A_87 = arith.constant 0 : i32
      %dma_wait3A_88 = tpu.memref_slice %arg4[%add3A_42, %dma_wait3A_87] : memref<40960x64xf32, #tpu.memory_space<hbm>> -> memref<128x64xf32, #tpu.memory_space<hbm>>
      tpu.wait_dma2 semaphore(%run_scoped3A : memref<!tpu.dma_semaphore, #tpu.memory_space<semaphore_mem>>) src(%arg6 : memref<128x64xf32, #tpu.memory_space<vmem>>) dst(%dma_wait3A_88 : memref<128x64xf32, #tpu.memory_space<hbm>>)
      tpu.yield
    }) : () -> ()
    %add3A_49 = arith.constant 768 : i32
    %add3A_50 = arith.addi %mul3A_2, %add3A_49 : i32
    "tpu.region"() ({
      %run_scoped3A = tpu.sem_alloc : memref<!tpu.dma_semaphore, #tpu.memory_space<semaphore_mem>>
      %dma_start3A_81 = tpu.memref_slice %arg3[%add3A_50] : memref<40960xi32, #tpu.memory_space<hbm>> -> memref<128xi32, #tpu.memory_space<hbm>>
      %dma_start3A_82 = tpu.memref_slice %arg3[%add3A_50] : memref<40960xi32, #tpu.memory_space<hbm>> -> memref<128xi32, #tpu.memory_space<hbm>>
      tpu.enqueue_dma source(%dma_start3A_82 : memref<128xi32, #tpu.memory_space<hbm>>) target(%arg5 : memref<128xi32, #tpu.memory_space<vmem>>) target_semaphore(%run_scoped3A : memref<!tpu.dma_semaphore, #tpu.memory_space<semaphore_mem>>)
      %dma_wait3A_83 = tpu.memref_slice %arg3[%add3A_50] : memref<40960xi32, #tpu.memory_space<hbm>> -> memref<128xi32, #tpu.memory_space<hbm>>
      %dma_wait3A_84 = tpu.memref_slice %arg3[%add3A_50] : memref<40960xi32, #tpu.memory_space<hbm>> -> memref<128xi32, #tpu.memory_space<hbm>>
      tpu.wait_dma2 semaphore(%run_scoped3A : memref<!tpu.dma_semaphore, #tpu.memory_space<semaphore_mem>>) src(%dma_wait3A_84 : memref<128xi32, #tpu.memory_space<hbm>>) dst(%arg5 : memref<128xi32, #tpu.memory_space<vmem>>)
      tpu.yield
    }) : () -> ()
    %dma_start3A_51 = arith.constant 0 : i32
    %dma_start3A_52 = arith.constant 0 : i32
    %dma_start3A_53 = tpu.memref_slice %arg2[%dma_start3A_51, %dma_start3A_52] : memref<8192x64xf32, #tpu.memory_space<hbm>> -> memref<8192x64xf32, #tpu.memory_space<hbm>>
    tpu.enqueue_indirect_dma source(%dma_start3A_53 : memref<8192x64xf32, #tpu.memory_space<hbm>>) target(%arg6 : memref<128x64xf32, #tpu.memory_space<vmem>>) offsets(%arg5 : memref<128xi32, #tpu.memory_space<vmem>>) semaphore(%arg7 : memref<!tpu.dma_semaphore, #tpu.memory_space<semaphore_mem>>)
    %dma_wait3A_54 = arith.constant 0 : i32
    %dma_wait3A_55 = arith.constant 0 : i32
    %dma_wait3A_56 = tpu.memref_slice %arg2[%dma_wait3A_54, %dma_wait3A_55] : memref<8192x64xf32, #tpu.memory_space<hbm>> -> memref<8192x64xf32, #tpu.memory_space<hbm>>
    tpu.wait_indirect_dma semaphore(%arg7 : memref<!tpu.dma_semaphore, #tpu.memory_space<semaphore_mem>>) src(%dma_wait3A_56 : memref<8192x64xf32, #tpu.memory_space<hbm>>) dst(%arg6 : memref<128x64xf32, #tpu.memory_space<vmem>>)
    "tpu.region"() ({
      %run_scoped3A = tpu.sem_alloc : memref<!tpu.dma_semaphore, #tpu.memory_space<semaphore_mem>>
      %dma_start3A_81 = arith.constant 0 : i32
      %dma_start3A_82 = tpu.memref_slice %arg4[%add3A_50, %dma_start3A_81] : memref<40960x64xf32, #tpu.memory_space<hbm>> -> memref<128x64xf32, #tpu.memory_space<hbm>>
      %dma_start3A_83 = arith.constant 0 : i32
      %dma_start3A_84 = tpu.memref_slice %arg4[%add3A_50, %dma_start3A_83] : memref<40960x64xf32, #tpu.memory_space<hbm>> -> memref<128x64xf32, #tpu.memory_space<hbm>>
      tpu.enqueue_dma source(%arg6 : memref<128x64xf32, #tpu.memory_space<vmem>>) target(%dma_start3A_84 : memref<128x64xf32, #tpu.memory_space<hbm>>) target_semaphore(%run_scoped3A : memref<!tpu.dma_semaphore, #tpu.memory_space<semaphore_mem>>)
      %dma_wait3A_85 = arith.constant 0 : i32
      %dma_wait3A_86 = tpu.memref_slice %arg4[%add3A_50, %dma_wait3A_85] : memref<40960x64xf32, #tpu.memory_space<hbm>> -> memref<128x64xf32, #tpu.memory_space<hbm>>
      %dma_wait3A_87 = arith.constant 0 : i32
      %dma_wait3A_88 = tpu.memref_slice %arg4[%add3A_50, %dma_wait3A_87] : memref<40960x64xf32, #tpu.memory_space<hbm>> -> memref<128x64xf32, #tpu.memory_space<hbm>>
      tpu.wait_dma2 semaphore(%run_scoped3A : memref<!tpu.dma_semaphore, #tpu.memory_space<semaphore_mem>>) src(%arg6 : memref<128x64xf32, #tpu.memory_space<vmem>>) dst(%dma_wait3A_88 : memref<128x64xf32, #tpu.memory_space<hbm>>)
      tpu.yield
    }) : () -> ()
    %add3A_57 = arith.constant 896 : i32
    %add3A_58 = arith.addi %mul3A_2, %add3A_57 : i32
    "tpu.region"() ({
      %run_scoped3A = tpu.sem_alloc : memref<!tpu.dma_semaphore, #tpu.memory_space<semaphore_mem>>
      %dma_start3A_81 = tpu.memref_slice %arg3[%add3A_58] : memref<40960xi32, #tpu.memory_space<hbm>> -> memref<128xi32, #tpu.memory_space<hbm>>
      %dma_start3A_82 = tpu.memref_slice %arg3[%add3A_58] : memref<40960xi32, #tpu.memory_space<hbm>> -> memref<128xi32, #tpu.memory_space<hbm>>
      tpu.enqueue_dma source(%dma_start3A_82 : memref<128xi32, #tpu.memory_space<hbm>>) target(%arg5 : memref<128xi32, #tpu.memory_space<vmem>>) target_semaphore(%run_scoped3A : memref<!tpu.dma_semaphore, #tpu.memory_space<semaphore_mem>>)
      %dma_wait3A_83 = tpu.memref_slice %arg3[%add3A_58] : memref<40960xi32, #tpu.memory_space<hbm>> -> memref<128xi32, #tpu.memory_space<hbm>>
      %dma_wait3A_84 = tpu.memref_slice %arg3[%add3A_58] : memref<40960xi32, #tpu.memory_space<hbm>> -> memref<128xi32, #tpu.memory_space<hbm>>
      tpu.wait_dma2 semaphore(%run_scoped3A : memref<!tpu.dma_semaphore, #tpu.memory_space<semaphore_mem>>) src(%dma_wait3A_84 : memref<128xi32, #tpu.memory_space<hbm>>) dst(%arg5 : memref<128xi32, #tpu.memory_space<vmem>>)
      tpu.yield
    }) : () -> ()
    %dma_start3A_59 = arith.constant 0 : i32
    %dma_start3A_60 = arith.constant 0 : i32
    %dma_start3A_61 = tpu.memref_slice %arg2[%dma_start3A_59, %dma_start3A_60] : memref<8192x64xf32, #tpu.memory_space<hbm>> -> memref<8192x64xf32, #tpu.memory_space<hbm>>
    tpu.enqueue_indirect_dma source(%dma_start3A_61 : memref<8192x64xf32, #tpu.memory_space<hbm>>) target(%arg6 : memref<128x64xf32, #tpu.memory_space<vmem>>) offsets(%arg5 : memref<128xi32, #tpu.memory_space<vmem>>) semaphore(%arg7 : memref<!tpu.dma_semaphore, #tpu.memory_space<semaphore_mem>>)
    %dma_wait3A_62 = arith.constant 0 : i32
    %dma_wait3A_63 = arith.constant 0 : i32
    %dma_wait3A_64 = tpu.memref_slice %arg2[%dma_wait3A_62, %dma_wait3A_63] : memref<8192x64xf32, #tpu.memory_space<hbm>> -> memref<8192x64xf32, #tpu.memory_space<hbm>>
    tpu.wait_indirect_dma semaphore(%arg7 : memref<!tpu.dma_semaphore, #tpu.memory_space<semaphore_mem>>) src(%dma_wait3A_64 : memref<8192x64xf32, #tpu.memory_space<hbm>>) dst(%arg6 : memref<128x64xf32, #tpu.memory_space<vmem>>)
    "tpu.region"() ({
      %run_scoped3A = tpu.sem_alloc : memref<!tpu.dma_semaphore, #tpu.memory_space<semaphore_mem>>
      %dma_start3A_81 = arith.constant 0 : i32
      %dma_start3A_82 = tpu.memref_slice %arg4[%add3A_58, %dma_start3A_81] : memref<40960x64xf32, #tpu.memory_space<hbm>> -> memref<128x64xf32, #tpu.memory_space<hbm>>
      %dma_start3A_83 = arith.constant 0 : i32
      %dma_start3A_84 = tpu.memref_slice %arg4[%add3A_58, %dma_start3A_83] : memref<40960x64xf32, #tpu.memory_space<hbm>> -> memref<128x64xf32, #tpu.memory_space<hbm>>
      tpu.enqueue_dma source(%arg6 : memref<128x64xf32, #tpu.memory_space<vmem>>) target(%dma_start3A_84 : memref<128x64xf32, #tpu.memory_space<hbm>>) target_semaphore(%run_scoped3A : memref<!tpu.dma_semaphore, #tpu.memory_space<semaphore_mem>>)
      %dma_wait3A_85 = arith.constant 0 : i32
      %dma_wait3A_86 = tpu.memref_slice %arg4[%add3A_58, %dma_wait3A_85] : memref<40960x64xf32, #tpu.memory_space<hbm>> -> memref<128x64xf32, #tpu.memory_space<hbm>>
      %dma_wait3A_87 = arith.constant 0 : i32
      %dma_wait3A_88 = tpu.memref_slice %arg4[%add3A_58, %dma_wait3A_87] : memref<40960x64xf32, #tpu.memory_space<hbm>> -> memref<128x64xf32, #tpu.memory_space<hbm>>
      tpu.wait_dma2 semaphore(%run_scoped3A : memref<!tpu.dma_semaphore, #tpu.memory_space<semaphore_mem>>) src(%arg6 : memref<128x64xf32, #tpu.memory_space<vmem>>) dst(%dma_wait3A_88 : memref<128x64xf32, #tpu.memory_space<hbm>>)
      tpu.yield
    }) : () -> ()
    %add3A_65 = arith.constant 1024 : i32
    %add3A_66 = arith.addi %mul3A_2, %add3A_65 : i32
    "tpu.region"() ({
      %run_scoped3A = tpu.sem_alloc : memref<!tpu.dma_semaphore, #tpu.memory_space<semaphore_mem>>
      %dma_start3A_81 = tpu.memref_slice %arg3[%add3A_66] : memref<40960xi32, #tpu.memory_space<hbm>> -> memref<128xi32, #tpu.memory_space<hbm>>
      %dma_start3A_82 = tpu.memref_slice %arg3[%add3A_66] : memref<40960xi32, #tpu.memory_space<hbm>> -> memref<128xi32, #tpu.memory_space<hbm>>
      tpu.enqueue_dma source(%dma_start3A_82 : memref<128xi32, #tpu.memory_space<hbm>>) target(%arg5 : memref<128xi32, #tpu.memory_space<vmem>>) target_semaphore(%run_scoped3A : memref<!tpu.dma_semaphore, #tpu.memory_space<semaphore_mem>>)
      %dma_wait3A_83 = tpu.memref_slice %arg3[%add3A_66] : memref<40960xi32, #tpu.memory_space<hbm>> -> memref<128xi32, #tpu.memory_space<hbm>>
      %dma_wait3A_84 = tpu.memref_slice %arg3[%add3A_66] : memref<40960xi32, #tpu.memory_space<hbm>> -> memref<128xi32, #tpu.memory_space<hbm>>
      tpu.wait_dma2 semaphore(%run_scoped3A : memref<!tpu.dma_semaphore, #tpu.memory_space<semaphore_mem>>) src(%dma_wait3A_84 : memref<128xi32, #tpu.memory_space<hbm>>) dst(%arg5 : memref<128xi32, #tpu.memory_space<vmem>>)
      tpu.yield
    }) : () -> ()
    %dma_start3A_67 = arith.constant 0 : i32
    %dma_start3A_68 = arith.constant 0 : i32
    %dma_start3A_69 = tpu.memref_slice %arg2[%dma_start3A_67, %dma_start3A_68] : memref<8192x64xf32, #tpu.memory_space<hbm>> -> memref<8192x64xf32, #tpu.memory_space<hbm>>
    tpu.enqueue_indirect_dma source(%dma_start3A_69 : memref<8192x64xf32, #tpu.memory_space<hbm>>) target(%arg6 : memref<128x64xf32, #tpu.memory_space<vmem>>) offsets(%arg5 : memref<128xi32, #tpu.memory_space<vmem>>) semaphore(%arg7 : memref<!tpu.dma_semaphore, #tpu.memory_space<semaphore_mem>>)
    %dma_wait3A_70 = arith.constant 0 : i32
    %dma_wait3A_71 = arith.constant 0 : i32
    %dma_wait3A_72 = tpu.memref_slice %arg2[%dma_wait3A_70, %dma_wait3A_71] : memref<8192x64xf32, #tpu.memory_space<hbm>> -> memref<8192x64xf32, #tpu.memory_space<hbm>>
    tpu.wait_indirect_dma semaphore(%arg7 : memref<!tpu.dma_semaphore, #tpu.memory_space<semaphore_mem>>) src(%dma_wait3A_72 : memref<8192x64xf32, #tpu.memory_space<hbm>>) dst(%arg6 : memref<128x64xf32, #tpu.memory_space<vmem>>)
    "tpu.region"() ({
      %run_scoped3A = tpu.sem_alloc : memref<!tpu.dma_semaphore, #tpu.memory_space<semaphore_mem>>
      %dma_start3A_81 = arith.constant 0 : i32
      %dma_start3A_82 = tpu.memref_slice %arg4[%add3A_66, %dma_start3A_81] : memref<40960x64xf32, #tpu.memory_space<hbm>> -> memref<128x64xf32, #tpu.memory_space<hbm>>
      %dma_start3A_83 = arith.constant 0 : i32
      %dma_start3A_84 = tpu.memref_slice %arg4[%add3A_66, %dma_start3A_83] : memref<40960x64xf32, #tpu.memory_space<hbm>> -> memref<128x64xf32, #tpu.memory_space<hbm>>
      tpu.enqueue_dma source(%arg6 : memref<128x64xf32, #tpu.memory_space<vmem>>) target(%dma_start3A_84 : memref<128x64xf32, #tpu.memory_space<hbm>>) target_semaphore(%run_scoped3A : memref<!tpu.dma_semaphore, #tpu.memory_space<semaphore_mem>>)
      %dma_wait3A_85 = arith.constant 0 : i32
      %dma_wait3A_86 = tpu.memref_slice %arg4[%add3A_66, %dma_wait3A_85] : memref<40960x64xf32, #tpu.memory_space<hbm>> -> memref<128x64xf32, #tpu.memory_space<hbm>>
      %dma_wait3A_87 = arith.constant 0 : i32
      %dma_wait3A_88 = tpu.memref_slice %arg4[%add3A_66, %dma_wait3A_87] : memref<40960x64xf32, #tpu.memory_space<hbm>> -> memref<128x64xf32, #tpu.memory_space<hbm>>
      tpu.wait_dma2 semaphore(%run_scoped3A : memref<!tpu.dma_semaphore, #tpu.memory_space<semaphore_mem>>) src(%arg6 : memref<128x64xf32, #tpu.memory_space<vmem>>) dst(%dma_wait3A_88 : memref<128x64xf32, #tpu.memory_space<hbm>>)
      tpu.yield
    }) : () -> ()
    %add3A_73 = arith.constant 1152 : i32
    %add3A_74 = arith.addi %mul3A_2, %add3A_73 : i32
    "tpu.region"() ({
      %run_scoped3A = tpu.sem_alloc : memref<!tpu.dma_semaphore, #tpu.memory_space<semaphore_mem>>
      %dma_start3A_81 = tpu.memref_slice %arg3[%add3A_74] : memref<40960xi32, #tpu.memory_space<hbm>> -> memref<128xi32, #tpu.memory_space<hbm>>
      %dma_start3A_82 = tpu.memref_slice %arg3[%add3A_74] : memref<40960xi32, #tpu.memory_space<hbm>> -> memref<128xi32, #tpu.memory_space<hbm>>
      tpu.enqueue_dma source(%dma_start3A_82 : memref<128xi32, #tpu.memory_space<hbm>>) target(%arg5 : memref<128xi32, #tpu.memory_space<vmem>>) target_semaphore(%run_scoped3A : memref<!tpu.dma_semaphore, #tpu.memory_space<semaphore_mem>>)
      %dma_wait3A_83 = tpu.memref_slice %arg3[%add3A_74] : memref<40960xi32, #tpu.memory_space<hbm>> -> memref<128xi32, #tpu.memory_space<hbm>>
      %dma_wait3A_84 = tpu.memref_slice %arg3[%add3A_74] : memref<40960xi32, #tpu.memory_space<hbm>> -> memref<128xi32, #tpu.memory_space<hbm>>
      tpu.wait_dma2 semaphore(%run_scoped3A : memref<!tpu.dma_semaphore, #tpu.memory_space<semaphore_mem>>) src(%dma_wait3A_84 : memref<128xi32, #tpu.memory_space<hbm>>) dst(%arg5 : memref<128xi32, #tpu.memory_space<vmem>>)
      tpu.yield
    }) : () -> ()
    %dma_start3A_75 = arith.constant 0 : i32
    %dma_start3A_76 = arith.constant 0 : i32
    %dma_start3A_77 = tpu.memref_slice %arg2[%dma_start3A_75, %dma_start3A_76] : memref<8192x64xf32, #tpu.memory_space<hbm>> -> memref<8192x64xf32, #tpu.memory_space<hbm>>
    tpu.enqueue_indirect_dma source(%dma_start3A_77 : memref<8192x64xf32, #tpu.memory_space<hbm>>) target(%arg6 : memref<128x64xf32, #tpu.memory_space<vmem>>) offsets(%arg5 : memref<128xi32, #tpu.memory_space<vmem>>) semaphore(%arg7 : memref<!tpu.dma_semaphore, #tpu.memory_space<semaphore_mem>>)
    %dma_wait3A_78 = arith.constant 0 : i32
    %dma_wait3A_79 = arith.constant 0 : i32
    %dma_wait3A_80 = tpu.memref_slice %arg2[%dma_wait3A_78, %dma_wait3A_79] : memref<8192x64xf32, #tpu.memory_space<hbm>> -> memref<8192x64xf32, #tpu.memory_space<hbm>>
    tpu.wait_indirect_dma semaphore(%arg7 : memref<!tpu.dma_semaphore, #tpu.memory_space<semaphore_mem>>) src(%dma_wait3A_80 : memref<8192x64xf32, #tpu.memory_space<hbm>>) dst(%arg6 : memref<128x64xf32, #tpu.memory_space<vmem>>)
    "tpu.region"() ({
      %run_scoped3A = tpu.sem_alloc : memref<!tpu.dma_semaphore, #tpu.memory_space<semaphore_mem>>
      %dma_start3A_81 = arith.constant 0 : i32
      %dma_start3A_82 = tpu.memref_slice %arg4[%add3A_74, %dma_start3A_81] : memref<40960x64xf32, #tpu.memory_space<hbm>> -> memref<128x64xf32, #tpu.memory_space<hbm>>
      %dma_start3A_83 = arith.constant 0 : i32
      %dma_start3A_84 = tpu.memref_slice %arg4[%add3A_74, %dma_start3A_83] : memref<40960x64xf32, #tpu.memory_space<hbm>> -> memref<128x64xf32, #tpu.memory_space<hbm>>
      tpu.enqueue_dma source(%arg6 : memref<128x64xf32, #tpu.memory_space<vmem>>) target(%dma_start3A_84 : memref<128x64xf32, #tpu.memory_space<hbm>>) target_semaphore(%run_scoped3A : memref<!tpu.dma_semaphore, #tpu.memory_space<semaphore_mem>>)
      %dma_wait3A_85 = arith.constant 0 : i32
      %dma_wait3A_86 = tpu.memref_slice %arg4[%add3A_74, %dma_wait3A_85] : memref<40960x64xf32, #tpu.memory_space<hbm>> -> memref<128x64xf32, #tpu.memory_space<hbm>>
      %dma_wait3A_87 = arith.constant 0 : i32
      %dma_wait3A_88 = tpu.memref_slice %arg4[%add3A_74, %dma_wait3A_87] : memref<40960x64xf32, #tpu.memory_space<hbm>> -> memref<128x64xf32, #tpu.memory_space<hbm>>
      tpu.wait_dma2 semaphore(%run_scoped3A : memref<!tpu.dma_semaphore, #tpu.memory_space<semaphore_mem>>) src(%arg6 : memref<128x64xf32, #tpu.memory_space<vmem>>) dst(%dma_wait3A_88 : memref<128x64xf32, #tpu.memory_space<hbm>>)
      tpu.yield
    }) : () -> ()
    return
  }
}

module attributes {stable_mosaic.version = 14 : i64} {
  func.func @_knn_body(%arg0: i32, %arg1: memref<32x2xi32, #tpu.memory_space<smem>>, %arg2: memref<256x4xf32, #tpu.memory_space<vmem>>, %arg3: memref<4x8192xf32, #tpu.memory_space<vmem>>, %arg4: memref<256x1xi32, #tpu.memory_space<vmem>>, %arg5: memref<1x8192xi32, #tpu.memory_space<vmem>>, %arg6: memref<256x5xi32, #tpu.memory_space<vmem>>, %arg7: memref<16x256x8xf32, #tpu.memory_space<vmem>>, %arg8: memref<16x256x8xi32, #tpu.memory_space<vmem>>) attributes {dimension_semantics = [#tpu.dimension_semantics<arbitrary>], iteration_bounds = array<i64: 32>, scalar_prefetch = 0 : i64, scratch_operands = 2 : i64, tpu.core_type = #tpu.core_type<tc>, window_params = [{transform_indices = @transform_0, window_bounds = array<i64: 32, 2>}, {transform_indices = @transform_1, window_bounds = array<i64: 256, 4>}, {pipeline_mode = #tpu.pipeline_mode<synchronous>, transform_indices = @transform_2, window_bounds = array<i64: 4, 8192>}, {transform_indices = @transform_3, window_bounds = array<i64: 256, 1>}, {pipeline_mode = #tpu.pipeline_mode<synchronous>, transform_indices = @transform_4, window_bounds = array<i64: 1, 8192>}, {transform_indices = @transform_5, window_bounds = array<i64: 256, 5>}]} {
    %get3A = arith.constant 0 : index
    %get3A_0 = arith.constant 0 : index
    %get3A_1 = vector.load %arg2[%get3A, %get3A_0] : memref<256x4xf32, #tpu.memory_space<vmem>>, vector<256x4xf32>
    %mul3A = arith.mulf %get3A_1, %get3A_1 : vector<256x4xf32>
    %reduce_sum3A = arith.constant dense<0.000000e+00> : vector<256xf32>
    %reduce_sum3A_2 = vector.multi_reduction <add>, %mul3A, %reduce_sum3A [1] : vector<256x4xf32> to vector<256xf32>
    %broadcast_in_dim3A = vector.shape_cast %reduce_sum3A_2 : vector<256xf32> to vector<256x1xf32>
    %get3A_3 = arith.constant 0 : index
    %get3A_4 = arith.constant 0 : index
    %get3A_5 = vector.load %arg4[%get3A_3, %get3A_4] : memref<256x1xi32, #tpu.memory_space<vmem>>, vector<256x1xi32>
    %broadcast_in_dim3A_6 = arith.constant 1.000000e+30 : f32
    %broadcast_in_dim3A_7 = vector.broadcast %broadcast_in_dim3A_6 : f32 to vector<16x256x8xf32>
    %swap3A = arith.constant 0 : index
    %swap3A_8 = arith.constant 0 : index
    %swap3A_9 = arith.constant 0 : index
    %swap3A_10 = vector.load %arg7[%swap3A, %swap3A_8, %swap3A_9] : memref<16x256x8xf32, #tpu.memory_space<vmem>>, vector<16x256x8xf32>
    tpu.vector_store %arg7[%swap3A, %swap3A_8, %swap3A_9], %broadcast_in_dim3A_7 {strides = array<i32>} : memref<16x256x8xf32, #tpu.memory_space<vmem>>, vector<16x256x8xf32>,
    %broadcast_in_dim3A_11 = arith.constant 1073741824 : i32
    %broadcast_in_dim3A_12 = vector.broadcast %broadcast_in_dim3A_11 : i32 to vector<16x256x8xi32>
    %swap3A_13 = arith.constant 0 : index
    %swap3A_14 = arith.constant 0 : index
    %swap3A_15 = arith.constant 0 : index
    %swap3A_16 = vector.load %arg8[%swap3A_13, %swap3A_14, %swap3A_15] : memref<16x256x8xi32, #tpu.memory_space<vmem>>, vector<16x256x8xi32>
    tpu.vector_store %arg8[%swap3A_13, %swap3A_14, %swap3A_15], %broadcast_in_dim3A_12 {strides = array<i32>} : memref<16x256x8xi32, #tpu.memory_space<vmem>>, vector<16x256x8xi32>,
    %get3A_17 = arith.index_cast %arg0 : i32 to index
    %get3A_18 = arith.constant 0 : index
    %get3A_19 = memref.load %arg1[%get3A_17, %get3A_18] : memref<32x2xi32, #tpu.memory_space<smem>>
    %get3A_20 = arith.index_cast %arg0 : i32 to index
    %get3A_21 = arith.constant 1 : index
    %get3A_22 = memref.load %arg1[%get3A_20, %get3A_21] : memref<32x2xi32, #tpu.memory_space<smem>>
    %while3A = arith.constant 0 : i32
    %while3A_23 = arith.subi %get3A_22, %get3A_19 : i32
    %while3A_24 = arith.addi %get3A_19, %while3A_23 : i32
    %while3A_25 = arith.constant 1 : i32
    %while3A_26 = arith.divsi %while3A_23, %while3A_25 : i32
    %while3A_27 = arith.muli %while3A_26, %while3A_25 : i32
    %while3A_28 = arith.addi %get3A_19, %while3A_27 : i32
    %while3A_29 = arith.constant 1 : i32
    %while3A_30 = scf.for %while3A_269 = %get3A_19 to %while3A_28 step %while3A_29 iter_args(%while3A_270 = %while3A) -> (i32)  : i32 {
      %mul3A_271 = arith.constant 512 : i32
      %mul3A_272 = arith.muli %while3A_269, %mul3A_271 : i32
      %get3A_273 = arith.constant 0 : index
      %get3A_274 = arith.index_cast %mul3A_272 : i32 to index
      %get3A_275 = vector.load %arg3[%get3A_273, %get3A_274] : memref<4x8192xf32, #tpu.memory_space<vmem>>, vector<4x512xf32>
      %dot_general3A = arith.constant dense<0.000000e+00> : vector<256x512xf32>
      %dot_general3A_276 = tpu.matmul %get3A_1, %get3A_275, %dot_general3A {dimension_numbers = #tpu.dot_dimension_numbers<[1], [0], [0], [1], [0, 0, 1, 1], [], []>, transpose_lhs_hint = false} : vector<256x4xf32>, vector<4x512xf32>, vector<256x512xf32> -> vector<256x512xf32>
      %mul3A_277 = arith.constant -2.000000e+00 : f32
      %mul3A_278 = vector.broadcast %mul3A_277 : f32 to vector<256x512xf32>
      %mul3A_279 = arith.mulf %dot_general3A_276, %mul3A_278 : vector<256x512xf32>
      %add3A = vector.broadcast %broadcast_in_dim3A : vector<256x1xf32> to vector<256x512xf32>
      %add3A_280 = arith.addf %mul3A_279, %add3A : vector<256x512xf32>
      %mul3A_281 = arith.mulf %get3A_275, %get3A_275 : vector<4x512xf32>
      %reduce_sum3A_282 = arith.constant dense<0.000000e+00> : vector<512xf32>
      %reduce_sum3A_283 = vector.multi_reduction <add>, %mul3A_281, %reduce_sum3A_282 [0] : vector<4x512xf32> to vector<512xf32>
      %broadcast_in_dim3A_284 = vector.shape_cast %reduce_sum3A_283 : vector<512xf32> to vector<1x512xf32>
      %add3A_285 = vector.broadcast %broadcast_in_dim3A_284 : vector<1x512xf32> to vector<256x512xf32>
      %add3A_286 = arith.addf %add3A_280, %add3A_285 : vector<256x512xf32>
      %mul3A_287 = arith.constant 512 : i32
      %mul3A_288 = arith.muli %while3A_269, %mul3A_287 : i32
      %get3A_289 = arith.constant 0 : index
      %get3A_290 = arith.index_cast %mul3A_288 : i32 to index
      %get3A_291 = vector.load %arg5[%get3A_289, %get3A_290] : memref<1x8192xi32, #tpu.memory_space<vmem>>, vector<1x512xi32>
      %eq3A_292 = vector.broadcast %get3A_5 : vector<256x1xi32> to vector<256x512xi32>
      %eq3A_293 = vector.broadcast %get3A_291 : vector<1x512xi32> to vector<256x512xi32>
      %eq3A_294 = arith.cmpi eq, %eq3A_292, %eq3A_293 : vector<256x512xi32>
      %jit3A_295 = arith.constant 1.000000e+30 : f32
      %broadcast_in_dim3A_296 = vector.broadcast %jit3A_295 : f32 to vector<256x512xf32>
      %select_n3A_297 = arith.select %eq3A_294, %add3A_286, %broadcast_in_dim3A_296 : vector<256x512xi1>, vector<256x512xf32>
      %mul3A_298 = arith.constant 512 : i32
      %mul3A_299 = arith.muli %while3A_269, %mul3A_298 : i32
      %iota3A = tpu.iota {dimensions = array<i32: 1>} : vector<256x512xi32>
      %add3A_300 = vector.broadcast %mul3A_299 : i32 to vector<256x512xi32>
      %add3A_301 = arith.addi %add3A_300, %iota3A : vector<256x512xi32>
      %reduce_min3A_302 = arith.constant dense<0x7F800000> : vector<256xf32>
      %reduce_min3A_303 = vector.multi_reduction <minimumf>, %select_n3A_297, %reduce_min3A_302 [1] : vector<256x512xf32> to vector<256xf32>
      %broadcast_in_dim3A_304 = vector.shape_cast %reduce_min3A_303 : vector<256xf32> to vector<256x1xf32>
      %eq3A_305 = vector.broadcast %broadcast_in_dim3A_304 : vector<256x1xf32> to vector<256x512xf32>
      %eq3A_306 = arith.cmpf oeq, %select_n3A_297, %eq3A_305 : vector<256x512xf32>
      %jit3A_307 = arith.constant 1073741824 : i32
      %broadcast_in_dim3A_308 = vector.broadcast %jit3A_307 : i32 to vector<256x512xi32>
      %select_n3A_309 = arith.select %eq3A_306, %add3A_301, %broadcast_in_dim3A_308 : vector<256x512xi1>, vector<256x512xi32>
      %reduce_min3A_310 = arith.constant dense<2147483647> : vector<256xi32>
      %reduce_min3A_311 = vector.multi_reduction <minsi>, %select_n3A_309, %reduce_min3A_310 [1] : vector<256x512xi32> to vector<256xi32>
      %broadcast_in_dim3A_312 = vector.shape_cast %reduce_min3A_311 : vector<256xi32> to vector<256x1xi32>
      %eq3A_313 = vector.broadcast %broadcast_in_dim3A_312 : vector<256x1xi32> to vector<256x512xi32>
      %eq3A_314 = arith.cmpi eq, %add3A_301, %eq3A_313 : vector<256x512xi32>
      %jit3A_315 = arith.constant 0x7F800000 : f32
      %broadcast_in_dim3A_316 = vector.broadcast %jit3A_315 : f32 to vector<256x512xf32>
      %select_n3A_317 = arith.select %eq3A_314, %broadcast_in_dim3A_316, %select_n3A_297 : vector<256x512xi1>, vector<256x512xf32>
      %reduce_min3A_318 = arith.constant dense<0x7F800000> : vector<256xf32>
      %reduce_min3A_319 = vector.multi_reduction <minimumf>, %select_n3A_317, %reduce_min3A_318 [1] : vector<256x512xf32> to vector<256xf32>
      %broadcast_in_dim3A_320 = vector.shape_cast %reduce_min3A_319 : vector<256xf32> to vector<256x1xf32>
      %eq3A_321 = vector.broadcast %broadcast_in_dim3A_320 : vector<256x1xf32> to vector<256x512xf32>
      %eq3A_322 = arith.cmpf oeq, %select_n3A_317, %eq3A_321 : vector<256x512xf32>
      %jit3A_323 = arith.constant 1073741824 : i32
      %broadcast_in_dim3A_324 = vector.broadcast %jit3A_323 : i32 to vector<256x512xi32>
      %select_n3A_325 = arith.select %eq3A_322, %add3A_301, %broadcast_in_dim3A_324 : vector<256x512xi1>, vector<256x512xi32>
      %reduce_min3A_326 = arith.constant dense<2147483647> : vector<256xi32>
      %reduce_min3A_327 = vector.multi_reduction <minsi>, %select_n3A_325, %reduce_min3A_326 [1] : vector<256x512xi32> to vector<256xi32>
      %broadcast_in_dim3A_328 = vector.shape_cast %reduce_min3A_327 : vector<256xi32> to vector<256x1xi32>
      %eq3A_329 = vector.broadcast %broadcast_in_dim3A_328 : vector<256x1xi32> to vector<256x512xi32>
      %eq3A_330 = arith.cmpi eq, %add3A_301, %eq3A_329 : vector<256x512xi32>
      %jit3A_331 = arith.constant 0x7F800000 : f32
      %broadcast_in_dim3A_332 = vector.broadcast %jit3A_331 : f32 to vector<256x512xf32>
      %select_n3A_333 = arith.select %eq3A_330, %broadcast_in_dim3A_332, %select_n3A_317 : vector<256x512xi1>, vector<256x512xf32>
      %reduce_min3A_334 = arith.constant dense<0x7F800000> : vector<256xf32>
      %reduce_min3A_335 = vector.multi_reduction <minimumf>, %select_n3A_333, %reduce_min3A_334 [1] : vector<256x512xf32> to vector<256xf32>
      %broadcast_in_dim3A_336 = vector.shape_cast %reduce_min3A_335 : vector<256xf32> to vector<256x1xf32>
      %eq3A_337 = vector.broadcast %broadcast_in_dim3A_336 : vector<256x1xf32> to vector<256x512xf32>
      %eq3A_338 = arith.cmpf oeq, %select_n3A_333, %eq3A_337 : vector<256x512xf32>
      %jit3A_339 = arith.constant 1073741824 : i32
      %broadcast_in_dim3A_340 = vector.broadcast %jit3A_339 : i32 to vector<256x512xi32>
      %select_n3A_341 = arith.select %eq3A_338, %add3A_301, %broadcast_in_dim3A_340 : vector<256x512xi1>, vector<256x512xi32>
      %reduce_min3A_342 = arith.constant dense<2147483647> : vector<256xi32>
      %reduce_min3A_343 = vector.multi_reduction <minsi>, %select_n3A_341, %reduce_min3A_342 [1] : vector<256x512xi32> to vector<256xi32>
      %broadcast_in_dim3A_344 = vector.shape_cast %reduce_min3A_343 : vector<256xi32> to vector<256x1xi32>
      %eq3A_345 = vector.broadcast %broadcast_in_dim3A_344 : vector<256x1xi32> to vector<256x512xi32>
      %eq3A_346 = arith.cmpi eq, %add3A_301, %eq3A_345 : vector<256x512xi32>
      %jit3A_347 = arith.constant 0x7F800000 : f32
      %broadcast_in_dim3A_348 = vector.broadcast %jit3A_347 : f32 to vector<256x512xf32>
      %select_n3A_349 = arith.select %eq3A_346, %broadcast_in_dim3A_348, %select_n3A_333 : vector<256x512xi1>, vector<256x512xf32>
      %reduce_min3A_350 = arith.constant dense<0x7F800000> : vector<256xf32>
      %reduce_min3A_351 = vector.multi_reduction <minimumf>, %select_n3A_349, %reduce_min3A_350 [1] : vector<256x512xf32> to vector<256xf32>
      %broadcast_in_dim3A_352 = vector.shape_cast %reduce_min3A_351 : vector<256xf32> to vector<256x1xf32>
      %eq3A_353 = vector.broadcast %broadcast_in_dim3A_352 : vector<256x1xf32> to vector<256x512xf32>
      %eq3A_354 = arith.cmpf oeq, %select_n3A_349, %eq3A_353 : vector<256x512xf32>
      %jit3A_355 = arith.constant 1073741824 : i32
      %broadcast_in_dim3A_356 = vector.broadcast %jit3A_355 : i32 to vector<256x512xi32>
      %select_n3A_357 = arith.select %eq3A_354, %add3A_301, %broadcast_in_dim3A_356 : vector<256x512xi1>, vector<256x512xi32>
      %reduce_min3A_358 = arith.constant dense<2147483647> : vector<256xi32>
      %reduce_min3A_359 = vector.multi_reduction <minsi>, %select_n3A_357, %reduce_min3A_358 [1] : vector<256x512xi32> to vector<256xi32>
      %broadcast_in_dim3A_360 = vector.shape_cast %reduce_min3A_359 : vector<256xi32> to vector<256x1xi32>
      %eq3A_361 = vector.broadcast %broadcast_in_dim3A_360 : vector<256x1xi32> to vector<256x512xi32>
      %eq3A_362 = arith.cmpi eq, %add3A_301, %eq3A_361 : vector<256x512xi32>
      %jit3A_363 = arith.constant 0x7F800000 : f32
      %broadcast_in_dim3A_364 = vector.broadcast %jit3A_363 : f32 to vector<256x512xf32>
      %select_n3A_365 = arith.select %eq3A_362, %broadcast_in_dim3A_364, %select_n3A_349 : vector<256x512xi1>, vector<256x512xf32>
      %reduce_min3A_366 = arith.constant dense<0x7F800000> : vector<256xf32>
      %reduce_min3A_367 = vector.multi_reduction <minimumf>, %select_n3A_365, %reduce_min3A_366 [1] : vector<256x512xf32> to vector<256xf32>
      %broadcast_in_dim3A_368 = vector.shape_cast %reduce_min3A_367 : vector<256xf32> to vector<256x1xf32>
      %eq3A_369 = vector.broadcast %broadcast_in_dim3A_368 : vector<256x1xf32> to vector<256x512xf32>
      %eq3A_370 = arith.cmpf oeq, %select_n3A_365, %eq3A_369 : vector<256x512xf32>
      %jit3A_371 = arith.constant 1073741824 : i32
      %broadcast_in_dim3A_372 = vector.broadcast %jit3A_371 : i32 to vector<256x512xi32>
      %select_n3A_373 = arith.select %eq3A_370, %add3A_301, %broadcast_in_dim3A_372 : vector<256x512xi1>, vector<256x512xi32>
      %reduce_min3A_374 = arith.constant dense<2147483647> : vector<256xi32>
      %reduce_min3A_375 = vector.multi_reduction <minsi>, %select_n3A_373, %reduce_min3A_374 [1] : vector<256x512xi32> to vector<256xi32>
      %broadcast_in_dim3A_376 = vector.shape_cast %reduce_min3A_375 : vector<256xi32> to vector<256x1xi32>
      %eq3A_377 = vector.broadcast %broadcast_in_dim3A_376 : vector<256x1xi32> to vector<256x512xi32>
      %eq3A_378 = arith.cmpi eq, %add3A_301, %eq3A_377 : vector<256x512xi32>
      %jit3A_379 = arith.constant 0x7F800000 : f32
      %broadcast_in_dim3A_380 = vector.broadcast %jit3A_379 : f32 to vector<256x512xf32>
      %select_n3A_381 = arith.select %eq3A_378, %broadcast_in_dim3A_380, %select_n3A_365 : vector<256x512xi1>, vector<256x512xf32>
      %broadcast_in_dim3A_382 = arith.constant 1.000000e+30 : f32
      %broadcast_in_dim3A_383 = vector.broadcast %broadcast_in_dim3A_382 : f32 to vector<256x3xf32>
      %broadcast_in_dim3A_384 = arith.constant 1073741824 : i32
      %broadcast_in_dim3A_385 = vector.broadcast %broadcast_in_dim3A_384 : i32 to vector<256x3xi32>
      %concatenate3A_386 = tpu.concatenate %broadcast_in_dim3A_304, %broadcast_in_dim3A_320, %broadcast_in_dim3A_336, %broadcast_in_dim3A_352, %broadcast_in_dim3A_368, %broadcast_in_dim3A_383 in 1 : vector<256x1xf32>, vector<256x1xf32>, vector<256x1xf32>, vector<256x1xf32>, vector<256x1xf32>, vector<256x3xf32> -> vector<256x8xf32>
      %swap3A_387 = arith.index_cast %while3A_269 : i32 to index
      %swap3A_388 = arith.constant 0 : index
      %swap3A_389 = arith.constant 0 : index
      %swap3A_390 = vector.load %arg7[%swap3A_387, %swap3A_388, %swap3A_389] : memref<16x256x8xf32, #tpu.memory_space<vmem>>, vector<1x256x8xf32>
      %swap3A_391 = vector.shape_cast %swap3A_390 : vector<1x256x8xf32> to vector<256x8xf32>
      %swap3A_392 = vector.shape_cast %concatenate3A_386 : vector<256x8xf32> to vector<1x256x8xf32>
      tpu.vector_store %arg7[%swap3A_387, %swap3A_388, %swap3A_389], %swap3A_392 {strides = array<i32>} : memref<16x256x8xf32, #tpu.memory_space<vmem>>, vector<1x256x8xf32>,
      %concatenate3A_393 = tpu.concatenate %broadcast_in_dim3A_312, %broadcast_in_dim3A_328, %broadcast_in_dim3A_344, %broadcast_in_dim3A_360, %broadcast_in_dim3A_376, %broadcast_in_dim3A_385 in 1 : vector<256x1xi32>, vector<256x1xi32>, vector<256x1xi32>, vector<256x1xi32>, vector<256x1xi32>, vector<256x3xi32> -> vector<256x8xi32>
      %swap3A_394 = arith.index_cast %while3A_269 : i32 to index
      %swap3A_395 = arith.constant 0 : index
      %swap3A_396 = arith.constant 0 : index
      %swap3A_397 = vector.load %arg8[%swap3A_394, %swap3A_395, %swap3A_396] : memref<16x256x8xi32, #tpu.memory_space<vmem>>, vector<1x256x8xi32>
      %swap3A_398 = vector.shape_cast %swap3A_397 : vector<1x256x8xi32> to vector<256x8xi32>
      %swap3A_399 = vector.shape_cast %concatenate3A_393 : vector<256x8xi32> to vector<1x256x8xi32>
      tpu.vector_store %arg8[%swap3A_394, %swap3A_395, %swap3A_396], %swap3A_399 {strides = array<i32>} : memref<16x256x8xi32, #tpu.memory_space<vmem>>, vector<1x256x8xi32>,
      %while3A_400 = arith.constant 0 : i32
      scf.yield %while3A_400 : i32
    }
    %while3A_31 = arith.constant 1 : i32
    %while3A_32 = scf.for %while3A_269 = %while3A_28 to %while3A_24 step %while3A_31 iter_args(%while3A_270 = %while3A_30) -> (i32)  : i32 {
      %mul3A_271 = arith.constant 512 : i32
      %mul3A_272 = arith.muli %while3A_269, %mul3A_271 : i32
      %get3A_273 = arith.constant 0 : index
      %get3A_274 = arith.index_cast %mul3A_272 : i32 to index
      %get3A_275 = vector.load %arg3[%get3A_273, %get3A_274] : memref<4x8192xf32, #tpu.memory_space<vmem>>, vector<4x512xf32>
      %dot_general3A = arith.constant dense<0.000000e+00> : vector<256x512xf32>
      %dot_general3A_276 = tpu.matmul %get3A_1, %get3A_275, %dot_general3A {dimension_numbers = #tpu.dot_dimension_numbers<[1], [0], [0], [1], [0, 0, 1, 1], [], []>, transpose_lhs_hint = false} : vector<256x4xf32>, vector<4x512xf32>, vector<256x512xf32> -> vector<256x512xf32>
      %mul3A_277 = arith.constant -2.000000e+00 : f32
      %mul3A_278 = vector.broadcast %mul3A_277 : f32 to vector<256x512xf32>
      %mul3A_279 = arith.mulf %dot_general3A_276, %mul3A_278 : vector<256x512xf32>
      %add3A = vector.broadcast %broadcast_in_dim3A : vector<256x1xf32> to vector<256x512xf32>
      %add3A_280 = arith.addf %mul3A_279, %add3A : vector<256x512xf32>
      %mul3A_281 = arith.mulf %get3A_275, %get3A_275 : vector<4x512xf32>
      %reduce_sum3A_282 = arith.constant dense<0.000000e+00> : vector<512xf32>
      %reduce_sum3A_283 = vector.multi_reduction <add>, %mul3A_281, %reduce_sum3A_282 [0] : vector<4x512xf32> to vector<512xf32>
      %broadcast_in_dim3A_284 = vector.shape_cast %reduce_sum3A_283 : vector<512xf32> to vector<1x512xf32>
      %add3A_285 = vector.broadcast %broadcast_in_dim3A_284 : vector<1x512xf32> to vector<256x512xf32>
      %add3A_286 = arith.addf %add3A_280, %add3A_285 : vector<256x512xf32>
      %mul3A_287 = arith.constant 512 : i32
      %mul3A_288 = arith.muli %while3A_269, %mul3A_287 : i32
      %get3A_289 = arith.constant 0 : index
      %get3A_290 = arith.index_cast %mul3A_288 : i32 to index
      %get3A_291 = vector.load %arg5[%get3A_289, %get3A_290] : memref<1x8192xi32, #tpu.memory_space<vmem>>, vector<1x512xi32>
      %eq3A_292 = vector.broadcast %get3A_5 : vector<256x1xi32> to vector<256x512xi32>
      %eq3A_293 = vector.broadcast %get3A_291 : vector<1x512xi32> to vector<256x512xi32>
      %eq3A_294 = arith.cmpi eq, %eq3A_292, %eq3A_293 : vector<256x512xi32>
      %jit3A_295 = arith.constant 1.000000e+30 : f32
      %broadcast_in_dim3A_296 = vector.broadcast %jit3A_295 : f32 to vector<256x512xf32>
      %select_n3A_297 = arith.select %eq3A_294, %add3A_286, %broadcast_in_dim3A_296 : vector<256x512xi1>, vector<256x512xf32>
      %mul3A_298 = arith.constant 512 : i32
      %mul3A_299 = arith.muli %while3A_269, %mul3A_298 : i32
      %iota3A = tpu.iota {dimensions = array<i32: 1>} : vector<256x512xi32>
      %add3A_300 = vector.broadcast %mul3A_299 : i32 to vector<256x512xi32>
      %add3A_301 = arith.addi %add3A_300, %iota3A : vector<256x512xi32>
      %reduce_min3A_302 = arith.constant dense<0x7F800000> : vector<256xf32>
      %reduce_min3A_303 = vector.multi_reduction <minimumf>, %select_n3A_297, %reduce_min3A_302 [1] : vector<256x512xf32> to vector<256xf32>
      %broadcast_in_dim3A_304 = vector.shape_cast %reduce_min3A_303 : vector<256xf32> to vector<256x1xf32>
      %eq3A_305 = vector.broadcast %broadcast_in_dim3A_304 : vector<256x1xf32> to vector<256x512xf32>
      %eq3A_306 = arith.cmpf oeq, %select_n3A_297, %eq3A_305 : vector<256x512xf32>
      %jit3A_307 = arith.constant 1073741824 : i32
      %broadcast_in_dim3A_308 = vector.broadcast %jit3A_307 : i32 to vector<256x512xi32>
      %select_n3A_309 = arith.select %eq3A_306, %add3A_301, %broadcast_in_dim3A_308 : vector<256x512xi1>, vector<256x512xi32>
      %reduce_min3A_310 = arith.constant dense<2147483647> : vector<256xi32>
      %reduce_min3A_311 = vector.multi_reduction <minsi>, %select_n3A_309, %reduce_min3A_310 [1] : vector<256x512xi32> to vector<256xi32>
      %broadcast_in_dim3A_312 = vector.shape_cast %reduce_min3A_311 : vector<256xi32> to vector<256x1xi32>
      %eq3A_313 = vector.broadcast %broadcast_in_dim3A_312 : vector<256x1xi32> to vector<256x512xi32>
      %eq3A_314 = arith.cmpi eq, %add3A_301, %eq3A_313 : vector<256x512xi32>
      %jit3A_315 = arith.constant 0x7F800000 : f32
      %broadcast_in_dim3A_316 = vector.broadcast %jit3A_315 : f32 to vector<256x512xf32>
      %select_n3A_317 = arith.select %eq3A_314, %broadcast_in_dim3A_316, %select_n3A_297 : vector<256x512xi1>, vector<256x512xf32>
      %reduce_min3A_318 = arith.constant dense<0x7F800000> : vector<256xf32>
      %reduce_min3A_319 = vector.multi_reduction <minimumf>, %select_n3A_317, %reduce_min3A_318 [1] : vector<256x512xf32> to vector<256xf32>
      %broadcast_in_dim3A_320 = vector.shape_cast %reduce_min3A_319 : vector<256xf32> to vector<256x1xf32>
      %eq3A_321 = vector.broadcast %broadcast_in_dim3A_320 : vector<256x1xf32> to vector<256x512xf32>
      %eq3A_322 = arith.cmpf oeq, %select_n3A_317, %eq3A_321 : vector<256x512xf32>
      %jit3A_323 = arith.constant 1073741824 : i32
      %broadcast_in_dim3A_324 = vector.broadcast %jit3A_323 : i32 to vector<256x512xi32>
      %select_n3A_325 = arith.select %eq3A_322, %add3A_301, %broadcast_in_dim3A_324 : vector<256x512xi1>, vector<256x512xi32>
      %reduce_min3A_326 = arith.constant dense<2147483647> : vector<256xi32>
      %reduce_min3A_327 = vector.multi_reduction <minsi>, %select_n3A_325, %reduce_min3A_326 [1] : vector<256x512xi32> to vector<256xi32>
      %broadcast_in_dim3A_328 = vector.shape_cast %reduce_min3A_327 : vector<256xi32> to vector<256x1xi32>
      %eq3A_329 = vector.broadcast %broadcast_in_dim3A_328 : vector<256x1xi32> to vector<256x512xi32>
      %eq3A_330 = arith.cmpi eq, %add3A_301, %eq3A_329 : vector<256x512xi32>
      %jit3A_331 = arith.constant 0x7F800000 : f32
      %broadcast_in_dim3A_332 = vector.broadcast %jit3A_331 : f32 to vector<256x512xf32>
      %select_n3A_333 = arith.select %eq3A_330, %broadcast_in_dim3A_332, %select_n3A_317 : vector<256x512xi1>, vector<256x512xf32>
      %reduce_min3A_334 = arith.constant dense<0x7F800000> : vector<256xf32>
      %reduce_min3A_335 = vector.multi_reduction <minimumf>, %select_n3A_333, %reduce_min3A_334 [1] : vector<256x512xf32> to vector<256xf32>
      %broadcast_in_dim3A_336 = vector.shape_cast %reduce_min3A_335 : vector<256xf32> to vector<256x1xf32>
      %eq3A_337 = vector.broadcast %broadcast_in_dim3A_336 : vector<256x1xf32> to vector<256x512xf32>
      %eq3A_338 = arith.cmpf oeq, %select_n3A_333, %eq3A_337 : vector<256x512xf32>
      %jit3A_339 = arith.constant 1073741824 : i32
      %broadcast_in_dim3A_340 = vector.broadcast %jit3A_339 : i32 to vector<256x512xi32>
      %select_n3A_341 = arith.select %eq3A_338, %add3A_301, %broadcast_in_dim3A_340 : vector<256x512xi1>, vector<256x512xi32>
      %reduce_min3A_342 = arith.constant dense<2147483647> : vector<256xi32>
      %reduce_min3A_343 = vector.multi_reduction <minsi>, %select_n3A_341, %reduce_min3A_342 [1] : vector<256x512xi32> to vector<256xi32>
      %broadcast_in_dim3A_344 = vector.shape_cast %reduce_min3A_343 : vector<256xi32> to vector<256x1xi32>
      %eq3A_345 = vector.broadcast %broadcast_in_dim3A_344 : vector<256x1xi32> to vector<256x512xi32>
      %eq3A_346 = arith.cmpi eq, %add3A_301, %eq3A_345 : vector<256x512xi32>
      %jit3A_347 = arith.constant 0x7F800000 : f32
      %broadcast_in_dim3A_348 = vector.broadcast %jit3A_347 : f32 to vector<256x512xf32>
      %select_n3A_349 = arith.select %eq3A_346, %broadcast_in_dim3A_348, %select_n3A_333 : vector<256x512xi1>, vector<256x512xf32>
      %reduce_min3A_350 = arith.constant dense<0x7F800000> : vector<256xf32>
      %reduce_min3A_351 = vector.multi_reduction <minimumf>, %select_n3A_349, %reduce_min3A_350 [1] : vector<256x512xf32> to vector<256xf32>
      %broadcast_in_dim3A_352 = vector.shape_cast %reduce_min3A_351 : vector<256xf32> to vector<256x1xf32>
      %eq3A_353 = vector.broadcast %broadcast_in_dim3A_352 : vector<256x1xf32> to vector<256x512xf32>
      %eq3A_354 = arith.cmpf oeq, %select_n3A_349, %eq3A_353 : vector<256x512xf32>
      %jit3A_355 = arith.constant 1073741824 : i32
      %broadcast_in_dim3A_356 = vector.broadcast %jit3A_355 : i32 to vector<256x512xi32>
      %select_n3A_357 = arith.select %eq3A_354, %add3A_301, %broadcast_in_dim3A_356 : vector<256x512xi1>, vector<256x512xi32>
      %reduce_min3A_358 = arith.constant dense<2147483647> : vector<256xi32>
      %reduce_min3A_359 = vector.multi_reduction <minsi>, %select_n3A_357, %reduce_min3A_358 [1] : vector<256x512xi32> to vector<256xi32>
      %broadcast_in_dim3A_360 = vector.shape_cast %reduce_min3A_359 : vector<256xi32> to vector<256x1xi32>
      %eq3A_361 = vector.broadcast %broadcast_in_dim3A_360 : vector<256x1xi32> to vector<256x512xi32>
      %eq3A_362 = arith.cmpi eq, %add3A_301, %eq3A_361 : vector<256x512xi32>
      %jit3A_363 = arith.constant 0x7F800000 : f32
      %broadcast_in_dim3A_364 = vector.broadcast %jit3A_363 : f32 to vector<256x512xf32>
      %select_n3A_365 = arith.select %eq3A_362, %broadcast_in_dim3A_364, %select_n3A_349 : vector<256x512xi1>, vector<256x512xf32>
      %reduce_min3A_366 = arith.constant dense<0x7F800000> : vector<256xf32>
      %reduce_min3A_367 = vector.multi_reduction <minimumf>, %select_n3A_365, %reduce_min3A_366 [1] : vector<256x512xf32> to vector<256xf32>
      %broadcast_in_dim3A_368 = vector.shape_cast %reduce_min3A_367 : vector<256xf32> to vector<256x1xf32>
      %eq3A_369 = vector.broadcast %broadcast_in_dim3A_368 : vector<256x1xf32> to vector<256x512xf32>
      %eq3A_370 = arith.cmpf oeq, %select_n3A_365, %eq3A_369 : vector<256x512xf32>
      %jit3A_371 = arith.constant 1073741824 : i32
      %broadcast_in_dim3A_372 = vector.broadcast %jit3A_371 : i32 to vector<256x512xi32>
      %select_n3A_373 = arith.select %eq3A_370, %add3A_301, %broadcast_in_dim3A_372 : vector<256x512xi1>, vector<256x512xi32>
      %reduce_min3A_374 = arith.constant dense<2147483647> : vector<256xi32>
      %reduce_min3A_375 = vector.multi_reduction <minsi>, %select_n3A_373, %reduce_min3A_374 [1] : vector<256x512xi32> to vector<256xi32>
      %broadcast_in_dim3A_376 = vector.shape_cast %reduce_min3A_375 : vector<256xi32> to vector<256x1xi32>
      %eq3A_377 = vector.broadcast %broadcast_in_dim3A_376 : vector<256x1xi32> to vector<256x512xi32>
      %eq3A_378 = arith.cmpi eq, %add3A_301, %eq3A_377 : vector<256x512xi32>
      %jit3A_379 = arith.constant 0x7F800000 : f32
      %broadcast_in_dim3A_380 = vector.broadcast %jit3A_379 : f32 to vector<256x512xf32>
      %select_n3A_381 = arith.select %eq3A_378, %broadcast_in_dim3A_380, %select_n3A_365 : vector<256x512xi1>, vector<256x512xf32>
      %broadcast_in_dim3A_382 = arith.constant 1.000000e+30 : f32
      %broadcast_in_dim3A_383 = vector.broadcast %broadcast_in_dim3A_382 : f32 to vector<256x3xf32>
      %broadcast_in_dim3A_384 = arith.constant 1073741824 : i32
      %broadcast_in_dim3A_385 = vector.broadcast %broadcast_in_dim3A_384 : i32 to vector<256x3xi32>
      %concatenate3A_386 = tpu.concatenate %broadcast_in_dim3A_304, %broadcast_in_dim3A_320, %broadcast_in_dim3A_336, %broadcast_in_dim3A_352, %broadcast_in_dim3A_368, %broadcast_in_dim3A_383 in 1 : vector<256x1xf32>, vector<256x1xf32>, vector<256x1xf32>, vector<256x1xf32>, vector<256x1xf32>, vector<256x3xf32> -> vector<256x8xf32>
      %swap3A_387 = arith.index_cast %while3A_269 : i32 to index
      %swap3A_388 = arith.constant 0 : index
      %swap3A_389 = arith.constant 0 : index
      %swap3A_390 = vector.load %arg7[%swap3A_387, %swap3A_388, %swap3A_389] : memref<16x256x8xf32, #tpu.memory_space<vmem>>, vector<1x256x8xf32>
      %swap3A_391 = vector.shape_cast %swap3A_390 : vector<1x256x8xf32> to vector<256x8xf32>
      %swap3A_392 = vector.shape_cast %concatenate3A_386 : vector<256x8xf32> to vector<1x256x8xf32>
      tpu.vector_store %arg7[%swap3A_387, %swap3A_388, %swap3A_389], %swap3A_392 {strides = array<i32>} : memref<16x256x8xf32, #tpu.memory_space<vmem>>, vector<1x256x8xf32>,
      %concatenate3A_393 = tpu.concatenate %broadcast_in_dim3A_312, %broadcast_in_dim3A_328, %broadcast_in_dim3A_344, %broadcast_in_dim3A_360, %broadcast_in_dim3A_376, %broadcast_in_dim3A_385 in 1 : vector<256x1xi32>, vector<256x1xi32>, vector<256x1xi32>, vector<256x1xi32>, vector<256x1xi32>, vector<256x3xi32> -> vector<256x8xi32>
      %swap3A_394 = arith.index_cast %while3A_269 : i32 to index
      %swap3A_395 = arith.constant 0 : index
      %swap3A_396 = arith.constant 0 : index
      %swap3A_397 = vector.load %arg8[%swap3A_394, %swap3A_395, %swap3A_396] : memref<16x256x8xi32, #tpu.memory_space<vmem>>, vector<1x256x8xi32>
      %swap3A_398 = vector.shape_cast %swap3A_397 : vector<1x256x8xi32> to vector<256x8xi32>
      %swap3A_399 = vector.shape_cast %concatenate3A_393 : vector<256x8xi32> to vector<1x256x8xi32>
      tpu.vector_store %arg8[%swap3A_394, %swap3A_395, %swap3A_396], %swap3A_399 {strides = array<i32>} : memref<16x256x8xi32, #tpu.memory_space<vmem>>, vector<1x256x8xi32>,
      %while3A_400 = arith.constant 0 : i32
      scf.yield %while3A_400 : i32
    }
    %get3A_33 = arith.constant 0 : index
    %get3A_34 = arith.constant 0 : index
    %get3A_35 = arith.constant 0 : index
    %get3A_36 = vector.load %arg7[%get3A_33, %get3A_34, %get3A_35] : memref<16x256x8xf32, #tpu.memory_space<vmem>>, vector<1x256x8xf32>
    %get3A_37 = vector.shape_cast %get3A_36 : vector<1x256x8xf32> to vector<256x8xf32>
    %get3A_38 = arith.constant 1 : index
    %get3A_39 = arith.constant 0 : index
    %get3A_40 = arith.constant 0 : index
    %get3A_41 = vector.load %arg7[%get3A_38, %get3A_39, %get3A_40] : memref<16x256x8xf32, #tpu.memory_space<vmem>>, vector<1x256x8xf32>
    %get3A_42 = vector.shape_cast %get3A_41 : vector<1x256x8xf32> to vector<256x8xf32>
    %get3A_43 = arith.constant 2 : index
    %get3A_44 = arith.constant 0 : index
    %get3A_45 = arith.constant 0 : index
    %get3A_46 = vector.load %arg7[%get3A_43, %get3A_44, %get3A_45] : memref<16x256x8xf32, #tpu.memory_space<vmem>>, vector<1x256x8xf32>
    %get3A_47 = vector.shape_cast %get3A_46 : vector<1x256x8xf32> to vector<256x8xf32>
    %get3A_48 = arith.constant 3 : index
    %get3A_49 = arith.constant 0 : index
    %get3A_50 = arith.constant 0 : index
    %get3A_51 = vector.load %arg7[%get3A_48, %get3A_49, %get3A_50] : memref<16x256x8xf32, #tpu.memory_space<vmem>>, vector<1x256x8xf32>
    %get3A_52 = vector.shape_cast %get3A_51 : vector<1x256x8xf32> to vector<256x8xf32>
    %get3A_53 = arith.constant 4 : index
    %get3A_54 = arith.constant 0 : index
    %get3A_55 = arith.constant 0 : index
    %get3A_56 = vector.load %arg7[%get3A_53, %get3A_54, %get3A_55] : memref<16x256x8xf32, #tpu.memory_space<vmem>>, vector<1x256x8xf32>
    %get3A_57 = vector.shape_cast %get3A_56 : vector<1x256x8xf32> to vector<256x8xf32>
    %get3A_58 = arith.constant 5 : index
    %get3A_59 = arith.constant 0 : index
    %get3A_60 = arith.constant 0 : index
    %get3A_61 = vector.load %arg7[%get3A_58, %get3A_59, %get3A_60] : memref<16x256x8xf32, #tpu.memory_space<vmem>>, vector<1x256x8xf32>
    %get3A_62 = vector.shape_cast %get3A_61 : vector<1x256x8xf32> to vector<256x8xf32>
    %get3A_63 = arith.constant 6 : index
    %get3A_64 = arith.constant 0 : index
    %get3A_65 = arith.constant 0 : index
    %get3A_66 = vector.load %arg7[%get3A_63, %get3A_64, %get3A_65] : memref<16x256x8xf32, #tpu.memory_space<vmem>>, vector<1x256x8xf32>
    %get3A_67 = vector.shape_cast %get3A_66 : vector<1x256x8xf32> to vector<256x8xf32>
    %get3A_68 = arith.constant 7 : index
    %get3A_69 = arith.constant 0 : index
    %get3A_70 = arith.constant 0 : index
    %get3A_71 = vector.load %arg7[%get3A_68, %get3A_69, %get3A_70] : memref<16x256x8xf32, #tpu.memory_space<vmem>>, vector<1x256x8xf32>
    %get3A_72 = vector.shape_cast %get3A_71 : vector<1x256x8xf32> to vector<256x8xf32>
    %get3A_73 = arith.constant 8 : index
    %get3A_74 = arith.constant 0 : index
    %get3A_75 = arith.constant 0 : index
    %get3A_76 = vector.load %arg7[%get3A_73, %get3A_74, %get3A_75] : memref<16x256x8xf32, #tpu.memory_space<vmem>>, vector<1x256x8xf32>
    %get3A_77 = vector.shape_cast %get3A_76 : vector<1x256x8xf32> to vector<256x8xf32>
    %get3A_78 = arith.constant 9 : index
    %get3A_79 = arith.constant 0 : index
    %get3A_80 = arith.constant 0 : index
    %get3A_81 = vector.load %arg7[%get3A_78, %get3A_79, %get3A_80] : memref<16x256x8xf32, #tpu.memory_space<vmem>>, vector<1x256x8xf32>
    %get3A_82 = vector.shape_cast %get3A_81 : vector<1x256x8xf32> to vector<256x8xf32>
    %get3A_83 = arith.constant 10 : index
    %get3A_84 = arith.constant 0 : index
    %get3A_85 = arith.constant 0 : index
    %get3A_86 = vector.load %arg7[%get3A_83, %get3A_84, %get3A_85] : memref<16x256x8xf32, #tpu.memory_space<vmem>>, vector<1x256x8xf32>
    %get3A_87 = vector.shape_cast %get3A_86 : vector<1x256x8xf32> to vector<256x8xf32>
    %get3A_88 = arith.constant 11 : index
    %get3A_89 = arith.constant 0 : index
    %get3A_90 = arith.constant 0 : index
    %get3A_91 = vector.load %arg7[%get3A_88, %get3A_89, %get3A_90] : memref<16x256x8xf32, #tpu.memory_space<vmem>>, vector<1x256x8xf32>
    %get3A_92 = vector.shape_cast %get3A_91 : vector<1x256x8xf32> to vector<256x8xf32>
    %get3A_93 = arith.constant 12 : index
    %get3A_94 = arith.constant 0 : index
    %get3A_95 = arith.constant 0 : index
    %get3A_96 = vector.load %arg7[%get3A_93, %get3A_94, %get3A_95] : memref<16x256x8xf32, #tpu.memory_space<vmem>>, vector<1x256x8xf32>
    %get3A_97 = vector.shape_cast %get3A_96 : vector<1x256x8xf32> to vector<256x8xf32>
    %get3A_98 = arith.constant 13 : index
    %get3A_99 = arith.constant 0 : index
    %get3A_100 = arith.constant 0 : index
    %get3A_101 = vector.load %arg7[%get3A_98, %get3A_99, %get3A_100] : memref<16x256x8xf32, #tpu.memory_space<vmem>>, vector<1x256x8xf32>
    %get3A_102 = vector.shape_cast %get3A_101 : vector<1x256x8xf32> to vector<256x8xf32>
    %get3A_103 = arith.constant 14 : index
    %get3A_104 = arith.constant 0 : index
    %get3A_105 = arith.constant 0 : index
    %get3A_106 = vector.load %arg7[%get3A_103, %get3A_104, %get3A_105] : memref<16x256x8xf32, #tpu.memory_space<vmem>>, vector<1x256x8xf32>
    %get3A_107 = vector.shape_cast %get3A_106 : vector<1x256x8xf32> to vector<256x8xf32>
    %get3A_108 = arith.constant 15 : index
    %get3A_109 = arith.constant 0 : index
    %get3A_110 = arith.constant 0 : index
    %get3A_111 = vector.load %arg7[%get3A_108, %get3A_109, %get3A_110] : memref<16x256x8xf32, #tpu.memory_space<vmem>>, vector<1x256x8xf32>
    %get3A_112 = vector.shape_cast %get3A_111 : vector<1x256x8xf32> to vector<256x8xf32>
    %concatenate3A = tpu.concatenate %get3A_37, %get3A_42, %get3A_47, %get3A_52, %get3A_57, %get3A_62, %get3A_67, %get3A_72, %get3A_77, %get3A_82, %get3A_87, %get3A_92, %get3A_97, %get3A_102, %get3A_107, %get3A_112 in 1 : vector<256x8xf32>, vector<256x8xf32>, vector<256x8xf32>, vector<256x8xf32>, vector<256x8xf32>, vector<256x8xf32>, vector<256x8xf32>, vector<256x8xf32>, vector<256x8xf32>, vector<256x8xf32>, vector<256x8xf32>, vector<256x8xf32>, vector<256x8xf32>, vector<256x8xf32>, vector<256x8xf32>, vector<256x8xf32> -> vector<256x128xf32>
    %get3A_113 = arith.constant 0 : index
    %get3A_114 = arith.constant 0 : index
    %get3A_115 = arith.constant 0 : index
    %get3A_116 = vector.load %arg8[%get3A_113, %get3A_114, %get3A_115] : memref<16x256x8xi32, #tpu.memory_space<vmem>>, vector<1x256x8xi32>
    %get3A_117 = vector.shape_cast %get3A_116 : vector<1x256x8xi32> to vector<256x8xi32>
    %get3A_118 = arith.constant 1 : index
    %get3A_119 = arith.constant 0 : index
    %get3A_120 = arith.constant 0 : index
    %get3A_121 = vector.load %arg8[%get3A_118, %get3A_119, %get3A_120] : memref<16x256x8xi32, #tpu.memory_space<vmem>>, vector<1x256x8xi32>
    %get3A_122 = vector.shape_cast %get3A_121 : vector<1x256x8xi32> to vector<256x8xi32>
    %get3A_123 = arith.constant 2 : index
    %get3A_124 = arith.constant 0 : index
    %get3A_125 = arith.constant 0 : index
    %get3A_126 = vector.load %arg8[%get3A_123, %get3A_124, %get3A_125] : memref<16x256x8xi32, #tpu.memory_space<vmem>>, vector<1x256x8xi32>
    %get3A_127 = vector.shape_cast %get3A_126 : vector<1x256x8xi32> to vector<256x8xi32>
    %get3A_128 = arith.constant 3 : index
    %get3A_129 = arith.constant 0 : index
    %get3A_130 = arith.constant 0 : index
    %get3A_131 = vector.load %arg8[%get3A_128, %get3A_129, %get3A_130] : memref<16x256x8xi32, #tpu.memory_space<vmem>>, vector<1x256x8xi32>
    %get3A_132 = vector.shape_cast %get3A_131 : vector<1x256x8xi32> to vector<256x8xi32>
    %get3A_133 = arith.constant 4 : index
    %get3A_134 = arith.constant 0 : index
    %get3A_135 = arith.constant 0 : index
    %get3A_136 = vector.load %arg8[%get3A_133, %get3A_134, %get3A_135] : memref<16x256x8xi32, #tpu.memory_space<vmem>>, vector<1x256x8xi32>
    %get3A_137 = vector.shape_cast %get3A_136 : vector<1x256x8xi32> to vector<256x8xi32>
    %get3A_138 = arith.constant 5 : index
    %get3A_139 = arith.constant 0 : index
    %get3A_140 = arith.constant 0 : index
    %get3A_141 = vector.load %arg8[%get3A_138, %get3A_139, %get3A_140] : memref<16x256x8xi32, #tpu.memory_space<vmem>>, vector<1x256x8xi32>
    %get3A_142 = vector.shape_cast %get3A_141 : vector<1x256x8xi32> to vector<256x8xi32>
    %get3A_143 = arith.constant 6 : index
    %get3A_144 = arith.constant 0 : index
    %get3A_145 = arith.constant 0 : index
    %get3A_146 = vector.load %arg8[%get3A_143, %get3A_144, %get3A_145] : memref<16x256x8xi32, #tpu.memory_space<vmem>>, vector<1x256x8xi32>
    %get3A_147 = vector.shape_cast %get3A_146 : vector<1x256x8xi32> to vector<256x8xi32>
    %get3A_148 = arith.constant 7 : index
    %get3A_149 = arith.constant 0 : index
    %get3A_150 = arith.constant 0 : index
    %get3A_151 = vector.load %arg8[%get3A_148, %get3A_149, %get3A_150] : memref<16x256x8xi32, #tpu.memory_space<vmem>>, vector<1x256x8xi32>
    %get3A_152 = vector.shape_cast %get3A_151 : vector<1x256x8xi32> to vector<256x8xi32>
    %get3A_153 = arith.constant 8 : index
    %get3A_154 = arith.constant 0 : index
    %get3A_155 = arith.constant 0 : index
    %get3A_156 = vector.load %arg8[%get3A_153, %get3A_154, %get3A_155] : memref<16x256x8xi32, #tpu.memory_space<vmem>>, vector<1x256x8xi32>
    %get3A_157 = vector.shape_cast %get3A_156 : vector<1x256x8xi32> to vector<256x8xi32>
    %get3A_158 = arith.constant 9 : index
    %get3A_159 = arith.constant 0 : index
    %get3A_160 = arith.constant 0 : index
    %get3A_161 = vector.load %arg8[%get3A_158, %get3A_159, %get3A_160] : memref<16x256x8xi32, #tpu.memory_space<vmem>>, vector<1x256x8xi32>
    %get3A_162 = vector.shape_cast %get3A_161 : vector<1x256x8xi32> to vector<256x8xi32>
    %get3A_163 = arith.constant 10 : index
    %get3A_164 = arith.constant 0 : index
    %get3A_165 = arith.constant 0 : index
    %get3A_166 = vector.load %arg8[%get3A_163, %get3A_164, %get3A_165] : memref<16x256x8xi32, #tpu.memory_space<vmem>>, vector<1x256x8xi32>
    %get3A_167 = vector.shape_cast %get3A_166 : vector<1x256x8xi32> to vector<256x8xi32>
    %get3A_168 = arith.constant 11 : index
    %get3A_169 = arith.constant 0 : index
    %get3A_170 = arith.constant 0 : index
    %get3A_171 = vector.load %arg8[%get3A_168, %get3A_169, %get3A_170] : memref<16x256x8xi32, #tpu.memory_space<vmem>>, vector<1x256x8xi32>
    %get3A_172 = vector.shape_cast %get3A_171 : vector<1x256x8xi32> to vector<256x8xi32>
    %get3A_173 = arith.constant 12 : index
    %get3A_174 = arith.constant 0 : index
    %get3A_175 = arith.constant 0 : index
    %get3A_176 = vector.load %arg8[%get3A_173, %get3A_174, %get3A_175] : memref<16x256x8xi32, #tpu.memory_space<vmem>>, vector<1x256x8xi32>
    %get3A_177 = vector.shape_cast %get3A_176 : vector<1x256x8xi32> to vector<256x8xi32>
    %get3A_178 = arith.constant 13 : index
    %get3A_179 = arith.constant 0 : index
    %get3A_180 = arith.constant 0 : index
    %get3A_181 = vector.load %arg8[%get3A_178, %get3A_179, %get3A_180] : memref<16x256x8xi32, #tpu.memory_space<vmem>>, vector<1x256x8xi32>
    %get3A_182 = vector.shape_cast %get3A_181 : vector<1x256x8xi32> to vector<256x8xi32>
    %get3A_183 = arith.constant 14 : index
    %get3A_184 = arith.constant 0 : index
    %get3A_185 = arith.constant 0 : index
    %get3A_186 = vector.load %arg8[%get3A_183, %get3A_184, %get3A_185] : memref<16x256x8xi32, #tpu.memory_space<vmem>>, vector<1x256x8xi32>
    %get3A_187 = vector.shape_cast %get3A_186 : vector<1x256x8xi32> to vector<256x8xi32>
    %get3A_188 = arith.constant 15 : index
    %get3A_189 = arith.constant 0 : index
    %get3A_190 = arith.constant 0 : index
    %get3A_191 = vector.load %arg8[%get3A_188, %get3A_189, %get3A_190] : memref<16x256x8xi32, #tpu.memory_space<vmem>>, vector<1x256x8xi32>
    %get3A_192 = vector.shape_cast %get3A_191 : vector<1x256x8xi32> to vector<256x8xi32>
    %concatenate3A_193 = tpu.concatenate %get3A_117, %get3A_122, %get3A_127, %get3A_132, %get3A_137, %get3A_142, %get3A_147, %get3A_152, %get3A_157, %get3A_162, %get3A_167, %get3A_172, %get3A_177, %get3A_182, %get3A_187, %get3A_192 in 1 : vector<256x8xi32>, vector<256x8xi32>, vector<256x8xi32>, vector<256x8xi32>, vector<256x8xi32>, vector<256x8xi32>, vector<256x8xi32>, vector<256x8xi32>, vector<256x8xi32>, vector<256x8xi32>, vector<256x8xi32>, vector<256x8xi32>, vector<256x8xi32>, vector<256x8xi32>, vector<256x8xi32>, vector<256x8xi32> -> vector<256x128xi32>
    %reduce_min3A = arith.constant dense<0x7F800000> : vector<256xf32>
    %reduce_min3A_194 = vector.multi_reduction <minimumf>, %concatenate3A, %reduce_min3A [1] : vector<256x128xf32> to vector<256xf32>
    %broadcast_in_dim3A_195 = vector.shape_cast %reduce_min3A_194 : vector<256xf32> to vector<256x1xf32>
    %eq3A = vector.broadcast %broadcast_in_dim3A_195 : vector<256x1xf32> to vector<256x128xf32>
    %eq3A_196 = arith.cmpf oeq, %concatenate3A, %eq3A : vector<256x128xf32>
    %jit3A = arith.constant 1073741824 : i32
    %broadcast_in_dim3A_197 = vector.broadcast %jit3A : i32 to vector<256x128xi32>
    %select_n3A = arith.select %eq3A_196, %concatenate3A_193, %broadcast_in_dim3A_197 : vector<256x128xi1>, vector<256x128xi32>
    %reduce_min3A_198 = arith.constant dense<2147483647> : vector<256xi32>
    %reduce_min3A_199 = vector.multi_reduction <minsi>, %select_n3A, %reduce_min3A_198 [1] : vector<256x128xi32> to vector<256xi32>
    %broadcast_in_dim3A_200 = vector.shape_cast %reduce_min3A_199 : vector<256xi32> to vector<256x1xi32>
    %eq3A_201 = vector.broadcast %broadcast_in_dim3A_200 : vector<256x1xi32> to vector<256x128xi32>
    %eq3A_202 = arith.cmpi eq, %concatenate3A_193, %eq3A_201 : vector<256x128xi32>
    %jit3A_203 = arith.constant 0x7F800000 : f32
    %broadcast_in_dim3A_204 = vector.broadcast %jit3A_203 : f32 to vector<256x128xf32>
    %select_n3A_205 = arith.select %eq3A_202, %broadcast_in_dim3A_204, %concatenate3A : vector<256x128xi1>, vector<256x128xf32>
    %reduce_min3A_206 = arith.constant dense<0x7F800000> : vector<256xf32>
    %reduce_min3A_207 = vector.multi_reduction <minimumf>, %select_n3A_205, %reduce_min3A_206 [1] : vector<256x128xf32> to vector<256xf32>
    %broadcast_in_dim3A_208 = vector.shape_cast %reduce_min3A_207 : vector<256xf32> to vector<256x1xf32>
    %eq3A_209 = vector.broadcast %broadcast_in_dim3A_208 : vector<256x1xf32> to vector<256x128xf32>
    %eq3A_210 = arith.cmpf oeq, %select_n3A_205, %eq3A_209 : vector<256x128xf32>
    %jit3A_211 = arith.constant 1073741824 : i32
    %broadcast_in_dim3A_212 = vector.broadcast %jit3A_211 : i32 to vector<256x128xi32>
    %select_n3A_213 = arith.select %eq3A_210, %concatenate3A_193, %broadcast_in_dim3A_212 : vector<256x128xi1>, vector<256x128xi32>
    %reduce_min3A_214 = arith.constant dense<2147483647> : vector<256xi32>
    %reduce_min3A_215 = vector.multi_reduction <minsi>, %select_n3A_213, %reduce_min3A_214 [1] : vector<256x128xi32> to vector<256xi32>
    %broadcast_in_dim3A_216 = vector.shape_cast %reduce_min3A_215 : vector<256xi32> to vector<256x1xi32>
    %eq3A_217 = vector.broadcast %broadcast_in_dim3A_216 : vector<256x1xi32> to vector<256x128xi32>
    %eq3A_218 = arith.cmpi eq, %concatenate3A_193, %eq3A_217 : vector<256x128xi32>
    %jit3A_219 = arith.constant 0x7F800000 : f32
    %broadcast_in_dim3A_220 = vector.broadcast %jit3A_219 : f32 to vector<256x128xf32>
    %select_n3A_221 = arith.select %eq3A_218, %broadcast_in_dim3A_220, %select_n3A_205 : vector<256x128xi1>, vector<256x128xf32>
    %reduce_min3A_222 = arith.constant dense<0x7F800000> : vector<256xf32>
    %reduce_min3A_223 = vector.multi_reduction <minimumf>, %select_n3A_221, %reduce_min3A_222 [1] : vector<256x128xf32> to vector<256xf32>
    %broadcast_in_dim3A_224 = vector.shape_cast %reduce_min3A_223 : vector<256xf32> to vector<256x1xf32>
    %eq3A_225 = vector.broadcast %broadcast_in_dim3A_224 : vector<256x1xf32> to vector<256x128xf32>
    %eq3A_226 = arith.cmpf oeq, %select_n3A_221, %eq3A_225 : vector<256x128xf32>
    %jit3A_227 = arith.constant 1073741824 : i32
    %broadcast_in_dim3A_228 = vector.broadcast %jit3A_227 : i32 to vector<256x128xi32>
    %select_n3A_229 = arith.select %eq3A_226, %concatenate3A_193, %broadcast_in_dim3A_228 : vector<256x128xi1>, vector<256x128xi32>
    %reduce_min3A_230 = arith.constant dense<2147483647> : vector<256xi32>
    %reduce_min3A_231 = vector.multi_reduction <minsi>, %select_n3A_229, %reduce_min3A_230 [1] : vector<256x128xi32> to vector<256xi32>
    %broadcast_in_dim3A_232 = vector.shape_cast %reduce_min3A_231 : vector<256xi32> to vector<256x1xi32>
    %eq3A_233 = vector.broadcast %broadcast_in_dim3A_232 : vector<256x1xi32> to vector<256x128xi32>
    %eq3A_234 = arith.cmpi eq, %concatenate3A_193, %eq3A_233 : vector<256x128xi32>
    %jit3A_235 = arith.constant 0x7F800000 : f32
    %broadcast_in_dim3A_236 = vector.broadcast %jit3A_235 : f32 to vector<256x128xf32>
    %select_n3A_237 = arith.select %eq3A_234, %broadcast_in_dim3A_236, %select_n3A_221 : vector<256x128xi1>, vector<256x128xf32>
    %reduce_min3A_238 = arith.constant dense<0x7F800000> : vector<256xf32>
    %reduce_min3A_239 = vector.multi_reduction <minimumf>, %select_n3A_237, %reduce_min3A_238 [1] : vector<256x128xf32> to vector<256xf32>
    %broadcast_in_dim3A_240 = vector.shape_cast %reduce_min3A_239 : vector<256xf32> to vector<256x1xf32>
    %eq3A_241 = vector.broadcast %broadcast_in_dim3A_240 : vector<256x1xf32> to vector<256x128xf32>
    %eq3A_242 = arith.cmpf oeq, %select_n3A_237, %eq3A_241 : vector<256x128xf32>
    %jit3A_243 = arith.constant 1073741824 : i32
    %broadcast_in_dim3A_244 = vector.broadcast %jit3A_243 : i32 to vector<256x128xi32>
    %select_n3A_245 = arith.select %eq3A_242, %concatenate3A_193, %broadcast_in_dim3A_244 : vector<256x128xi1>, vector<256x128xi32>
    %reduce_min3A_246 = arith.constant dense<2147483647> : vector<256xi32>
    %reduce_min3A_247 = vector.multi_reduction <minsi>, %select_n3A_245, %reduce_min3A_246 [1] : vector<256x128xi32> to vector<256xi32>
    %broadcast_in_dim3A_248 = vector.shape_cast %reduce_min3A_247 : vector<256xi32> to vector<256x1xi32>
    %eq3A_249 = vector.broadcast %broadcast_in_dim3A_248 : vector<256x1xi32> to vector<256x128xi32>
    %eq3A_250 = arith.cmpi eq, %concatenate3A_193, %eq3A_249 : vector<256x128xi32>
    %jit3A_251 = arith.constant 0x7F800000 : f32
    %broadcast_in_dim3A_252 = vector.broadcast %jit3A_251 : f32 to vector<256x128xf32>
    %select_n3A_253 = arith.select %eq3A_250, %broadcast_in_dim3A_252, %select_n3A_237 : vector<256x128xi1>, vector<256x128xf32>
    %reduce_min3A_254 = arith.constant dense<0x7F800000> : vector<256xf32>
    %reduce_min3A_255 = vector.multi_reduction <minimumf>, %select_n3A_253, %reduce_min3A_254 [1] : vector<256x128xf32> to vector<256xf32>
    %broadcast_in_dim3A_256 = vector.shape_cast %reduce_min3A_255 : vector<256xf32> to vector<256x1xf32>
    %eq3A_257 = vector.broadcast %broadcast_in_dim3A_256 : vector<256x1xf32> to vector<256x128xf32>
    %eq3A_258 = arith.cmpf oeq, %select_n3A_253, %eq3A_257 : vector<256x128xf32>
    %jit3A_259 = arith.constant 1073741824 : i32
    %broadcast_in_dim3A_260 = vector.broadcast %jit3A_259 : i32 to vector<256x128xi32>
    %select_n3A_261 = arith.select %eq3A_258, %concatenate3A_193, %broadcast_in_dim3A_260 : vector<256x128xi1>, vector<256x128xi32>
    %reduce_min3A_262 = arith.constant dense<2147483647> : vector<256xi32>
    %reduce_min3A_263 = vector.multi_reduction <minsi>, %select_n3A_261, %reduce_min3A_262 [1] : vector<256x128xi32> to vector<256xi32>
    %broadcast_in_dim3A_264 = vector.shape_cast %reduce_min3A_263 : vector<256xi32> to vector<256x1xi32>
    %concatenate3A_265 = tpu.concatenate %broadcast_in_dim3A_200, %broadcast_in_dim3A_216, %broadcast_in_dim3A_232, %broadcast_in_dim3A_248, %broadcast_in_dim3A_264 in 1 : vector<256x1xi32>, vector<256x1xi32>, vector<256x1xi32>, vector<256x1xi32>, vector<256x1xi32> -> vector<256x5xi32>
    %swap3A_266 = arith.constant 0 : index
    %swap3A_267 = arith.constant 0 : index
    %swap3A_268 = vector.load %arg6[%swap3A_266, %swap3A_267] : memref<256x5xi32, #tpu.memory_space<vmem>>, vector<256x5xi32>
    tpu.vector_store %arg6[%swap3A_266, %swap3A_267], %concatenate3A_265 {strides = array<i32>} : memref<256x5xi32, #tpu.memory_space<vmem>>, vector<256x5xi32>,
    return
  }
  func.func @transform_0(%arg0: i32) -> (i32, i32) {
    %c0_i32 = arith.constant 0 : i32
    %c0_i32_0 = arith.constant 0 : i32
    %c0_i32_1 = arith.constant 0 : i32
    return %c0_i32, %c0_i32_0 : i32, i32
  }
  func.func @transform_1(%arg0: i32) -> (i32, i32) {
    %c0_i32 = arith.constant 0 : i32
    %c0_i32_0 = arith.constant 0 : i32
    return %arg0, %c0_i32 : i32, i32
  }
  func.func @transform_2(%arg0: i32) -> (i32, i32) {
    %c0_i32 = arith.constant 0 : i32
    %c0_i32_0 = arith.constant 0 : i32
    %c0_i32_1 = arith.constant 0 : i32
    return %c0_i32, %c0_i32_0 : i32, i32
  }
  func.func @transform_3(%arg0: i32) -> (i32, i32) {
    %c0_i32 = arith.constant 0 : i32
    %c0_i32_0 = arith.constant 0 : i32
    return %arg0, %c0_i32 : i32, i32
  }
  func.func @transform_4(%arg0: i32) -> (i32, i32) {
    %c0_i32 = arith.constant 0 : i32
    %c0_i32_0 = arith.constant 0 : i32
    %c0_i32_1 = arith.constant 0 : i32
    return %c0_i32, %c0_i32_0 : i32, i32
  }
  func.func @transform_5(%arg0: i32) -> (i32, i32) {
    %c0_i32 = arith.constant 0 : i32
    %c0_i32_0 = arith.constant 0 : i32
    return %arg0, %c0_i32 : i32, i32
  }
}

module attributes {stable_mosaic.version = 14 : i64} {
  func.func @_conv1_body(%arg0: i32, %arg1: memref<256x4xf32, #tpu.memory_space<vmem>>, %arg2: memref<5x256x8xf32, #tpu.memory_space<vmem>>, %arg3: memref<8x64xf32, #tpu.memory_space<vmem>>, %arg4: memref<1x64xf32, #tpu.memory_space<vmem>>, %arg5: memref<64x64xf32, #tpu.memory_space<vmem>>, %arg6: memref<1x64xf32, #tpu.memory_space<vmem>>, %arg7: memref<64x64xf32, #tpu.memory_space<vmem>>, %arg8: memref<1x64xf32, #tpu.memory_space<vmem>>, %arg9: memref<256x64xf32, #tpu.memory_space<vmem>>) attributes {dimension_semantics = [#tpu.dimension_semantics<arbitrary>], iteration_bounds = array<i64: 32>, scalar_prefetch = 0 : i64, scratch_operands = 0 : i64, tpu.core_type = #tpu.core_type<tc>, window_params = [{transform_indices = @transform_0, window_bounds = array<i64: 256, 4>}, {transform_indices = @transform_1, window_bounds = array<i64: 5, 256, 8>}, {pipeline_mode = #tpu.pipeline_mode<synchronous>, transform_indices = @transform_2, window_bounds = array<i64: 8, 64>}, {pipeline_mode = #tpu.pipeline_mode<synchronous>, transform_indices = @transform_3, window_bounds = array<i64: 1, 64>}, {pipeline_mode = #tpu.pipeline_mode<synchronous>, transform_indices = @transform_4, window_bounds = array<i64: 64, 64>}, {pipeline_mode = #tpu.pipeline_mode<synchronous>, transform_indices = @transform_5, window_bounds = array<i64: 1, 64>}, {pipeline_mode = #tpu.pipeline_mode<synchronous>, transform_indices = @transform_6, window_bounds = array<i64: 64, 64>}, {pipeline_mode = #tpu.pipeline_mode<synchronous>, transform_indices = @transform_7, window_bounds = array<i64: 1, 64>}, {transform_indices = @transform_8, window_bounds = array<i64: 256, 64>}]} {
    %get3A = arith.constant 0 : index
    %get3A_0 = arith.constant 0 : index
    %get3A_1 = vector.load %arg1[%get3A, %get3A_0] : memref<256x4xf32, #tpu.memory_space<vmem>>, vector<256x4xf32>
    %concatenate3A = tpu.concatenate %get3A_1, %get3A_1, %get3A_1, %get3A_1, %get3A_1 in 0 : vector<256x4xf32>, vector<256x4xf32>, vector<256x4xf32>, vector<256x4xf32>, vector<256x4xf32> -> vector<1280x4xf32>
    %get3A_2 = arith.constant 0 : index
    %get3A_3 = arith.constant 0 : index
    %get3A_4 = arith.constant 0 : index
    %get3A_5 = vector.load %arg2[%get3A_2, %get3A_3, %get3A_4] : memref<5x256x8xf32, #tpu.memory_space<vmem>>, vector<5x256x8xf32>
    %reshape3A = vector.shape_cast %get3A_5 : vector<5x256x8xf32> to vector<1280x8xf32>
    %slice3A = vector.extract_strided_slice %reshape3A {offsets = [0, 0], sizes = [1280, 4], strides = [1, 1]} : vector<1280x8xf32> to vector<1280x4xf32>
    %sub3A = arith.subf %slice3A, %concatenate3A : vector<1280x4xf32>
    %concatenate3A_6 = tpu.concatenate %concatenate3A, %sub3A in 1 : vector<1280x4xf32>, vector<1280x4xf32> -> vector<1280x8xf32>
    %get3A_7 = arith.constant 0 : index
    %get3A_8 = arith.constant 0 : index
    %get3A_9 = vector.load %arg3[%get3A_7, %get3A_8] : memref<8x64xf32, #tpu.memory_space<vmem>>, vector<8x64xf32>
    %dot_general3A = arith.constant dense<0.000000e+00> : vector<1280x64xf32>
    %dot_general3A_10 = tpu.matmul %concatenate3A_6, %get3A_9, %dot_general3A {dimension_numbers = #tpu.dot_dimension_numbers<[1], [0], [0], [1], [0, 0, 1, 1], [], []>, transpose_lhs_hint = false} : vector<1280x8xf32>, vector<8x64xf32>, vector<1280x64xf32> -> vector<1280x64xf32>
    %get3A_11 = arith.constant 0 : index
    %get3A_12 = arith.constant 0 : index
    %get3A_13 = vector.load %arg4[%get3A_11, %get3A_12] : memref<1x64xf32, #tpu.memory_space<vmem>>, vector<1x64xf32>
    %add3A = vector.broadcast %get3A_13 : vector<1x64xf32> to vector<1280x64xf32>
    %add3A_14 = arith.addf %dot_general3A_10, %add3A : vector<1280x64xf32>
    %max3A = arith.constant 0.000000e+00 : f32
    %max3A_15 = vector.broadcast %max3A : f32 to vector<1280x64xf32>
    %max3A_16 = arith.maximumf %add3A_14, %max3A_15 : vector<1280x64xf32>
    %get3A_17 = arith.constant 0 : index
    %get3A_18 = arith.constant 0 : index
    %get3A_19 = vector.load %arg5[%get3A_17, %get3A_18] : memref<64x64xf32, #tpu.memory_space<vmem>>, vector<64x64xf32>
    %dot_general3A_20 = arith.constant dense<0.000000e+00> : vector<1280x64xf32>
    %dot_general3A_21 = tpu.matmul %max3A_16, %get3A_19, %dot_general3A_20 {dimension_numbers = #tpu.dot_dimension_numbers<[1], [0], [0], [1], [0, 0, 1, 1], [], []>, transpose_lhs_hint = false} : vector<1280x64xf32>, vector<64x64xf32>, vector<1280x64xf32> -> vector<1280x64xf32>
    %get3A_22 = arith.constant 0 : index
    %get3A_23 = arith.constant 0 : index
    %get3A_24 = vector.load %arg6[%get3A_22, %get3A_23] : memref<1x64xf32, #tpu.memory_space<vmem>>, vector<1x64xf32>
    %add3A_25 = vector.broadcast %get3A_24 : vector<1x64xf32> to vector<1280x64xf32>
    %add3A_26 = arith.addf %dot_general3A_21, %add3A_25 : vector<1280x64xf32>
    %max3A_27 = arith.constant 0.000000e+00 : f32
    %max3A_28 = vector.broadcast %max3A_27 : f32 to vector<1280x64xf32>
    %max3A_29 = arith.maximumf %add3A_26, %max3A_28 : vector<1280x64xf32>
    %get3A_30 = arith.constant 0 : index
    %get3A_31 = arith.constant 0 : index
    %get3A_32 = vector.load %arg7[%get3A_30, %get3A_31] : memref<64x64xf32, #tpu.memory_space<vmem>>, vector<64x64xf32>
    %dot_general3A_33 = arith.constant dense<0.000000e+00> : vector<1280x64xf32>
    %dot_general3A_34 = tpu.matmul %max3A_29, %get3A_32, %dot_general3A_33 {dimension_numbers = #tpu.dot_dimension_numbers<[1], [0], [0], [1], [0, 0, 1, 1], [], []>, transpose_lhs_hint = false} : vector<1280x64xf32>, vector<64x64xf32>, vector<1280x64xf32> -> vector<1280x64xf32>
    %get3A_35 = arith.constant 0 : index
    %get3A_36 = arith.constant 0 : index
    %get3A_37 = vector.load %arg8[%get3A_35, %get3A_36] : memref<1x64xf32, #tpu.memory_space<vmem>>, vector<1x64xf32>
    %add3A_38 = vector.broadcast %get3A_37 : vector<1x64xf32> to vector<1280x64xf32>
    %add3A_39 = arith.addf %dot_general3A_34, %add3A_38 : vector<1280x64xf32>
    %max3A_40 = arith.constant 0.000000e+00 : f32
    %max3A_41 = vector.broadcast %max3A_40 : f32 to vector<1280x64xf32>
    %max3A_42 = arith.maximumf %add3A_39, %max3A_41 : vector<1280x64xf32>
    %slice3A_43 = vector.extract_strided_slice %max3A_42 {offsets = [0, 0], sizes = [256, 64], strides = [1, 1]} : vector<1280x64xf32> to vector<256x64xf32>
    %slice3A_44 = vector.extract_strided_slice %max3A_42 {offsets = [256, 0], sizes = [256, 64], strides = [1, 1]} : vector<1280x64xf32> to vector<256x64xf32>
    %add3A_45 = arith.addf %slice3A_43, %slice3A_44 : vector<256x64xf32>
    %slice3A_46 = vector.extract_strided_slice %max3A_42 {offsets = [512, 0], sizes = [256, 64], strides = [1, 1]} : vector<1280x64xf32> to vector<256x64xf32>
    %add3A_47 = arith.addf %add3A_45, %slice3A_46 : vector<256x64xf32>
    %slice3A_48 = vector.extract_strided_slice %max3A_42 {offsets = [768, 0], sizes = [256, 64], strides = [1, 1]} : vector<1280x64xf32> to vector<256x64xf32>
    %add3A_49 = arith.addf %add3A_47, %slice3A_48 : vector<256x64xf32>
    %slice3A_50 = vector.extract_strided_slice %max3A_42 {offsets = [1024, 0], sizes = [256, 64], strides = [1, 1]} : vector<1280x64xf32> to vector<256x64xf32>
    %add3A_51 = arith.addf %add3A_49, %slice3A_50 : vector<256x64xf32>
    %swap3A = arith.constant 0 : index
    %swap3A_52 = arith.constant 0 : index
    %swap3A_53 = vector.load %arg9[%swap3A, %swap3A_52] : memref<256x64xf32, #tpu.memory_space<vmem>>, vector<256x64xf32>
    tpu.vector_store %arg9[%swap3A, %swap3A_52], %add3A_51 {strides = array<i32>} : memref<256x64xf32, #tpu.memory_space<vmem>>, vector<256x64xf32>,
    return
  }
  func.func @transform_0(%arg0: i32) -> (i32, i32) {
    %c0_i32 = arith.constant 0 : i32
    %c0_i32_0 = arith.constant 0 : i32
    return %arg0, %c0_i32 : i32, i32
  }
  func.func @transform_1(%arg0: i32) -> (i32, i32, i32) {
    %c0_i32 = arith.constant 0 : i32
    %c0_i32_0 = arith.constant 0 : i32
    %c0_i32_1 = arith.constant 0 : i32
    return %c0_i32, %arg0, %c0_i32_0 : i32, i32, i32
  }
  func.func @transform_2(%arg0: i32) -> (i32, i32) {
    %c0_i32 = arith.constant 0 : i32
    %c0_i32_0 = arith.constant 0 : i32
    %c0_i32_1 = arith.constant 0 : i32
    return %c0_i32, %c0_i32_0 : i32, i32
  }
  func.func @transform_3(%arg0: i32) -> (i32, i32) {
    %c0_i32 = arith.constant 0 : i32
    %c0_i32_0 = arith.constant 0 : i32
    %c0_i32_1 = arith.constant 0 : i32
    return %c0_i32, %c0_i32_0 : i32, i32
  }
  func.func @transform_4(%arg0: i32) -> (i32, i32) {
    %c0_i32 = arith.constant 0 : i32
    %c0_i32_0 = arith.constant 0 : i32
    %c0_i32_1 = arith.constant 0 : i32
    return %c0_i32, %c0_i32_0 : i32, i32
  }
  func.func @transform_5(%arg0: i32) -> (i32, i32) {
    %c0_i32 = arith.constant 0 : i32
    %c0_i32_0 = arith.constant 0 : i32
    %c0_i32_1 = arith.constant 0 : i32
    return %c0_i32, %c0_i32_0 : i32, i32
  }
  func.func @transform_6(%arg0: i32) -> (i32, i32) {
    %c0_i32 = arith.constant 0 : i32
    %c0_i32_0 = arith.constant 0 : i32
    %c0_i32_1 = arith.constant 0 : i32
    return %c0_i32, %c0_i32_0 : i32, i32
  }
  func.func @transform_7(%arg0: i32) -> (i32, i32) {
    %c0_i32 = arith.constant 0 : i32
    %c0_i32_0 = arith.constant 0 : i32
    %c0_i32_1 = arith.constant 0 : i32
    return %c0_i32, %c0_i32_0 : i32, i32
  }
  func.func @transform_8(%arg0: i32) -> (i32, i32) {
    %c0_i32 = arith.constant 0 : i32
    %c0_i32_0 = arith.constant 0 : i32
    return %arg0, %c0_i32 : i32, i32
  }
}

module attributes {stable_mosaic.version = 14 : i64} {
  func.func @_knn_body(%arg0: i32, %arg1: memref<32x2xi32, #tpu.memory_space<smem>>, %arg2: memref<256x64xf32, #tpu.memory_space<vmem>>, %arg3: memref<64x8192xf32, #tpu.memory_space<vmem>>, %arg4: memref<256x1xi32, #tpu.memory_space<vmem>>, %arg5: memref<1x8192xi32, #tpu.memory_space<vmem>>, %arg6: memref<256x5xi32, #tpu.memory_space<vmem>>, %arg7: memref<16x256x8xf32, #tpu.memory_space<vmem>>, %arg8: memref<16x256x8xi32, #tpu.memory_space<vmem>>) attributes {dimension_semantics = [#tpu.dimension_semantics<arbitrary>], iteration_bounds = array<i64: 32>, scalar_prefetch = 0 : i64, scratch_operands = 2 : i64, tpu.core_type = #tpu.core_type<tc>, window_params = [{transform_indices = @transform_0, window_bounds = array<i64: 32, 2>}, {transform_indices = @transform_1, window_bounds = array<i64: 256, 64>}, {pipeline_mode = #tpu.pipeline_mode<synchronous>, transform_indices = @transform_2, window_bounds = array<i64: 64, 8192>}, {transform_indices = @transform_3, window_bounds = array<i64: 256, 1>}, {pipeline_mode = #tpu.pipeline_mode<synchronous>, transform_indices = @transform_4, window_bounds = array<i64: 1, 8192>}, {transform_indices = @transform_5, window_bounds = array<i64: 256, 5>}]} {
    %get3A = arith.constant 0 : index
    %get3A_0 = arith.constant 0 : index
    %get3A_1 = vector.load %arg2[%get3A, %get3A_0] : memref<256x64xf32, #tpu.memory_space<vmem>>, vector<256x64xf32>
    %mul3A = arith.mulf %get3A_1, %get3A_1 : vector<256x64xf32>
    %reduce_sum3A = arith.constant dense<0.000000e+00> : vector<256xf32>
    %reduce_sum3A_2 = vector.multi_reduction <add>, %mul3A, %reduce_sum3A [1] : vector<256x64xf32> to vector<256xf32>
    %broadcast_in_dim3A = vector.shape_cast %reduce_sum3A_2 : vector<256xf32> to vector<256x1xf32>
    %get3A_3 = arith.constant 0 : index
    %get3A_4 = arith.constant 0 : index
    %get3A_5 = vector.load %arg4[%get3A_3, %get3A_4] : memref<256x1xi32, #tpu.memory_space<vmem>>, vector<256x1xi32>
    %broadcast_in_dim3A_6 = arith.constant 1.000000e+30 : f32
    %broadcast_in_dim3A_7 = vector.broadcast %broadcast_in_dim3A_6 : f32 to vector<16x256x8xf32>
    %swap3A = arith.constant 0 : index
    %swap3A_8 = arith.constant 0 : index
    %swap3A_9 = arith.constant 0 : index
    %swap3A_10 = vector.load %arg7[%swap3A, %swap3A_8, %swap3A_9] : memref<16x256x8xf32, #tpu.memory_space<vmem>>, vector<16x256x8xf32>
    tpu.vector_store %arg7[%swap3A, %swap3A_8, %swap3A_9], %broadcast_in_dim3A_7 {strides = array<i32>} : memref<16x256x8xf32, #tpu.memory_space<vmem>>, vector<16x256x8xf32>,
    %broadcast_in_dim3A_11 = arith.constant 1073741824 : i32
    %broadcast_in_dim3A_12 = vector.broadcast %broadcast_in_dim3A_11 : i32 to vector<16x256x8xi32>
    %swap3A_13 = arith.constant 0 : index
    %swap3A_14 = arith.constant 0 : index
    %swap3A_15 = arith.constant 0 : index
    %swap3A_16 = vector.load %arg8[%swap3A_13, %swap3A_14, %swap3A_15] : memref<16x256x8xi32, #tpu.memory_space<vmem>>, vector<16x256x8xi32>
    tpu.vector_store %arg8[%swap3A_13, %swap3A_14, %swap3A_15], %broadcast_in_dim3A_12 {strides = array<i32>} : memref<16x256x8xi32, #tpu.memory_space<vmem>>, vector<16x256x8xi32>,
    %get3A_17 = arith.index_cast %arg0 : i32 to index
    %get3A_18 = arith.constant 0 : index
    %get3A_19 = memref.load %arg1[%get3A_17, %get3A_18] : memref<32x2xi32, #tpu.memory_space<smem>>
    %get3A_20 = arith.index_cast %arg0 : i32 to index
    %get3A_21 = arith.constant 1 : index
    %get3A_22 = memref.load %arg1[%get3A_20, %get3A_21] : memref<32x2xi32, #tpu.memory_space<smem>>
    %while3A = arith.constant 0 : i32
    %while3A_23 = arith.subi %get3A_22, %get3A_19 : i32
    %while3A_24 = arith.addi %get3A_19, %while3A_23 : i32
    %while3A_25 = arith.constant 1 : i32
    %while3A_26 = arith.divsi %while3A_23, %while3A_25 : i32
    %while3A_27 = arith.muli %while3A_26, %while3A_25 : i32
    %while3A_28 = arith.addi %get3A_19, %while3A_27 : i32
    %while3A_29 = arith.constant 1 : i32
    %while3A_30 = scf.for %while3A_269 = %get3A_19 to %while3A_28 step %while3A_29 iter_args(%while3A_270 = %while3A) -> (i32)  : i32 {
      %mul3A_271 = arith.constant 512 : i32
      %mul3A_272 = arith.muli %while3A_269, %mul3A_271 : i32
      %get3A_273 = arith.constant 0 : index
      %get3A_274 = arith.index_cast %mul3A_272 : i32 to index
      %get3A_275 = vector.load %arg3[%get3A_273, %get3A_274] : memref<64x8192xf32, #tpu.memory_space<vmem>>, vector<64x512xf32>
      %dot_general3A = arith.constant dense<0.000000e+00> : vector<256x512xf32>
      %dot_general3A_276 = tpu.matmul %get3A_1, %get3A_275, %dot_general3A {dimension_numbers = #tpu.dot_dimension_numbers<[1], [0], [0], [1], [0, 0, 1, 1], [], []>, transpose_lhs_hint = false} : vector<256x64xf32>, vector<64x512xf32>, vector<256x512xf32> -> vector<256x512xf32>
      %mul3A_277 = arith.constant -2.000000e+00 : f32
      %mul3A_278 = vector.broadcast %mul3A_277 : f32 to vector<256x512xf32>
      %mul3A_279 = arith.mulf %dot_general3A_276, %mul3A_278 : vector<256x512xf32>
      %add3A = vector.broadcast %broadcast_in_dim3A : vector<256x1xf32> to vector<256x512xf32>
      %add3A_280 = arith.addf %mul3A_279, %add3A : vector<256x512xf32>
      %mul3A_281 = arith.mulf %get3A_275, %get3A_275 : vector<64x512xf32>
      %reduce_sum3A_282 = arith.constant dense<0.000000e+00> : vector<512xf32>
      %reduce_sum3A_283 = vector.multi_reduction <add>, %mul3A_281, %reduce_sum3A_282 [0] : vector<64x512xf32> to vector<512xf32>
      %broadcast_in_dim3A_284 = vector.shape_cast %reduce_sum3A_283 : vector<512xf32> to vector<1x512xf32>
      %add3A_285 = vector.broadcast %broadcast_in_dim3A_284 : vector<1x512xf32> to vector<256x512xf32>
      %add3A_286 = arith.addf %add3A_280, %add3A_285 : vector<256x512xf32>
      %mul3A_287 = arith.constant 512 : i32
      %mul3A_288 = arith.muli %while3A_269, %mul3A_287 : i32
      %get3A_289 = arith.constant 0 : index
      %get3A_290 = arith.index_cast %mul3A_288 : i32 to index
      %get3A_291 = vector.load %arg5[%get3A_289, %get3A_290] : memref<1x8192xi32, #tpu.memory_space<vmem>>, vector<1x512xi32>
      %eq3A_292 = vector.broadcast %get3A_5 : vector<256x1xi32> to vector<256x512xi32>
      %eq3A_293 = vector.broadcast %get3A_291 : vector<1x512xi32> to vector<256x512xi32>
      %eq3A_294 = arith.cmpi eq, %eq3A_292, %eq3A_293 : vector<256x512xi32>
      %jit3A_295 = arith.constant 1.000000e+30 : f32
      %broadcast_in_dim3A_296 = vector.broadcast %jit3A_295 : f32 to vector<256x512xf32>
      %select_n3A_297 = arith.select %eq3A_294, %add3A_286, %broadcast_in_dim3A_296 : vector<256x512xi1>, vector<256x512xf32>
      %mul3A_298 = arith.constant 512 : i32
      %mul3A_299 = arith.muli %while3A_269, %mul3A_298 : i32
      %iota3A = tpu.iota {dimensions = array<i32: 1>} : vector<256x512xi32>
      %add3A_300 = vector.broadcast %mul3A_299 : i32 to vector<256x512xi32>
      %add3A_301 = arith.addi %add3A_300, %iota3A : vector<256x512xi32>
      %reduce_min3A_302 = arith.constant dense<0x7F800000> : vector<256xf32>
      %reduce_min3A_303 = vector.multi_reduction <minimumf>, %select_n3A_297, %reduce_min3A_302 [1] : vector<256x512xf32> to vector<256xf32>
      %broadcast_in_dim3A_304 = vector.shape_cast %reduce_min3A_303 : vector<256xf32> to vector<256x1xf32>
      %eq3A_305 = vector.broadcast %broadcast_in_dim3A_304 : vector<256x1xf32> to vector<256x512xf32>
      %eq3A_306 = arith.cmpf oeq, %select_n3A_297, %eq3A_305 : vector<256x512xf32>
      %jit3A_307 = arith.constant 1073741824 : i32
      %broadcast_in_dim3A_308 = vector.broadcast %jit3A_307 : i32 to vector<256x512xi32>
      %select_n3A_309 = arith.select %eq3A_306, %add3A_301, %broadcast_in_dim3A_308 : vector<256x512xi1>, vector<256x512xi32>
      %reduce_min3A_310 = arith.constant dense<2147483647> : vector<256xi32>
      %reduce_min3A_311 = vector.multi_reduction <minsi>, %select_n3A_309, %reduce_min3A_310 [1] : vector<256x512xi32> to vector<256xi32>
      %broadcast_in_dim3A_312 = vector.shape_cast %reduce_min3A_311 : vector<256xi32> to vector<256x1xi32>
      %eq3A_313 = vector.broadcast %broadcast_in_dim3A_312 : vector<256x1xi32> to vector<256x512xi32>
      %eq3A_314 = arith.cmpi eq, %add3A_301, %eq3A_313 : vector<256x512xi32>
      %jit3A_315 = arith.constant 0x7F800000 : f32
      %broadcast_in_dim3A_316 = vector.broadcast %jit3A_315 : f32 to vector<256x512xf32>
      %select_n3A_317 = arith.select %eq3A_314, %broadcast_in_dim3A_316, %select_n3A_297 : vector<256x512xi1>, vector<256x512xf32>
      %reduce_min3A_318 = arith.constant dense<0x7F800000> : vector<256xf32>
      %reduce_min3A_319 = vector.multi_reduction <minimumf>, %select_n3A_317, %reduce_min3A_318 [1] : vector<256x512xf32> to vector<256xf32>
      %broadcast_in_dim3A_320 = vector.shape_cast %reduce_min3A_319 : vector<256xf32> to vector<256x1xf32>
      %eq3A_321 = vector.broadcast %broadcast_in_dim3A_320 : vector<256x1xf32> to vector<256x512xf32>
      %eq3A_322 = arith.cmpf oeq, %select_n3A_317, %eq3A_321 : vector<256x512xf32>
      %jit3A_323 = arith.constant 1073741824 : i32
      %broadcast_in_dim3A_324 = vector.broadcast %jit3A_323 : i32 to vector<256x512xi32>
      %select_n3A_325 = arith.select %eq3A_322, %add3A_301, %broadcast_in_dim3A_324 : vector<256x512xi1>, vector<256x512xi32>
      %reduce_min3A_326 = arith.constant dense<2147483647> : vector<256xi32>
      %reduce_min3A_327 = vector.multi_reduction <minsi>, %select_n3A_325, %reduce_min3A_326 [1] : vector<256x512xi32> to vector<256xi32>
      %broadcast_in_dim3A_328 = vector.shape_cast %reduce_min3A_327 : vector<256xi32> to vector<256x1xi32>
      %eq3A_329 = vector.broadcast %broadcast_in_dim3A_328 : vector<256x1xi32> to vector<256x512xi32>
      %eq3A_330 = arith.cmpi eq, %add3A_301, %eq3A_329 : vector<256x512xi32>
      %jit3A_331 = arith.constant 0x7F800000 : f32
      %broadcast_in_dim3A_332 = vector.broadcast %jit3A_331 : f32 to vector<256x512xf32>
      %select_n3A_333 = arith.select %eq3A_330, %broadcast_in_dim3A_332, %select_n3A_317 : vector<256x512xi1>, vector<256x512xf32>
      %reduce_min3A_334 = arith.constant dense<0x7F800000> : vector<256xf32>
      %reduce_min3A_335 = vector.multi_reduction <minimumf>, %select_n3A_333, %reduce_min3A_334 [1] : vector<256x512xf32> to vector<256xf32>
      %broadcast_in_dim3A_336 = vector.shape_cast %reduce_min3A_335 : vector<256xf32> to vector<256x1xf32>
      %eq3A_337 = vector.broadcast %broadcast_in_dim3A_336 : vector<256x1xf32> to vector<256x512xf32>
      %eq3A_338 = arith.cmpf oeq, %select_n3A_333, %eq3A_337 : vector<256x512xf32>
      %jit3A_339 = arith.constant 1073741824 : i32
      %broadcast_in_dim3A_340 = vector.broadcast %jit3A_339 : i32 to vector<256x512xi32>
      %select_n3A_341 = arith.select %eq3A_338, %add3A_301, %broadcast_in_dim3A_340 : vector<256x512xi1>, vector<256x512xi32>
      %reduce_min3A_342 = arith.constant dense<2147483647> : vector<256xi32>
      %reduce_min3A_343 = vector.multi_reduction <minsi>, %select_n3A_341, %reduce_min3A_342 [1] : vector<256x512xi32> to vector<256xi32>
      %broadcast_in_dim3A_344 = vector.shape_cast %reduce_min3A_343 : vector<256xi32> to vector<256x1xi32>
      %eq3A_345 = vector.broadcast %broadcast_in_dim3A_344 : vector<256x1xi32> to vector<256x512xi32>
      %eq3A_346 = arith.cmpi eq, %add3A_301, %eq3A_345 : vector<256x512xi32>
      %jit3A_347 = arith.constant 0x7F800000 : f32
      %broadcast_in_dim3A_348 = vector.broadcast %jit3A_347 : f32 to vector<256x512xf32>
      %select_n3A_349 = arith.select %eq3A_346, %broadcast_in_dim3A_348, %select_n3A_333 : vector<256x512xi1>, vector<256x512xf32>
      %reduce_min3A_350 = arith.constant dense<0x7F800000> : vector<256xf32>
      %reduce_min3A_351 = vector.multi_reduction <minimumf>, %select_n3A_349, %reduce_min3A_350 [1] : vector<256x512xf32> to vector<256xf32>
      %broadcast_in_dim3A_352 = vector.shape_cast %reduce_min3A_351 : vector<256xf32> to vector<256x1xf32>
      %eq3A_353 = vector.broadcast %broadcast_in_dim3A_352 : vector<256x1xf32> to vector<256x512xf32>
      %eq3A_354 = arith.cmpf oeq, %select_n3A_349, %eq3A_353 : vector<256x512xf32>
      %jit3A_355 = arith.constant 1073741824 : i32
      %broadcast_in_dim3A_356 = vector.broadcast %jit3A_355 : i32 to vector<256x512xi32>
      %select_n3A_357 = arith.select %eq3A_354, %add3A_301, %broadcast_in_dim3A_356 : vector<256x512xi1>, vector<256x512xi32>
      %reduce_min3A_358 = arith.constant dense<2147483647> : vector<256xi32>
      %reduce_min3A_359 = vector.multi_reduction <minsi>, %select_n3A_357, %reduce_min3A_358 [1] : vector<256x512xi32> to vector<256xi32>
      %broadcast_in_dim3A_360 = vector.shape_cast %reduce_min3A_359 : vector<256xi32> to vector<256x1xi32>
      %eq3A_361 = vector.broadcast %broadcast_in_dim3A_360 : vector<256x1xi32> to vector<256x512xi32>
      %eq3A_362 = arith.cmpi eq, %add3A_301, %eq3A_361 : vector<256x512xi32>
      %jit3A_363 = arith.constant 0x7F800000 : f32
      %broadcast_in_dim3A_364 = vector.broadcast %jit3A_363 : f32 to vector<256x512xf32>
      %select_n3A_365 = arith.select %eq3A_362, %broadcast_in_dim3A_364, %select_n3A_349 : vector<256x512xi1>, vector<256x512xf32>
      %reduce_min3A_366 = arith.constant dense<0x7F800000> : vector<256xf32>
      %reduce_min3A_367 = vector.multi_reduction <minimumf>, %select_n3A_365, %reduce_min3A_366 [1] : vector<256x512xf32> to vector<256xf32>
      %broadcast_in_dim3A_368 = vector.shape_cast %reduce_min3A_367 : vector<256xf32> to vector<256x1xf32>
      %eq3A_369 = vector.broadcast %broadcast_in_dim3A_368 : vector<256x1xf32> to vector<256x512xf32>
      %eq3A_370 = arith.cmpf oeq, %select_n3A_365, %eq3A_369 : vector<256x512xf32>
      %jit3A_371 = arith.constant 1073741824 : i32
      %broadcast_in_dim3A_372 = vector.broadcast %jit3A_371 : i32 to vector<256x512xi32>
      %select_n3A_373 = arith.select %eq3A_370, %add3A_301, %broadcast_in_dim3A_372 : vector<256x512xi1>, vector<256x512xi32>
      %reduce_min3A_374 = arith.constant dense<2147483647> : vector<256xi32>
      %reduce_min3A_375 = vector.multi_reduction <minsi>, %select_n3A_373, %reduce_min3A_374 [1] : vector<256x512xi32> to vector<256xi32>
      %broadcast_in_dim3A_376 = vector.shape_cast %reduce_min3A_375 : vector<256xi32> to vector<256x1xi32>
      %eq3A_377 = vector.broadcast %broadcast_in_dim3A_376 : vector<256x1xi32> to vector<256x512xi32>
      %eq3A_378 = arith.cmpi eq, %add3A_301, %eq3A_377 : vector<256x512xi32>
      %jit3A_379 = arith.constant 0x7F800000 : f32
      %broadcast_in_dim3A_380 = vector.broadcast %jit3A_379 : f32 to vector<256x512xf32>
      %select_n3A_381 = arith.select %eq3A_378, %broadcast_in_dim3A_380, %select_n3A_365 : vector<256x512xi1>, vector<256x512xf32>
      %broadcast_in_dim3A_382 = arith.constant 1.000000e+30 : f32
      %broadcast_in_dim3A_383 = vector.broadcast %broadcast_in_dim3A_382 : f32 to vector<256x3xf32>
      %broadcast_in_dim3A_384 = arith.constant 1073741824 : i32
      %broadcast_in_dim3A_385 = vector.broadcast %broadcast_in_dim3A_384 : i32 to vector<256x3xi32>
      %concatenate3A_386 = tpu.concatenate %broadcast_in_dim3A_304, %broadcast_in_dim3A_320, %broadcast_in_dim3A_336, %broadcast_in_dim3A_352, %broadcast_in_dim3A_368, %broadcast_in_dim3A_383 in 1 : vector<256x1xf32>, vector<256x1xf32>, vector<256x1xf32>, vector<256x1xf32>, vector<256x1xf32>, vector<256x3xf32> -> vector<256x8xf32>
      %swap3A_387 = arith.index_cast %while3A_269 : i32 to index
      %swap3A_388 = arith.constant 0 : index
      %swap3A_389 = arith.constant 0 : index
      %swap3A_390 = vector.load %arg7[%swap3A_387, %swap3A_388, %swap3A_389] : memref<16x256x8xf32, #tpu.memory_space<vmem>>, vector<1x256x8xf32>
      %swap3A_391 = vector.shape_cast %swap3A_390 : vector<1x256x8xf32> to vector<256x8xf32>
      %swap3A_392 = vector.shape_cast %concatenate3A_386 : vector<256x8xf32> to vector<1x256x8xf32>
      tpu.vector_store %arg7[%swap3A_387, %swap3A_388, %swap3A_389], %swap3A_392 {strides = array<i32>} : memref<16x256x8xf32, #tpu.memory_space<vmem>>, vector<1x256x8xf32>,
      %concatenate3A_393 = tpu.concatenate %broadcast_in_dim3A_312, %broadcast_in_dim3A_328, %broadcast_in_dim3A_344, %broadcast_in_dim3A_360, %broadcast_in_dim3A_376, %broadcast_in_dim3A_385 in 1 : vector<256x1xi32>, vector<256x1xi32>, vector<256x1xi32>, vector<256x1xi32>, vector<256x1xi32>, vector<256x3xi32> -> vector<256x8xi32>
      %swap3A_394 = arith.index_cast %while3A_269 : i32 to index
      %swap3A_395 = arith.constant 0 : index
      %swap3A_396 = arith.constant 0 : index
      %swap3A_397 = vector.load %arg8[%swap3A_394, %swap3A_395, %swap3A_396] : memref<16x256x8xi32, #tpu.memory_space<vmem>>, vector<1x256x8xi32>
      %swap3A_398 = vector.shape_cast %swap3A_397 : vector<1x256x8xi32> to vector<256x8xi32>
      %swap3A_399 = vector.shape_cast %concatenate3A_393 : vector<256x8xi32> to vector<1x256x8xi32>
      tpu.vector_store %arg8[%swap3A_394, %swap3A_395, %swap3A_396], %swap3A_399 {strides = array<i32>} : memref<16x256x8xi32, #tpu.memory_space<vmem>>, vector<1x256x8xi32>,
      %while3A_400 = arith.constant 0 : i32
      scf.yield %while3A_400 : i32
    }
    %while3A_31 = arith.constant 1 : i32
    %while3A_32 = scf.for %while3A_269 = %while3A_28 to %while3A_24 step %while3A_31 iter_args(%while3A_270 = %while3A_30) -> (i32)  : i32 {
      %mul3A_271 = arith.constant 512 : i32
      %mul3A_272 = arith.muli %while3A_269, %mul3A_271 : i32
      %get3A_273 = arith.constant 0 : index
      %get3A_274 = arith.index_cast %mul3A_272 : i32 to index
      %get3A_275 = vector.load %arg3[%get3A_273, %get3A_274] : memref<64x8192xf32, #tpu.memory_space<vmem>>, vector<64x512xf32>
      %dot_general3A = arith.constant dense<0.000000e+00> : vector<256x512xf32>
      %dot_general3A_276 = tpu.matmul %get3A_1, %get3A_275, %dot_general3A {dimension_numbers = #tpu.dot_dimension_numbers<[1], [0], [0], [1], [0, 0, 1, 1], [], []>, transpose_lhs_hint = false} : vector<256x64xf32>, vector<64x512xf32>, vector<256x512xf32> -> vector<256x512xf32>
      %mul3A_277 = arith.constant -2.000000e+00 : f32
      %mul3A_278 = vector.broadcast %mul3A_277 : f32 to vector<256x512xf32>
      %mul3A_279 = arith.mulf %dot_general3A_276, %mul3A_278 : vector<256x512xf32>
      %add3A = vector.broadcast %broadcast_in_dim3A : vector<256x1xf32> to vector<256x512xf32>
      %add3A_280 = arith.addf %mul3A_279, %add3A : vector<256x512xf32>
      %mul3A_281 = arith.mulf %get3A_275, %get3A_275 : vector<64x512xf32>
      %reduce_sum3A_282 = arith.constant dense<0.000000e+00> : vector<512xf32>
      %reduce_sum3A_283 = vector.multi_reduction <add>, %mul3A_281, %reduce_sum3A_282 [0] : vector<64x512xf32> to vector<512xf32>
      %broadcast_in_dim3A_284 = vector.shape_cast %reduce_sum3A_283 : vector<512xf32> to vector<1x512xf32>
      %add3A_285 = vector.broadcast %broadcast_in_dim3A_284 : vector<1x512xf32> to vector<256x512xf32>
      %add3A_286 = arith.addf %add3A_280, %add3A_285 : vector<256x512xf32>
      %mul3A_287 = arith.constant 512 : i32
      %mul3A_288 = arith.muli %while3A_269, %mul3A_287 : i32
      %get3A_289 = arith.constant 0 : index
      %get3A_290 = arith.index_cast %mul3A_288 : i32 to index
      %get3A_291 = vector.load %arg5[%get3A_289, %get3A_290] : memref<1x8192xi32, #tpu.memory_space<vmem>>, vector<1x512xi32>
      %eq3A_292 = vector.broadcast %get3A_5 : vector<256x1xi32> to vector<256x512xi32>
      %eq3A_293 = vector.broadcast %get3A_291 : vector<1x512xi32> to vector<256x512xi32>
      %eq3A_294 = arith.cmpi eq, %eq3A_292, %eq3A_293 : vector<256x512xi32>
      %jit3A_295 = arith.constant 1.000000e+30 : f32
      %broadcast_in_dim3A_296 = vector.broadcast %jit3A_295 : f32 to vector<256x512xf32>
      %select_n3A_297 = arith.select %eq3A_294, %add3A_286, %broadcast_in_dim3A_296 : vector<256x512xi1>, vector<256x512xf32>
      %mul3A_298 = arith.constant 512 : i32
      %mul3A_299 = arith.muli %while3A_269, %mul3A_298 : i32
      %iota3A = tpu.iota {dimensions = array<i32: 1>} : vector<256x512xi32>
      %add3A_300 = vector.broadcast %mul3A_299 : i32 to vector<256x512xi32>
      %add3A_301 = arith.addi %add3A_300, %iota3A : vector<256x512xi32>
      %reduce_min3A_302 = arith.constant dense<0x7F800000> : vector<256xf32>
      %reduce_min3A_303 = vector.multi_reduction <minimumf>, %select_n3A_297, %reduce_min3A_302 [1] : vector<256x512xf32> to vector<256xf32>
      %broadcast_in_dim3A_304 = vector.shape_cast %reduce_min3A_303 : vector<256xf32> to vector<256x1xf32>
      %eq3A_305 = vector.broadcast %broadcast_in_dim3A_304 : vector<256x1xf32> to vector<256x512xf32>
      %eq3A_306 = arith.cmpf oeq, %select_n3A_297, %eq3A_305 : vector<256x512xf32>
      %jit3A_307 = arith.constant 1073741824 : i32
      %broadcast_in_dim3A_308 = vector.broadcast %jit3A_307 : i32 to vector<256x512xi32>
      %select_n3A_309 = arith.select %eq3A_306, %add3A_301, %broadcast_in_dim3A_308 : vector<256x512xi1>, vector<256x512xi32>
      %reduce_min3A_310 = arith.constant dense<2147483647> : vector<256xi32>
      %reduce_min3A_311 = vector.multi_reduction <minsi>, %select_n3A_309, %reduce_min3A_310 [1] : vector<256x512xi32> to vector<256xi32>
      %broadcast_in_dim3A_312 = vector.shape_cast %reduce_min3A_311 : vector<256xi32> to vector<256x1xi32>
      %eq3A_313 = vector.broadcast %broadcast_in_dim3A_312 : vector<256x1xi32> to vector<256x512xi32>
      %eq3A_314 = arith.cmpi eq, %add3A_301, %eq3A_313 : vector<256x512xi32>
      %jit3A_315 = arith.constant 0x7F800000 : f32
      %broadcast_in_dim3A_316 = vector.broadcast %jit3A_315 : f32 to vector<256x512xf32>
      %select_n3A_317 = arith.select %eq3A_314, %broadcast_in_dim3A_316, %select_n3A_297 : vector<256x512xi1>, vector<256x512xf32>
      %reduce_min3A_318 = arith.constant dense<0x7F800000> : vector<256xf32>
      %reduce_min3A_319 = vector.multi_reduction <minimumf>, %select_n3A_317, %reduce_min3A_318 [1] : vector<256x512xf32> to vector<256xf32>
      %broadcast_in_dim3A_320 = vector.shape_cast %reduce_min3A_319 : vector<256xf32> to vector<256x1xf32>
      %eq3A_321 = vector.broadcast %broadcast_in_dim3A_320 : vector<256x1xf32> to vector<256x512xf32>
      %eq3A_322 = arith.cmpf oeq, %select_n3A_317, %eq3A_321 : vector<256x512xf32>
      %jit3A_323 = arith.constant 1073741824 : i32
      %broadcast_in_dim3A_324 = vector.broadcast %jit3A_323 : i32 to vector<256x512xi32>
      %select_n3A_325 = arith.select %eq3A_322, %add3A_301, %broadcast_in_dim3A_324 : vector<256x512xi1>, vector<256x512xi32>
      %reduce_min3A_326 = arith.constant dense<2147483647> : vector<256xi32>
      %reduce_min3A_327 = vector.multi_reduction <minsi>, %select_n3A_325, %reduce_min3A_326 [1] : vector<256x512xi32> to vector<256xi32>
      %broadcast_in_dim3A_328 = vector.shape_cast %reduce_min3A_327 : vector<256xi32> to vector<256x1xi32>
      %eq3A_329 = vector.broadcast %broadcast_in_dim3A_328 : vector<256x1xi32> to vector<256x512xi32>
      %eq3A_330 = arith.cmpi eq, %add3A_301, %eq3A_329 : vector<256x512xi32>
      %jit3A_331 = arith.constant 0x7F800000 : f32
      %broadcast_in_dim3A_332 = vector.broadcast %jit3A_331 : f32 to vector<256x512xf32>
      %select_n3A_333 = arith.select %eq3A_330, %broadcast_in_dim3A_332, %select_n3A_317 : vector<256x512xi1>, vector<256x512xf32>
      %reduce_min3A_334 = arith.constant dense<0x7F800000> : vector<256xf32>
      %reduce_min3A_335 = vector.multi_reduction <minimumf>, %select_n3A_333, %reduce_min3A_334 [1] : vector<256x512xf32> to vector<256xf32>
      %broadcast_in_dim3A_336 = vector.shape_cast %reduce_min3A_335 : vector<256xf32> to vector<256x1xf32>
      %eq3A_337 = vector.broadcast %broadcast_in_dim3A_336 : vector<256x1xf32> to vector<256x512xf32>
      %eq3A_338 = arith.cmpf oeq, %select_n3A_333, %eq3A_337 : vector<256x512xf32>
      %jit3A_339 = arith.constant 1073741824 : i32
      %broadcast_in_dim3A_340 = vector.broadcast %jit3A_339 : i32 to vector<256x512xi32>
      %select_n3A_341 = arith.select %eq3A_338, %add3A_301, %broadcast_in_dim3A_340 : vector<256x512xi1>, vector<256x512xi32>
      %reduce_min3A_342 = arith.constant dense<2147483647> : vector<256xi32>
      %reduce_min3A_343 = vector.multi_reduction <minsi>, %select_n3A_341, %reduce_min3A_342 [1] : vector<256x512xi32> to vector<256xi32>
      %broadcast_in_dim3A_344 = vector.shape_cast %reduce_min3A_343 : vector<256xi32> to vector<256x1xi32>
      %eq3A_345 = vector.broadcast %broadcast_in_dim3A_344 : vector<256x1xi32> to vector<256x512xi32>
      %eq3A_346 = arith.cmpi eq, %add3A_301, %eq3A_345 : vector<256x512xi32>
      %jit3A_347 = arith.constant 0x7F800000 : f32
      %broadcast_in_dim3A_348 = vector.broadcast %jit3A_347 : f32 to vector<256x512xf32>
      %select_n3A_349 = arith.select %eq3A_346, %broadcast_in_dim3A_348, %select_n3A_333 : vector<256x512xi1>, vector<256x512xf32>
      %reduce_min3A_350 = arith.constant dense<0x7F800000> : vector<256xf32>
      %reduce_min3A_351 = vector.multi_reduction <minimumf>, %select_n3A_349, %reduce_min3A_350 [1] : vector<256x512xf32> to vector<256xf32>
      %broadcast_in_dim3A_352 = vector.shape_cast %reduce_min3A_351 : vector<256xf32> to vector<256x1xf32>
      %eq3A_353 = vector.broadcast %broadcast_in_dim3A_352 : vector<256x1xf32> to vector<256x512xf32>
      %eq3A_354 = arith.cmpf oeq, %select_n3A_349, %eq3A_353 : vector<256x512xf32>
      %jit3A_355 = arith.constant 1073741824 : i32
      %broadcast_in_dim3A_356 = vector.broadcast %jit3A_355 : i32 to vector<256x512xi32>
      %select_n3A_357 = arith.select %eq3A_354, %add3A_301, %broadcast_in_dim3A_356 : vector<256x512xi1>, vector<256x512xi32>
      %reduce_min3A_358 = arith.constant dense<2147483647> : vector<256xi32>
      %reduce_min3A_359 = vector.multi_reduction <minsi>, %select_n3A_357, %reduce_min3A_358 [1] : vector<256x512xi32> to vector<256xi32>
      %broadcast_in_dim3A_360 = vector.shape_cast %reduce_min3A_359 : vector<256xi32> to vector<256x1xi32>
      %eq3A_361 = vector.broadcast %broadcast_in_dim3A_360 : vector<256x1xi32> to vector<256x512xi32>
      %eq3A_362 = arith.cmpi eq, %add3A_301, %eq3A_361 : vector<256x512xi32>
      %jit3A_363 = arith.constant 0x7F800000 : f32
      %broadcast_in_dim3A_364 = vector.broadcast %jit3A_363 : f32 to vector<256x512xf32>
      %select_n3A_365 = arith.select %eq3A_362, %broadcast_in_dim3A_364, %select_n3A_349 : vector<256x512xi1>, vector<256x512xf32>
      %reduce_min3A_366 = arith.constant dense<0x7F800000> : vector<256xf32>
      %reduce_min3A_367 = vector.multi_reduction <minimumf>, %select_n3A_365, %reduce_min3A_366 [1] : vector<256x512xf32> to vector<256xf32>
      %broadcast_in_dim3A_368 = vector.shape_cast %reduce_min3A_367 : vector<256xf32> to vector<256x1xf32>
      %eq3A_369 = vector.broadcast %broadcast_in_dim3A_368 : vector<256x1xf32> to vector<256x512xf32>
      %eq3A_370 = arith.cmpf oeq, %select_n3A_365, %eq3A_369 : vector<256x512xf32>
      %jit3A_371 = arith.constant 1073741824 : i32
      %broadcast_in_dim3A_372 = vector.broadcast %jit3A_371 : i32 to vector<256x512xi32>
      %select_n3A_373 = arith.select %eq3A_370, %add3A_301, %broadcast_in_dim3A_372 : vector<256x512xi1>, vector<256x512xi32>
      %reduce_min3A_374 = arith.constant dense<2147483647> : vector<256xi32>
      %reduce_min3A_375 = vector.multi_reduction <minsi>, %select_n3A_373, %reduce_min3A_374 [1] : vector<256x512xi32> to vector<256xi32>
      %broadcast_in_dim3A_376 = vector.shape_cast %reduce_min3A_375 : vector<256xi32> to vector<256x1xi32>
      %eq3A_377 = vector.broadcast %broadcast_in_dim3A_376 : vector<256x1xi32> to vector<256x512xi32>
      %eq3A_378 = arith.cmpi eq, %add3A_301, %eq3A_377 : vector<256x512xi32>
      %jit3A_379 = arith.constant 0x7F800000 : f32
      %broadcast_in_dim3A_380 = vector.broadcast %jit3A_379 : f32 to vector<256x512xf32>
      %select_n3A_381 = arith.select %eq3A_378, %broadcast_in_dim3A_380, %select_n3A_365 : vector<256x512xi1>, vector<256x512xf32>
      %broadcast_in_dim3A_382 = arith.constant 1.000000e+30 : f32
      %broadcast_in_dim3A_383 = vector.broadcast %broadcast_in_dim3A_382 : f32 to vector<256x3xf32>
      %broadcast_in_dim3A_384 = arith.constant 1073741824 : i32
      %broadcast_in_dim3A_385 = vector.broadcast %broadcast_in_dim3A_384 : i32 to vector<256x3xi32>
      %concatenate3A_386 = tpu.concatenate %broadcast_in_dim3A_304, %broadcast_in_dim3A_320, %broadcast_in_dim3A_336, %broadcast_in_dim3A_352, %broadcast_in_dim3A_368, %broadcast_in_dim3A_383 in 1 : vector<256x1xf32>, vector<256x1xf32>, vector<256x1xf32>, vector<256x1xf32>, vector<256x1xf32>, vector<256x3xf32> -> vector<256x8xf32>
      %swap3A_387 = arith.index_cast %while3A_269 : i32 to index
      %swap3A_388 = arith.constant 0 : index
      %swap3A_389 = arith.constant 0 : index
      %swap3A_390 = vector.load %arg7[%swap3A_387, %swap3A_388, %swap3A_389] : memref<16x256x8xf32, #tpu.memory_space<vmem>>, vector<1x256x8xf32>
      %swap3A_391 = vector.shape_cast %swap3A_390 : vector<1x256x8xf32> to vector<256x8xf32>
      %swap3A_392 = vector.shape_cast %concatenate3A_386 : vector<256x8xf32> to vector<1x256x8xf32>
      tpu.vector_store %arg7[%swap3A_387, %swap3A_388, %swap3A_389], %swap3A_392 {strides = array<i32>} : memref<16x256x8xf32, #tpu.memory_space<vmem>>, vector<1x256x8xf32>,
      %concatenate3A_393 = tpu.concatenate %broadcast_in_dim3A_312, %broadcast_in_dim3A_328, %broadcast_in_dim3A_344, %broadcast_in_dim3A_360, %broadcast_in_dim3A_376, %broadcast_in_dim3A_385 in 1 : vector<256x1xi32>, vector<256x1xi32>, vector<256x1xi32>, vector<256x1xi32>, vector<256x1xi32>, vector<256x3xi32> -> vector<256x8xi32>
      %swap3A_394 = arith.index_cast %while3A_269 : i32 to index
      %swap3A_395 = arith.constant 0 : index
      %swap3A_396 = arith.constant 0 : index
      %swap3A_397 = vector.load %arg8[%swap3A_394, %swap3A_395, %swap3A_396] : memref<16x256x8xi32, #tpu.memory_space<vmem>>, vector<1x256x8xi32>
      %swap3A_398 = vector.shape_cast %swap3A_397 : vector<1x256x8xi32> to vector<256x8xi32>
      %swap3A_399 = vector.shape_cast %concatenate3A_393 : vector<256x8xi32> to vector<1x256x8xi32>
      tpu.vector_store %arg8[%swap3A_394, %swap3A_395, %swap3A_396], %swap3A_399 {strides = array<i32>} : memref<16x256x8xi32, #tpu.memory_space<vmem>>, vector<1x256x8xi32>,
      %while3A_400 = arith.constant 0 : i32
      scf.yield %while3A_400 : i32
    }
    %get3A_33 = arith.constant 0 : index
    %get3A_34 = arith.constant 0 : index
    %get3A_35 = arith.constant 0 : index
    %get3A_36 = vector.load %arg7[%get3A_33, %get3A_34, %get3A_35] : memref<16x256x8xf32, #tpu.memory_space<vmem>>, vector<1x256x8xf32>
    %get3A_37 = vector.shape_cast %get3A_36 : vector<1x256x8xf32> to vector<256x8xf32>
    %get3A_38 = arith.constant 1 : index
    %get3A_39 = arith.constant 0 : index
    %get3A_40 = arith.constant 0 : index
    %get3A_41 = vector.load %arg7[%get3A_38, %get3A_39, %get3A_40] : memref<16x256x8xf32, #tpu.memory_space<vmem>>, vector<1x256x8xf32>
    %get3A_42 = vector.shape_cast %get3A_41 : vector<1x256x8xf32> to vector<256x8xf32>
    %get3A_43 = arith.constant 2 : index
    %get3A_44 = arith.constant 0 : index
    %get3A_45 = arith.constant 0 : index
    %get3A_46 = vector.load %arg7[%get3A_43, %get3A_44, %get3A_45] : memref<16x256x8xf32, #tpu.memory_space<vmem>>, vector<1x256x8xf32>
    %get3A_47 = vector.shape_cast %get3A_46 : vector<1x256x8xf32> to vector<256x8xf32>
    %get3A_48 = arith.constant 3 : index
    %get3A_49 = arith.constant 0 : index
    %get3A_50 = arith.constant 0 : index
    %get3A_51 = vector.load %arg7[%get3A_48, %get3A_49, %get3A_50] : memref<16x256x8xf32, #tpu.memory_space<vmem>>, vector<1x256x8xf32>
    %get3A_52 = vector.shape_cast %get3A_51 : vector<1x256x8xf32> to vector<256x8xf32>
    %get3A_53 = arith.constant 4 : index
    %get3A_54 = arith.constant 0 : index
    %get3A_55 = arith.constant 0 : index
    %get3A_56 = vector.load %arg7[%get3A_53, %get3A_54, %get3A_55] : memref<16x256x8xf32, #tpu.memory_space<vmem>>, vector<1x256x8xf32>
    %get3A_57 = vector.shape_cast %get3A_56 : vector<1x256x8xf32> to vector<256x8xf32>
    %get3A_58 = arith.constant 5 : index
    %get3A_59 = arith.constant 0 : index
    %get3A_60 = arith.constant 0 : index
    %get3A_61 = vector.load %arg7[%get3A_58, %get3A_59, %get3A_60] : memref<16x256x8xf32, #tpu.memory_space<vmem>>, vector<1x256x8xf32>
    %get3A_62 = vector.shape_cast %get3A_61 : vector<1x256x8xf32> to vector<256x8xf32>
    %get3A_63 = arith.constant 6 : index
    %get3A_64 = arith.constant 0 : index
    %get3A_65 = arith.constant 0 : index
    %get3A_66 = vector.load %arg7[%get3A_63, %get3A_64, %get3A_65] : memref<16x256x8xf32, #tpu.memory_space<vmem>>, vector<1x256x8xf32>
    %get3A_67 = vector.shape_cast %get3A_66 : vector<1x256x8xf32> to vector<256x8xf32>
    %get3A_68 = arith.constant 7 : index
    %get3A_69 = arith.constant 0 : index
    %get3A_70 = arith.constant 0 : index
    %get3A_71 = vector.load %arg7[%get3A_68, %get3A_69, %get3A_70] : memref<16x256x8xf32, #tpu.memory_space<vmem>>, vector<1x256x8xf32>
    %get3A_72 = vector.shape_cast %get3A_71 : vector<1x256x8xf32> to vector<256x8xf32>
    %get3A_73 = arith.constant 8 : index
    %get3A_74 = arith.constant 0 : index
    %get3A_75 = arith.constant 0 : index
    %get3A_76 = vector.load %arg7[%get3A_73, %get3A_74, %get3A_75] : memref<16x256x8xf32, #tpu.memory_space<vmem>>, vector<1x256x8xf32>
    %get3A_77 = vector.shape_cast %get3A_76 : vector<1x256x8xf32> to vector<256x8xf32>
    %get3A_78 = arith.constant 9 : index
    %get3A_79 = arith.constant 0 : index
    %get3A_80 = arith.constant 0 : index
    %get3A_81 = vector.load %arg7[%get3A_78, %get3A_79, %get3A_80] : memref<16x256x8xf32, #tpu.memory_space<vmem>>, vector<1x256x8xf32>
    %get3A_82 = vector.shape_cast %get3A_81 : vector<1x256x8xf32> to vector<256x8xf32>
    %get3A_83 = arith.constant 10 : index
    %get3A_84 = arith.constant 0 : index
    %get3A_85 = arith.constant 0 : index
    %get3A_86 = vector.load %arg7[%get3A_83, %get3A_84, %get3A_85] : memref<16x256x8xf32, #tpu.memory_space<vmem>>, vector<1x256x8xf32>
    %get3A_87 = vector.shape_cast %get3A_86 : vector<1x256x8xf32> to vector<256x8xf32>
    %get3A_88 = arith.constant 11 : index
    %get3A_89 = arith.constant 0 : index
    %get3A_90 = arith.constant 0 : index
    %get3A_91 = vector.load %arg7[%get3A_88, %get3A_89, %get3A_90] : memref<16x256x8xf32, #tpu.memory_space<vmem>>, vector<1x256x8xf32>
    %get3A_92 = vector.shape_cast %get3A_91 : vector<1x256x8xf32> to vector<256x8xf32>
    %get3A_93 = arith.constant 12 : index
    %get3A_94 = arith.constant 0 : index
    %get3A_95 = arith.constant 0 : index
    %get3A_96 = vector.load %arg7[%get3A_93, %get3A_94, %get3A_95] : memref<16x256x8xf32, #tpu.memory_space<vmem>>, vector<1x256x8xf32>
    %get3A_97 = vector.shape_cast %get3A_96 : vector<1x256x8xf32> to vector<256x8xf32>
    %get3A_98 = arith.constant 13 : index
    %get3A_99 = arith.constant 0 : index
    %get3A_100 = arith.constant 0 : index
    %get3A_101 = vector.load %arg7[%get3A_98, %get3A_99, %get3A_100] : memref<16x256x8xf32, #tpu.memory_space<vmem>>, vector<1x256x8xf32>
    %get3A_102 = vector.shape_cast %get3A_101 : vector<1x256x8xf32> to vector<256x8xf32>
    %get3A_103 = arith.constant 14 : index
    %get3A_104 = arith.constant 0 : index
    %get3A_105 = arith.constant 0 : index
    %get3A_106 = vector.load %arg7[%get3A_103, %get3A_104, %get3A_105] : memref<16x256x8xf32, #tpu.memory_space<vmem>>, vector<1x256x8xf32>
    %get3A_107 = vector.shape_cast %get3A_106 : vector<1x256x8xf32> to vector<256x8xf32>
    %get3A_108 = arith.constant 15 : index
    %get3A_109 = arith.constant 0 : index
    %get3A_110 = arith.constant 0 : index
    %get3A_111 = vector.load %arg7[%get3A_108, %get3A_109, %get3A_110] : memref<16x256x8xf32, #tpu.memory_space<vmem>>, vector<1x256x8xf32>
    %get3A_112 = vector.shape_cast %get3A_111 : vector<1x256x8xf32> to vector<256x8xf32>
    %concatenate3A = tpu.concatenate %get3A_37, %get3A_42, %get3A_47, %get3A_52, %get3A_57, %get3A_62, %get3A_67, %get3A_72, %get3A_77, %get3A_82, %get3A_87, %get3A_92, %get3A_97, %get3A_102, %get3A_107, %get3A_112 in 1 : vector<256x8xf32>, vector<256x8xf32>, vector<256x8xf32>, vector<256x8xf32>, vector<256x8xf32>, vector<256x8xf32>, vector<256x8xf32>, vector<256x8xf32>, vector<256x8xf32>, vector<256x8xf32>, vector<256x8xf32>, vector<256x8xf32>, vector<256x8xf32>, vector<256x8xf32>, vector<256x8xf32>, vector<256x8xf32> -> vector<256x128xf32>
    %get3A_113 = arith.constant 0 : index
    %get3A_114 = arith.constant 0 : index
    %get3A_115 = arith.constant 0 : index
    %get3A_116 = vector.load %arg8[%get3A_113, %get3A_114, %get3A_115] : memref<16x256x8xi32, #tpu.memory_space<vmem>>, vector<1x256x8xi32>
    %get3A_117 = vector.shape_cast %get3A_116 : vector<1x256x8xi32> to vector<256x8xi32>
    %get3A_118 = arith.constant 1 : index
    %get3A_119 = arith.constant 0 : index
    %get3A_120 = arith.constant 0 : index
    %get3A_121 = vector.load %arg8[%get3A_118, %get3A_119, %get3A_120] : memref<16x256x8xi32, #tpu.memory_space<vmem>>, vector<1x256x8xi32>
    %get3A_122 = vector.shape_cast %get3A_121 : vector<1x256x8xi32> to vector<256x8xi32>
    %get3A_123 = arith.constant 2 : index
    %get3A_124 = arith.constant 0 : index
    %get3A_125 = arith.constant 0 : index
    %get3A_126 = vector.load %arg8[%get3A_123, %get3A_124, %get3A_125] : memref<16x256x8xi32, #tpu.memory_space<vmem>>, vector<1x256x8xi32>
    %get3A_127 = vector.shape_cast %get3A_126 : vector<1x256x8xi32> to vector<256x8xi32>
    %get3A_128 = arith.constant 3 : index
    %get3A_129 = arith.constant 0 : index
    %get3A_130 = arith.constant 0 : index
    %get3A_131 = vector.load %arg8[%get3A_128, %get3A_129, %get3A_130] : memref<16x256x8xi32, #tpu.memory_space<vmem>>, vector<1x256x8xi32>
    %get3A_132 = vector.shape_cast %get3A_131 : vector<1x256x8xi32> to vector<256x8xi32>
    %get3A_133 = arith.constant 4 : index
    %get3A_134 = arith.constant 0 : index
    %get3A_135 = arith.constant 0 : index
    %get3A_136 = vector.load %arg8[%get3A_133, %get3A_134, %get3A_135] : memref<16x256x8xi32, #tpu.memory_space<vmem>>, vector<1x256x8xi32>
    %get3A_137 = vector.shape_cast %get3A_136 : vector<1x256x8xi32> to vector<256x8xi32>
    %get3A_138 = arith.constant 5 : index
    %get3A_139 = arith.constant 0 : index
    %get3A_140 = arith.constant 0 : index
    %get3A_141 = vector.load %arg8[%get3A_138, %get3A_139, %get3A_140] : memref<16x256x8xi32, #tpu.memory_space<vmem>>, vector<1x256x8xi32>
    %get3A_142 = vector.shape_cast %get3A_141 : vector<1x256x8xi32> to vector<256x8xi32>
    %get3A_143 = arith.constant 6 : index
    %get3A_144 = arith.constant 0 : index
    %get3A_145 = arith.constant 0 : index
    %get3A_146 = vector.load %arg8[%get3A_143, %get3A_144, %get3A_145] : memref<16x256x8xi32, #tpu.memory_space<vmem>>, vector<1x256x8xi32>
    %get3A_147 = vector.shape_cast %get3A_146 : vector<1x256x8xi32> to vector<256x8xi32>
    %get3A_148 = arith.constant 7 : index
    %get3A_149 = arith.constant 0 : index
    %get3A_150 = arith.constant 0 : index
    %get3A_151 = vector.load %arg8[%get3A_148, %get3A_149, %get3A_150] : memref<16x256x8xi32, #tpu.memory_space<vmem>>, vector<1x256x8xi32>
    %get3A_152 = vector.shape_cast %get3A_151 : vector<1x256x8xi32> to vector<256x8xi32>
    %get3A_153 = arith.constant 8 : index
    %get3A_154 = arith.constant 0 : index
    %get3A_155 = arith.constant 0 : index
    %get3A_156 = vector.load %arg8[%get3A_153, %get3A_154, %get3A_155] : memref<16x256x8xi32, #tpu.memory_space<vmem>>, vector<1x256x8xi32>
    %get3A_157 = vector.shape_cast %get3A_156 : vector<1x256x8xi32> to vector<256x8xi32>
    %get3A_158 = arith.constant 9 : index
    %get3A_159 = arith.constant 0 : index
    %get3A_160 = arith.constant 0 : index
    %get3A_161 = vector.load %arg8[%get3A_158, %get3A_159, %get3A_160] : memref<16x256x8xi32, #tpu.memory_space<vmem>>, vector<1x256x8xi32>
    %get3A_162 = vector.shape_cast %get3A_161 : vector<1x256x8xi32> to vector<256x8xi32>
    %get3A_163 = arith.constant 10 : index
    %get3A_164 = arith.constant 0 : index
    %get3A_165 = arith.constant 0 : index
    %get3A_166 = vector.load %arg8[%get3A_163, %get3A_164, %get3A_165] : memref<16x256x8xi32, #tpu.memory_space<vmem>>, vector<1x256x8xi32>
    %get3A_167 = vector.shape_cast %get3A_166 : vector<1x256x8xi32> to vector<256x8xi32>
    %get3A_168 = arith.constant 11 : index
    %get3A_169 = arith.constant 0 : index
    %get3A_170 = arith.constant 0 : index
    %get3A_171 = vector.load %arg8[%get3A_168, %get3A_169, %get3A_170] : memref<16x256x8xi32, #tpu.memory_space<vmem>>, vector<1x256x8xi32>
    %get3A_172 = vector.shape_cast %get3A_171 : vector<1x256x8xi32> to vector<256x8xi32>
    %get3A_173 = arith.constant 12 : index
    %get3A_174 = arith.constant 0 : index
    %get3A_175 = arith.constant 0 : index
    %get3A_176 = vector.load %arg8[%get3A_173, %get3A_174, %get3A_175] : memref<16x256x8xi32, #tpu.memory_space<vmem>>, vector<1x256x8xi32>
    %get3A_177 = vector.shape_cast %get3A_176 : vector<1x256x8xi32> to vector<256x8xi32>
    %get3A_178 = arith.constant 13 : index
    %get3A_179 = arith.constant 0 : index
    %get3A_180 = arith.constant 0 : index
    %get3A_181 = vector.load %arg8[%get3A_178, %get3A_179, %get3A_180] : memref<16x256x8xi32, #tpu.memory_space<vmem>>, vector<1x256x8xi32>
    %get3A_182 = vector.shape_cast %get3A_181 : vector<1x256x8xi32> to vector<256x8xi32>
    %get3A_183 = arith.constant 14 : index
    %get3A_184 = arith.constant 0 : index
    %get3A_185 = arith.constant 0 : index
    %get3A_186 = vector.load %arg8[%get3A_183, %get3A_184, %get3A_185] : memref<16x256x8xi32, #tpu.memory_space<vmem>>, vector<1x256x8xi32>
    %get3A_187 = vector.shape_cast %get3A_186 : vector<1x256x8xi32> to vector<256x8xi32>
    %get3A_188 = arith.constant 15 : index
    %get3A_189 = arith.constant 0 : index
    %get3A_190 = arith.constant 0 : index
    %get3A_191 = vector.load %arg8[%get3A_188, %get3A_189, %get3A_190] : memref<16x256x8xi32, #tpu.memory_space<vmem>>, vector<1x256x8xi32>
    %get3A_192 = vector.shape_cast %get3A_191 : vector<1x256x8xi32> to vector<256x8xi32>
    %concatenate3A_193 = tpu.concatenate %get3A_117, %get3A_122, %get3A_127, %get3A_132, %get3A_137, %get3A_142, %get3A_147, %get3A_152, %get3A_157, %get3A_162, %get3A_167, %get3A_172, %get3A_177, %get3A_182, %get3A_187, %get3A_192 in 1 : vector<256x8xi32>, vector<256x8xi32>, vector<256x8xi32>, vector<256x8xi32>, vector<256x8xi32>, vector<256x8xi32>, vector<256x8xi32>, vector<256x8xi32>, vector<256x8xi32>, vector<256x8xi32>, vector<256x8xi32>, vector<256x8xi32>, vector<256x8xi32>, vector<256x8xi32>, vector<256x8xi32>, vector<256x8xi32> -> vector<256x128xi32>
    %reduce_min3A = arith.constant dense<0x7F800000> : vector<256xf32>
    %reduce_min3A_194 = vector.multi_reduction <minimumf>, %concatenate3A, %reduce_min3A [1] : vector<256x128xf32> to vector<256xf32>
    %broadcast_in_dim3A_195 = vector.shape_cast %reduce_min3A_194 : vector<256xf32> to vector<256x1xf32>
    %eq3A = vector.broadcast %broadcast_in_dim3A_195 : vector<256x1xf32> to vector<256x128xf32>
    %eq3A_196 = arith.cmpf oeq, %concatenate3A, %eq3A : vector<256x128xf32>
    %jit3A = arith.constant 1073741824 : i32
    %broadcast_in_dim3A_197 = vector.broadcast %jit3A : i32 to vector<256x128xi32>
    %select_n3A = arith.select %eq3A_196, %concatenate3A_193, %broadcast_in_dim3A_197 : vector<256x128xi1>, vector<256x128xi32>
    %reduce_min3A_198 = arith.constant dense<2147483647> : vector<256xi32>
    %reduce_min3A_199 = vector.multi_reduction <minsi>, %select_n3A, %reduce_min3A_198 [1] : vector<256x128xi32> to vector<256xi32>
    %broadcast_in_dim3A_200 = vector.shape_cast %reduce_min3A_199 : vector<256xi32> to vector<256x1xi32>
    %eq3A_201 = vector.broadcast %broadcast_in_dim3A_200 : vector<256x1xi32> to vector<256x128xi32>
    %eq3A_202 = arith.cmpi eq, %concatenate3A_193, %eq3A_201 : vector<256x128xi32>
    %jit3A_203 = arith.constant 0x7F800000 : f32
    %broadcast_in_dim3A_204 = vector.broadcast %jit3A_203 : f32 to vector<256x128xf32>
    %select_n3A_205 = arith.select %eq3A_202, %broadcast_in_dim3A_204, %concatenate3A : vector<256x128xi1>, vector<256x128xf32>
    %reduce_min3A_206 = arith.constant dense<0x7F800000> : vector<256xf32>
    %reduce_min3A_207 = vector.multi_reduction <minimumf>, %select_n3A_205, %reduce_min3A_206 [1] : vector<256x128xf32> to vector<256xf32>
    %broadcast_in_dim3A_208 = vector.shape_cast %reduce_min3A_207 : vector<256xf32> to vector<256x1xf32>
    %eq3A_209 = vector.broadcast %broadcast_in_dim3A_208 : vector<256x1xf32> to vector<256x128xf32>
    %eq3A_210 = arith.cmpf oeq, %select_n3A_205, %eq3A_209 : vector<256x128xf32>
    %jit3A_211 = arith.constant 1073741824 : i32
    %broadcast_in_dim3A_212 = vector.broadcast %jit3A_211 : i32 to vector<256x128xi32>
    %select_n3A_213 = arith.select %eq3A_210, %concatenate3A_193, %broadcast_in_dim3A_212 : vector<256x128xi1>, vector<256x128xi32>
    %reduce_min3A_214 = arith.constant dense<2147483647> : vector<256xi32>
    %reduce_min3A_215 = vector.multi_reduction <minsi>, %select_n3A_213, %reduce_min3A_214 [1] : vector<256x128xi32> to vector<256xi32>
    %broadcast_in_dim3A_216 = vector.shape_cast %reduce_min3A_215 : vector<256xi32> to vector<256x1xi32>
    %eq3A_217 = vector.broadcast %broadcast_in_dim3A_216 : vector<256x1xi32> to vector<256x128xi32>
    %eq3A_218 = arith.cmpi eq, %concatenate3A_193, %eq3A_217 : vector<256x128xi32>
    %jit3A_219 = arith.constant 0x7F800000 : f32
    %broadcast_in_dim3A_220 = vector.broadcast %jit3A_219 : f32 to vector<256x128xf32>
    %select_n3A_221 = arith.select %eq3A_218, %broadcast_in_dim3A_220, %select_n3A_205 : vector<256x128xi1>, vector<256x128xf32>
    %reduce_min3A_222 = arith.constant dense<0x7F800000> : vector<256xf32>
    %reduce_min3A_223 = vector.multi_reduction <minimumf>, %select_n3A_221, %reduce_min3A_222 [1] : vector<256x128xf32> to vector<256xf32>
    %broadcast_in_dim3A_224 = vector.shape_cast %reduce_min3A_223 : vector<256xf32> to vector<256x1xf32>
    %eq3A_225 = vector.broadcast %broadcast_in_dim3A_224 : vector<256x1xf32> to vector<256x128xf32>
    %eq3A_226 = arith.cmpf oeq, %select_n3A_221, %eq3A_225 : vector<256x128xf32>
    %jit3A_227 = arith.constant 1073741824 : i32
    %broadcast_in_dim3A_228 = vector.broadcast %jit3A_227 : i32 to vector<256x128xi32>
    %select_n3A_229 = arith.select %eq3A_226, %concatenate3A_193, %broadcast_in_dim3A_228 : vector<256x128xi1>, vector<256x128xi32>
    %reduce_min3A_230 = arith.constant dense<2147483647> : vector<256xi32>
    %reduce_min3A_231 = vector.multi_reduction <minsi>, %select_n3A_229, %reduce_min3A_230 [1] : vector<256x128xi32> to vector<256xi32>
    %broadcast_in_dim3A_232 = vector.shape_cast %reduce_min3A_231 : vector<256xi32> to vector<256x1xi32>
    %eq3A_233 = vector.broadcast %broadcast_in_dim3A_232 : vector<256x1xi32> to vector<256x128xi32>
    %eq3A_234 = arith.cmpi eq, %concatenate3A_193, %eq3A_233 : vector<256x128xi32>
    %jit3A_235 = arith.constant 0x7F800000 : f32
    %broadcast_in_dim3A_236 = vector.broadcast %jit3A_235 : f32 to vector<256x128xf32>
    %select_n3A_237 = arith.select %eq3A_234, %broadcast_in_dim3A_236, %select_n3A_221 : vector<256x128xi1>, vector<256x128xf32>
    %reduce_min3A_238 = arith.constant dense<0x7F800000> : vector<256xf32>
    %reduce_min3A_239 = vector.multi_reduction <minimumf>, %select_n3A_237, %reduce_min3A_238 [1] : vector<256x128xf32> to vector<256xf32>
    %broadcast_in_dim3A_240 = vector.shape_cast %reduce_min3A_239 : vector<256xf32> to vector<256x1xf32>
    %eq3A_241 = vector.broadcast %broadcast_in_dim3A_240 : vector<256x1xf32> to vector<256x128xf32>
    %eq3A_242 = arith.cmpf oeq, %select_n3A_237, %eq3A_241 : vector<256x128xf32>
    %jit3A_243 = arith.constant 1073741824 : i32
    %broadcast_in_dim3A_244 = vector.broadcast %jit3A_243 : i32 to vector<256x128xi32>
    %select_n3A_245 = arith.select %eq3A_242, %concatenate3A_193, %broadcast_in_dim3A_244 : vector<256x128xi1>, vector<256x128xi32>
    %reduce_min3A_246 = arith.constant dense<2147483647> : vector<256xi32>
    %reduce_min3A_247 = vector.multi_reduction <minsi>, %select_n3A_245, %reduce_min3A_246 [1] : vector<256x128xi32> to vector<256xi32>
    %broadcast_in_dim3A_248 = vector.shape_cast %reduce_min3A_247 : vector<256xi32> to vector<256x1xi32>
    %eq3A_249 = vector.broadcast %broadcast_in_dim3A_248 : vector<256x1xi32> to vector<256x128xi32>
    %eq3A_250 = arith.cmpi eq, %concatenate3A_193, %eq3A_249 : vector<256x128xi32>
    %jit3A_251 = arith.constant 0x7F800000 : f32
    %broadcast_in_dim3A_252 = vector.broadcast %jit3A_251 : f32 to vector<256x128xf32>
    %select_n3A_253 = arith.select %eq3A_250, %broadcast_in_dim3A_252, %select_n3A_237 : vector<256x128xi1>, vector<256x128xf32>
    %reduce_min3A_254 = arith.constant dense<0x7F800000> : vector<256xf32>
    %reduce_min3A_255 = vector.multi_reduction <minimumf>, %select_n3A_253, %reduce_min3A_254 [1] : vector<256x128xf32> to vector<256xf32>
    %broadcast_in_dim3A_256 = vector.shape_cast %reduce_min3A_255 : vector<256xf32> to vector<256x1xf32>
    %eq3A_257 = vector.broadcast %broadcast_in_dim3A_256 : vector<256x1xf32> to vector<256x128xf32>
    %eq3A_258 = arith.cmpf oeq, %select_n3A_253, %eq3A_257 : vector<256x128xf32>
    %jit3A_259 = arith.constant 1073741824 : i32
    %broadcast_in_dim3A_260 = vector.broadcast %jit3A_259 : i32 to vector<256x128xi32>
    %select_n3A_261 = arith.select %eq3A_258, %concatenate3A_193, %broadcast_in_dim3A_260 : vector<256x128xi1>, vector<256x128xi32>
    %reduce_min3A_262 = arith.constant dense<2147483647> : vector<256xi32>
    %reduce_min3A_263 = vector.multi_reduction <minsi>, %select_n3A_261, %reduce_min3A_262 [1] : vector<256x128xi32> to vector<256xi32>
    %broadcast_in_dim3A_264 = vector.shape_cast %reduce_min3A_263 : vector<256xi32> to vector<256x1xi32>
    %concatenate3A_265 = tpu.concatenate %broadcast_in_dim3A_200, %broadcast_in_dim3A_216, %broadcast_in_dim3A_232, %broadcast_in_dim3A_248, %broadcast_in_dim3A_264 in 1 : vector<256x1xi32>, vector<256x1xi32>, vector<256x1xi32>, vector<256x1xi32>, vector<256x1xi32> -> vector<256x5xi32>
    %swap3A_266 = arith.constant 0 : index
    %swap3A_267 = arith.constant 0 : index
    %swap3A_268 = vector.load %arg6[%swap3A_266, %swap3A_267] : memref<256x5xi32, #tpu.memory_space<vmem>>, vector<256x5xi32>
    tpu.vector_store %arg6[%swap3A_266, %swap3A_267], %concatenate3A_265 {strides = array<i32>} : memref<256x5xi32, #tpu.memory_space<vmem>>, vector<256x5xi32>,
    return
  }
  func.func @transform_0(%arg0: i32) -> (i32, i32) {
    %c0_i32 = arith.constant 0 : i32
    %c0_i32_0 = arith.constant 0 : i32
    %c0_i32_1 = arith.constant 0 : i32
    return %c0_i32, %c0_i32_0 : i32, i32
  }
  func.func @transform_1(%arg0: i32) -> (i32, i32) {
    %c0_i32 = arith.constant 0 : i32
    %c0_i32_0 = arith.constant 0 : i32
    return %arg0, %c0_i32 : i32, i32
  }
  func.func @transform_2(%arg0: i32) -> (i32, i32) {
    %c0_i32 = arith.constant 0 : i32
    %c0_i32_0 = arith.constant 0 : i32
    %c0_i32_1 = arith.constant 0 : i32
    return %c0_i32, %c0_i32_0 : i32, i32
  }
  func.func @transform_3(%arg0: i32) -> (i32, i32) {
    %c0_i32 = arith.constant 0 : i32
    %c0_i32_0 = arith.constant 0 : i32
    return %arg0, %c0_i32 : i32, i32
  }
  func.func @transform_4(%arg0: i32) -> (i32, i32) {
    %c0_i32 = arith.constant 0 : i32
    %c0_i32_0 = arith.constant 0 : i32
    %c0_i32_1 = arith.constant 0 : i32
    return %c0_i32, %c0_i32_0 : i32, i32
  }
  func.func @transform_5(%arg0: i32) -> (i32, i32) {
    %c0_i32 = arith.constant 0 : i32
    %c0_i32_0 = arith.constant 0 : i32
    return %arg0, %c0_i32 : i32, i32
  }
}

module attributes {stable_mosaic.version = 14 : i64} {
  func.func @_conv2_body(%arg0: i32, %arg1: memref<32x2xi32, #tpu.memory_space<smem>>, %arg2: memref<256x64xf32, #tpu.memory_space<vmem>>, %arg3: memref<5x256x64xf32, #tpu.memory_space<vmem>>, %arg4: memref<128x128xf32, #tpu.memory_space<vmem>>, %arg5: memref<1x128xf32, #tpu.memory_space<vmem>>, %arg6: memref<192x1024xf32, #tpu.memory_space<vmem>>, %arg7: memref<1x1024xf32, #tpu.memory_space<vmem>>, %arg8: memref<256x1xi32, #tpu.memory_space<vmem>>, %arg9: memref<1024x512xf32, #tpu.memory_space<vmem>>, %arg10: memref<1x512xf32, #tpu.memory_space<vmem>>, %arg11: memref<512x256xf32, #tpu.memory_space<vmem>>, %arg12: memref<1x256xf32, #tpu.memory_space<vmem>>, %arg13: memref<256x40xf32, #tpu.memory_space<vmem>>, %arg14: memref<1x40xf32, #tpu.memory_space<vmem>>, %arg15: memref<16x40xf32, #tpu.memory_space<vmem>>, %arg16: memref<16x1024xf32, #tpu.memory_space<vmem>>) attributes {dimension_semantics = [#tpu.dimension_semantics<arbitrary>], iteration_bounds = array<i64: 32>, scalar_prefetch = 0 : i64, scratch_operands = 1 : i64, tpu.core_type = #tpu.core_type<tc>, window_params = [{transform_indices = @transform_0, window_bounds = array<i64: 32, 2>}, {transform_indices = @transform_1, window_bounds = array<i64: 256, 64>}, {transform_indices = @transform_2, window_bounds = array<i64: 5, 256, 64>}, {pipeline_mode = #tpu.pipeline_mode<synchronous>, transform_indices = @transform_3, window_bounds = array<i64: 128, 128>}, {pipeline_mode = #tpu.pipeline_mode<synchronous>, transform_indices = @transform_4, window_bounds = array<i64: 1, 128>}, {pipeline_mode = #tpu.pipeline_mode<synchronous>, transform_indices = @transform_5, window_bounds = array<i64: 192, 1024>}, {pipeline_mode = #tpu.pipeline_mode<synchronous>, transform_indices = @transform_6, window_bounds = array<i64: 1, 1024>}, {transform_indices = @transform_7, window_bounds = array<i64: 256, 1>}, {pipeline_mode = #tpu.pipeline_mode<synchronous>, transform_indices = @transform_8, window_bounds = array<i64: 1024, 512>}, {pipeline_mode = #tpu.pipeline_mode<synchronous>, transform_indices = @transform_9, window_bounds = array<i64: 1, 512>}, {pipeline_mode = #tpu.pipeline_mode<synchronous>, transform_indices = @transform_10, window_bounds = array<i64: 512, 256>}, {pipeline_mode = #tpu.pipeline_mode<synchronous>, transform_indices = @transform_11, window_bounds = array<i64: 1, 256>}, {pipeline_mode = #tpu.pipeline_mode<synchronous>, transform_indices = @transform_12, window_bounds = array<i64: 256, 40>}, {pipeline_mode = #tpu.pipeline_mode<synchronous>, transform_indices = @transform_13, window_bounds = array<i64: 1, 40>}, {pipeline_mode = #tpu.pipeline_mode<synchronous>, transform_indices = @transform_14, window_bounds = array<i64: 16, 40>}]} {
    %eq3A = arith.constant 0 : i32
    %eq3A_0 = arith.cmpi eq, %arg0, %eq3A : i32
    %convert_element_type3A = arith.extui %eq3A_0 : i1 to i32
    %cond3A = arith.constant 0 : i32
    %cond3A_1 = arith.cmpi ne, %convert_element_type3A, %cond3A : i32
    scf.if %cond3A_1 {
      %broadcast_in_dim3A = arith.constant 0xFF800000 : f32
      %broadcast_in_dim3A_177 = vector.broadcast %broadcast_in_dim3A : f32 to vector<16x1024xf32>
      %swap3A = arith.constant 0 : index
      %swap3A_178 = arith.constant 0 : index
      %swap3A_179 = vector.load %arg16[%swap3A, %swap3A_178] : memref<16x1024xf32, #tpu.memory_space<vmem>>, vector<16x1024xf32>
      tpu.vector_store %arg16[%swap3A, %swap3A_178], %broadcast_in_dim3A_177 {strides = array<i32>} : memref<16x1024xf32, #tpu.memory_space<vmem>>, vector<16x1024xf32>,
    } else {
    }
    %get3A = arith.constant 0 : index
    %get3A_2 = arith.constant 0 : index
    %get3A_3 = vector.load %arg2[%get3A, %get3A_2] : memref<256x64xf32, #tpu.memory_space<vmem>>, vector<256x64xf32>
    %concatenate3A = tpu.concatenate %get3A_3, %get3A_3, %get3A_3, %get3A_3, %get3A_3 in 0 : vector<256x64xf32>, vector<256x64xf32>, vector<256x64xf32>, vector<256x64xf32>, vector<256x64xf32> -> vector<1280x64xf32>
    %get3A_4 = arith.constant 0 : index
    %get3A_5 = arith.constant 0 : index
    %get3A_6 = arith.constant 0 : index
    %get3A_7 = vector.load %arg3[%get3A_4, %get3A_5, %get3A_6] : memref<5x256x64xf32, #tpu.memory_space<vmem>>, vector<5x256x64xf32>
    %reshape3A = vector.shape_cast %get3A_7 : vector<5x256x64xf32> to vector<1280x64xf32>
    %sub3A = arith.subf %reshape3A, %concatenate3A : vector<1280x64xf32>
    %concatenate3A_8 = tpu.concatenate %concatenate3A, %sub3A in 1 : vector<1280x64xf32>, vector<1280x64xf32> -> vector<1280x128xf32>
    %get3A_9 = arith.constant 0 : index
    %get3A_10 = arith.constant 0 : index
    %get3A_11 = vector.load %arg4[%get3A_9, %get3A_10] : memref<128x128xf32, #tpu.memory_space<vmem>>, vector<128x128xf32>
    %dot_general3A = arith.constant dense<0.000000e+00> : vector<1280x128xf32>
    %dot_general3A_12 = tpu.matmul %concatenate3A_8, %get3A_11, %dot_general3A {dimension_numbers = #tpu.dot_dimension_numbers<[1], [0], [0], [1], [0, 0, 1, 1], [], []>, transpose_lhs_hint = false} : vector<1280x128xf32>, vector<128x128xf32>, vector<1280x128xf32> -> vector<1280x128xf32>
    %get3A_13 = arith.constant 0 : index
    %get3A_14 = arith.constant 0 : index
    %get3A_15 = vector.load %arg5[%get3A_13, %get3A_14] : memref<1x128xf32, #tpu.memory_space<vmem>>, vector<1x128xf32>
    %add3A = vector.broadcast %get3A_15 : vector<1x128xf32> to vector<1280x128xf32>
    %add3A_16 = arith.addf %dot_general3A_12, %add3A : vector<1280x128xf32>
    %max3A = arith.constant 0.000000e+00 : f32
    %max3A_17 = vector.broadcast %max3A : f32 to vector<1280x128xf32>
    %max3A_18 = arith.maximumf %add3A_16, %max3A_17 : vector<1280x128xf32>
    %slice3A = vector.extract_strided_slice %max3A_18 {offsets = [0, 0], sizes = [256, 128], strides = [1, 1]} : vector<1280x128xf32> to vector<256x128xf32>
    %slice3A_19 = vector.extract_strided_slice %max3A_18 {offsets = [256, 0], sizes = [256, 128], strides = [1, 1]} : vector<1280x128xf32> to vector<256x128xf32>
    %add3A_20 = arith.addf %slice3A, %slice3A_19 : vector<256x128xf32>
    %slice3A_21 = vector.extract_strided_slice %max3A_18 {offsets = [512, 0], sizes = [256, 128], strides = [1, 1]} : vector<1280x128xf32> to vector<256x128xf32>
    %add3A_22 = arith.addf %add3A_20, %slice3A_21 : vector<256x128xf32>
    %slice3A_23 = vector.extract_strided_slice %max3A_18 {offsets = [768, 0], sizes = [256, 128], strides = [1, 1]} : vector<1280x128xf32> to vector<256x128xf32>
    %add3A_24 = arith.addf %add3A_22, %slice3A_23 : vector<256x128xf32>
    %slice3A_25 = vector.extract_strided_slice %max3A_18 {offsets = [1024, 0], sizes = [256, 128], strides = [1, 1]} : vector<1280x128xf32> to vector<256x128xf32>
    %add3A_26 = arith.addf %add3A_24, %slice3A_25 : vector<256x128xf32>
    %concatenate3A_27 = tpu.concatenate %get3A_3, %add3A_26 in 1 : vector<256x64xf32>, vector<256x128xf32> -> vector<256x192xf32>
    %get3A_28 = arith.constant 0 : index
    %get3A_29 = arith.constant 0 : index
    %get3A_30 = vector.load %arg6[%get3A_28, %get3A_29] : memref<192x1024xf32, #tpu.memory_space<vmem>>, vector<192x1024xf32>
    %dot_general3A_31 = arith.constant dense<0.000000e+00> : vector<256x1024xf32>
    %dot_general3A_32 = tpu.matmul %concatenate3A_27, %get3A_30, %dot_general3A_31 {dimension_numbers = #tpu.dot_dimension_numbers<[1], [0], [0], [1], [0, 0, 1, 1], [], []>, transpose_lhs_hint = false} : vector<256x192xf32>, vector<192x1024xf32>, vector<256x1024xf32> -> vector<256x1024xf32>
    %get3A_33 = arith.constant 0 : index
    %get3A_34 = arith.constant 0 : index
    %get3A_35 = vector.load %arg7[%get3A_33, %get3A_34] : memref<1x1024xf32, #tpu.memory_space<vmem>>, vector<1x1024xf32>
    %add3A_36 = vector.broadcast %get3A_35 : vector<1x1024xf32> to vector<256x1024xf32>
    %add3A_37 = arith.addf %dot_general3A_32, %add3A_36 : vector<256x1024xf32>
    %get3A_38 = arith.constant 0 : index
    %get3A_39 = arith.constant 0 : index
    %get3A_40 = vector.load %arg8[%get3A_38, %get3A_39] : memref<256x1xi32, #tpu.memory_space<vmem>>, vector<256x1xi32>
    %get3A_41 = arith.index_cast %arg0 : i32 to index
    %get3A_42 = arith.constant 0 : index
    %get3A_43 = memref.load %arg1[%get3A_41, %get3A_42] : memref<32x2xi32, #tpu.memory_space<smem>>
    %get3A_44 = arith.index_cast %arg0 : i32 to index
    %get3A_45 = arith.constant 1 : index
    %get3A_46 = memref.load %arg1[%get3A_44, %get3A_45] : memref<32x2xi32, #tpu.memory_space<smem>>
    %le3A = arith.constant 0 : i32
    %le3A_47 = arith.cmpi sle, %get3A_43, %le3A : i32
    %ge3A = arith.constant 0 : i32
    %ge3A_48 = arith.cmpi sge, %get3A_46, %ge3A : i32
    %and3A = arith.andi %le3A_47, %ge3A_48 : i1
    %convert_element_type3A_49 = arith.extui %and3A : i1 to i32
    %cond3A_50 = arith.constant 0 : i32
    %cond3A_51 = arith.cmpi ne, %convert_element_type3A_49, %cond3A_50 : i32
    scf.if %cond3A_51 {
      %eq3A_177 = arith.constant 0 : i32
      %eq3A_178 = vector.broadcast %eq3A_177 : i32 to vector<256x1xi32>
      %eq3A_179 = arith.cmpi eq, %get3A_40, %eq3A_178 : vector<256x1xi32>
      %jit3A = arith.constant 0xFF800000 : f32
      %broadcast_in_dim3A = vector.shape_cast %eq3A_179 : vector<256x1xi1> to vector<256x1xi1>
      %broadcast_in_dim3A_180 = vector.broadcast %broadcast_in_dim3A : vector<256x1xi1> to vector<256x1024xi1>
      %broadcast_in_dim3A_181 = vector.broadcast %jit3A : f32 to vector<256x1024xf32>
      %select_n3A = arith.select %broadcast_in_dim3A_180, %add3A_37, %broadcast_in_dim3A_181 : vector<256x1024xi1>, vector<256x1024xf32>
      %reduce_max3A = arith.constant dense<0xFF800000> : vector<1024xf32>
      %reduce_max3A_182 = vector.multi_reduction <maximumf>, %select_n3A, %reduce_max3A [0] : vector<256x1024xf32> to vector<1024xf32>
      %broadcast_in_dim3A_183 = vector.shape_cast %reduce_max3A_182 : vector<1024xf32> to vector<1x1024xf32>
      %get3A_184 = arith.constant 0 : index
      %get3A_185 = arith.constant 0 : index
      %get3A_186 = vector.load %arg16[%get3A_184, %get3A_185] : memref<16x1024xf32, #tpu.memory_space<vmem>>, vector<1x1024xf32>
      %max3A_187 = arith.maximumf %get3A_186, %broadcast_in_dim3A_183 : vector<1x1024xf32>
      %swap3A = arith.constant 0 : index
      %swap3A_188 = arith.constant 0 : index
      %swap3A_189 = vector.load %arg16[%swap3A, %swap3A_188] : memref<16x1024xf32, #tpu.memory_space<vmem>>, vector<1x1024xf32>
      tpu.vector_store %arg16[%swap3A, %swap3A_188], %max3A_187 {strides = array<i32>} : memref<16x1024xf32, #tpu.memory_space<vmem>>, vector<1x1024xf32>,
    } else {
    }
    %le3A_52 = arith.constant 1 : i32
    %le3A_53 = arith.cmpi sle, %get3A_43, %le3A_52 : i32
    %ge3A_54 = arith.constant 1 : i32
    %ge3A_55 = arith.cmpi sge, %get3A_46, %ge3A_54 : i32
    %and3A_56 = arith.andi %le3A_53, %ge3A_55 : i1
    %convert_element_type3A_57 = arith.extui %and3A_56 : i1 to i32
    %cond3A_58 = arith.constant 0 : i32
    %cond3A_59 = arith.cmpi ne, %convert_element_type3A_57, %cond3A_58 : i32
    scf.if %cond3A_59 {
      %eq3A_177 = arith.constant 1 : i32
      %eq3A_178 = vector.broadcast %eq3A_177 : i32 to vector<256x1xi32>
      %eq3A_179 = arith.cmpi eq, %get3A_40, %eq3A_178 : vector<256x1xi32>
      %jit3A = arith.constant 0xFF800000 : f32
      %broadcast_in_dim3A = vector.shape_cast %eq3A_179 : vector<256x1xi1> to vector<256x1xi1>
      %broadcast_in_dim3A_180 = vector.broadcast %broadcast_in_dim3A : vector<256x1xi1> to vector<256x1024xi1>
      %broadcast_in_dim3A_181 = vector.broadcast %jit3A : f32 to vector<256x1024xf32>
      %select_n3A = arith.select %broadcast_in_dim3A_180, %add3A_37, %broadcast_in_dim3A_181 : vector<256x1024xi1>, vector<256x1024xf32>
      %reduce_max3A = arith.constant dense<0xFF800000> : vector<1024xf32>
      %reduce_max3A_182 = vector.multi_reduction <maximumf>, %select_n3A, %reduce_max3A [0] : vector<256x1024xf32> to vector<1024xf32>
      %broadcast_in_dim3A_183 = vector.shape_cast %reduce_max3A_182 : vector<1024xf32> to vector<1x1024xf32>
      %get3A_184 = arith.constant 1 : index
      %get3A_185 = arith.constant 0 : index
      %get3A_186 = vector.load %arg16[%get3A_184, %get3A_185] : memref<16x1024xf32, #tpu.memory_space<vmem>>, vector<1x1024xf32>
      %max3A_187 = arith.maximumf %get3A_186, %broadcast_in_dim3A_183 : vector<1x1024xf32>
      %swap3A = arith.constant 1 : index
      %swap3A_188 = arith.constant 0 : index
      %swap3A_189 = vector.load %arg16[%swap3A, %swap3A_188] : memref<16x1024xf32, #tpu.memory_space<vmem>>, vector<1x1024xf32>
      tpu.vector_store %arg16[%swap3A, %swap3A_188], %max3A_187 {strides = array<i32>} : memref<16x1024xf32, #tpu.memory_space<vmem>>, vector<1x1024xf32>,
    } else {
    }
    %le3A_60 = arith.constant 2 : i32
    %le3A_61 = arith.cmpi sle, %get3A_43, %le3A_60 : i32
    %ge3A_62 = arith.constant 2 : i32
    %ge3A_63 = arith.cmpi sge, %get3A_46, %ge3A_62 : i32
    %and3A_64 = arith.andi %le3A_61, %ge3A_63 : i1
    %convert_element_type3A_65 = arith.extui %and3A_64 : i1 to i32
    %cond3A_66 = arith.constant 0 : i32
    %cond3A_67 = arith.cmpi ne, %convert_element_type3A_65, %cond3A_66 : i32
    scf.if %cond3A_67 {
      %eq3A_177 = arith.constant 2 : i32
      %eq3A_178 = vector.broadcast %eq3A_177 : i32 to vector<256x1xi32>
      %eq3A_179 = arith.cmpi eq, %get3A_40, %eq3A_178 : vector<256x1xi32>
      %jit3A = arith.constant 0xFF800000 : f32
      %broadcast_in_dim3A = vector.shape_cast %eq3A_179 : vector<256x1xi1> to vector<256x1xi1>
      %broadcast_in_dim3A_180 = vector.broadcast %broadcast_in_dim3A : vector<256x1xi1> to vector<256x1024xi1>
      %broadcast_in_dim3A_181 = vector.broadcast %jit3A : f32 to vector<256x1024xf32>
      %select_n3A = arith.select %broadcast_in_dim3A_180, %add3A_37, %broadcast_in_dim3A_181 : vector<256x1024xi1>, vector<256x1024xf32>
      %reduce_max3A = arith.constant dense<0xFF800000> : vector<1024xf32>
      %reduce_max3A_182 = vector.multi_reduction <maximumf>, %select_n3A, %reduce_max3A [0] : vector<256x1024xf32> to vector<1024xf32>
      %broadcast_in_dim3A_183 = vector.shape_cast %reduce_max3A_182 : vector<1024xf32> to vector<1x1024xf32>
      %get3A_184 = arith.constant 2 : index
      %get3A_185 = arith.constant 0 : index
      %get3A_186 = vector.load %arg16[%get3A_184, %get3A_185] : memref<16x1024xf32, #tpu.memory_space<vmem>>, vector<1x1024xf32>
      %max3A_187 = arith.maximumf %get3A_186, %broadcast_in_dim3A_183 : vector<1x1024xf32>
      %swap3A = arith.constant 2 : index
      %swap3A_188 = arith.constant 0 : index
      %swap3A_189 = vector.load %arg16[%swap3A, %swap3A_188] : memref<16x1024xf32, #tpu.memory_space<vmem>>, vector<1x1024xf32>
      tpu.vector_store %arg16[%swap3A, %swap3A_188], %max3A_187 {strides = array<i32>} : memref<16x1024xf32, #tpu.memory_space<vmem>>, vector<1x1024xf32>,
    } else {
    }
    %le3A_68 = arith.constant 3 : i32
    %le3A_69 = arith.cmpi sle, %get3A_43, %le3A_68 : i32
    %ge3A_70 = arith.constant 3 : i32
    %ge3A_71 = arith.cmpi sge, %get3A_46, %ge3A_70 : i32
    %and3A_72 = arith.andi %le3A_69, %ge3A_71 : i1
    %convert_element_type3A_73 = arith.extui %and3A_72 : i1 to i32
    %cond3A_74 = arith.constant 0 : i32
    %cond3A_75 = arith.cmpi ne, %convert_element_type3A_73, %cond3A_74 : i32
    scf.if %cond3A_75 {
      %eq3A_177 = arith.constant 3 : i32
      %eq3A_178 = vector.broadcast %eq3A_177 : i32 to vector<256x1xi32>
      %eq3A_179 = arith.cmpi eq, %get3A_40, %eq3A_178 : vector<256x1xi32>
      %jit3A = arith.constant 0xFF800000 : f32
      %broadcast_in_dim3A = vector.shape_cast %eq3A_179 : vector<256x1xi1> to vector<256x1xi1>
      %broadcast_in_dim3A_180 = vector.broadcast %broadcast_in_dim3A : vector<256x1xi1> to vector<256x1024xi1>
      %broadcast_in_dim3A_181 = vector.broadcast %jit3A : f32 to vector<256x1024xf32>
      %select_n3A = arith.select %broadcast_in_dim3A_180, %add3A_37, %broadcast_in_dim3A_181 : vector<256x1024xi1>, vector<256x1024xf32>
      %reduce_max3A = arith.constant dense<0xFF800000> : vector<1024xf32>
      %reduce_max3A_182 = vector.multi_reduction <maximumf>, %select_n3A, %reduce_max3A [0] : vector<256x1024xf32> to vector<1024xf32>
      %broadcast_in_dim3A_183 = vector.shape_cast %reduce_max3A_182 : vector<1024xf32> to vector<1x1024xf32>
      %get3A_184 = arith.constant 3 : index
      %get3A_185 = arith.constant 0 : index
      %get3A_186 = vector.load %arg16[%get3A_184, %get3A_185] : memref<16x1024xf32, #tpu.memory_space<vmem>>, vector<1x1024xf32>
      %max3A_187 = arith.maximumf %get3A_186, %broadcast_in_dim3A_183 : vector<1x1024xf32>
      %swap3A = arith.constant 3 : index
      %swap3A_188 = arith.constant 0 : index
      %swap3A_189 = vector.load %arg16[%swap3A, %swap3A_188] : memref<16x1024xf32, #tpu.memory_space<vmem>>, vector<1x1024xf32>
      tpu.vector_store %arg16[%swap3A, %swap3A_188], %max3A_187 {strides = array<i32>} : memref<16x1024xf32, #tpu.memory_space<vmem>>, vector<1x1024xf32>,
    } else {
    }
    %le3A_76 = arith.constant 4 : i32
    %le3A_77 = arith.cmpi sle, %get3A_43, %le3A_76 : i32
    %ge3A_78 = arith.constant 4 : i32
    %ge3A_79 = arith.cmpi sge, %get3A_46, %ge3A_78 : i32
    %and3A_80 = arith.andi %le3A_77, %ge3A_79 : i1
    %convert_element_type3A_81 = arith.extui %and3A_80 : i1 to i32
    %cond3A_82 = arith.constant 0 : i32
    %cond3A_83 = arith.cmpi ne, %convert_element_type3A_81, %cond3A_82 : i32
    scf.if %cond3A_83 {
      %eq3A_177 = arith.constant 4 : i32
      %eq3A_178 = vector.broadcast %eq3A_177 : i32 to vector<256x1xi32>
      %eq3A_179 = arith.cmpi eq, %get3A_40, %eq3A_178 : vector<256x1xi32>
      %jit3A = arith.constant 0xFF800000 : f32
      %broadcast_in_dim3A = vector.shape_cast %eq3A_179 : vector<256x1xi1> to vector<256x1xi1>
      %broadcast_in_dim3A_180 = vector.broadcast %broadcast_in_dim3A : vector<256x1xi1> to vector<256x1024xi1>
      %broadcast_in_dim3A_181 = vector.broadcast %jit3A : f32 to vector<256x1024xf32>
      %select_n3A = arith.select %broadcast_in_dim3A_180, %add3A_37, %broadcast_in_dim3A_181 : vector<256x1024xi1>, vector<256x1024xf32>
      %reduce_max3A = arith.constant dense<0xFF800000> : vector<1024xf32>
      %reduce_max3A_182 = vector.multi_reduction <maximumf>, %select_n3A, %reduce_max3A [0] : vector<256x1024xf32> to vector<1024xf32>
      %broadcast_in_dim3A_183 = vector.shape_cast %reduce_max3A_182 : vector<1024xf32> to vector<1x1024xf32>
      %get3A_184 = arith.constant 4 : index
      %get3A_185 = arith.constant 0 : index
      %get3A_186 = vector.load %arg16[%get3A_184, %get3A_185] : memref<16x1024xf32, #tpu.memory_space<vmem>>, vector<1x1024xf32>
      %max3A_187 = arith.maximumf %get3A_186, %broadcast_in_dim3A_183 : vector<1x1024xf32>
      %swap3A = arith.constant 4 : index
      %swap3A_188 = arith.constant 0 : index
      %swap3A_189 = vector.load %arg16[%swap3A, %swap3A_188] : memref<16x1024xf32, #tpu.memory_space<vmem>>, vector<1x1024xf32>
      tpu.vector_store %arg16[%swap3A, %swap3A_188], %max3A_187 {strides = array<i32>} : memref<16x1024xf32, #tpu.memory_space<vmem>>, vector<1x1024xf32>,
    } else {
    }
    %le3A_84 = arith.constant 5 : i32
    %le3A_85 = arith.cmpi sle, %get3A_43, %le3A_84 : i32
    %ge3A_86 = arith.constant 5 : i32
    %ge3A_87 = arith.cmpi sge, %get3A_46, %ge3A_86 : i32
    %and3A_88 = arith.andi %le3A_85, %ge3A_87 : i1
    %convert_element_type3A_89 = arith.extui %and3A_88 : i1 to i32
    %cond3A_90 = arith.constant 0 : i32
    %cond3A_91 = arith.cmpi ne, %convert_element_type3A_89, %cond3A_90 : i32
    scf.if %cond3A_91 {
      %eq3A_177 = arith.constant 5 : i32
      %eq3A_178 = vector.broadcast %eq3A_177 : i32 to vector<256x1xi32>
      %eq3A_179 = arith.cmpi eq, %get3A_40, %eq3A_178 : vector<256x1xi32>
      %jit3A = arith.constant 0xFF800000 : f32
      %broadcast_in_dim3A = vector.shape_cast %eq3A_179 : vector<256x1xi1> to vector<256x1xi1>
      %broadcast_in_dim3A_180 = vector.broadcast %broadcast_in_dim3A : vector<256x1xi1> to vector<256x1024xi1>
      %broadcast_in_dim3A_181 = vector.broadcast %jit3A : f32 to vector<256x1024xf32>
      %select_n3A = arith.select %broadcast_in_dim3A_180, %add3A_37, %broadcast_in_dim3A_181 : vector<256x1024xi1>, vector<256x1024xf32>
      %reduce_max3A = arith.constant dense<0xFF800000> : vector<1024xf32>
      %reduce_max3A_182 = vector.multi_reduction <maximumf>, %select_n3A, %reduce_max3A [0] : vector<256x1024xf32> to vector<1024xf32>
      %broadcast_in_dim3A_183 = vector.shape_cast %reduce_max3A_182 : vector<1024xf32> to vector<1x1024xf32>
      %get3A_184 = arith.constant 5 : index
      %get3A_185 = arith.constant 0 : index
      %get3A_186 = vector.load %arg16[%get3A_184, %get3A_185] : memref<16x1024xf32, #tpu.memory_space<vmem>>, vector<1x1024xf32>
      %max3A_187 = arith.maximumf %get3A_186, %broadcast_in_dim3A_183 : vector<1x1024xf32>
      %swap3A = arith.constant 5 : index
      %swap3A_188 = arith.constant 0 : index
      %swap3A_189 = vector.load %arg16[%swap3A, %swap3A_188] : memref<16x1024xf32, #tpu.memory_space<vmem>>, vector<1x1024xf32>
      tpu.vector_store %arg16[%swap3A, %swap3A_188], %max3A_187 {strides = array<i32>} : memref<16x1024xf32, #tpu.memory_space<vmem>>, vector<1x1024xf32>,
    } else {
    }
    %le3A_92 = arith.constant 6 : i32
    %le3A_93 = arith.cmpi sle, %get3A_43, %le3A_92 : i32
    %ge3A_94 = arith.constant 6 : i32
    %ge3A_95 = arith.cmpi sge, %get3A_46, %ge3A_94 : i32
    %and3A_96 = arith.andi %le3A_93, %ge3A_95 : i1
    %convert_element_type3A_97 = arith.extui %and3A_96 : i1 to i32
    %cond3A_98 = arith.constant 0 : i32
    %cond3A_99 = arith.cmpi ne, %convert_element_type3A_97, %cond3A_98 : i32
    scf.if %cond3A_99 {
      %eq3A_177 = arith.constant 6 : i32
      %eq3A_178 = vector.broadcast %eq3A_177 : i32 to vector<256x1xi32>
      %eq3A_179 = arith.cmpi eq, %get3A_40, %eq3A_178 : vector<256x1xi32>
      %jit3A = arith.constant 0xFF800000 : f32
      %broadcast_in_dim3A = vector.shape_cast %eq3A_179 : vector<256x1xi1> to vector<256x1xi1>
      %broadcast_in_dim3A_180 = vector.broadcast %broadcast_in_dim3A : vector<256x1xi1> to vector<256x1024xi1>
      %broadcast_in_dim3A_181 = vector.broadcast %jit3A : f32 to vector<256x1024xf32>
      %select_n3A = arith.select %broadcast_in_dim3A_180, %add3A_37, %broadcast_in_dim3A_181 : vector<256x1024xi1>, vector<256x1024xf32>
      %reduce_max3A = arith.constant dense<0xFF800000> : vector<1024xf32>
      %reduce_max3A_182 = vector.multi_reduction <maximumf>, %select_n3A, %reduce_max3A [0] : vector<256x1024xf32> to vector<1024xf32>
      %broadcast_in_dim3A_183 = vector.shape_cast %reduce_max3A_182 : vector<1024xf32> to vector<1x1024xf32>
      %get3A_184 = arith.constant 6 : index
      %get3A_185 = arith.constant 0 : index
      %get3A_186 = vector.load %arg16[%get3A_184, %get3A_185] : memref<16x1024xf32, #tpu.memory_space<vmem>>, vector<1x1024xf32>
      %max3A_187 = arith.maximumf %get3A_186, %broadcast_in_dim3A_183 : vector<1x1024xf32>
      %swap3A = arith.constant 6 : index
      %swap3A_188 = arith.constant 0 : index
      %swap3A_189 = vector.load %arg16[%swap3A, %swap3A_188] : memref<16x1024xf32, #tpu.memory_space<vmem>>, vector<1x1024xf32>
      tpu.vector_store %arg16[%swap3A, %swap3A_188], %max3A_187 {strides = array<i32>} : memref<16x1024xf32, #tpu.memory_space<vmem>>, vector<1x1024xf32>,
    } else {
    }
    %le3A_100 = arith.constant 7 : i32
    %le3A_101 = arith.cmpi sle, %get3A_43, %le3A_100 : i32
    %ge3A_102 = arith.constant 7 : i32
    %ge3A_103 = arith.cmpi sge, %get3A_46, %ge3A_102 : i32
    %and3A_104 = arith.andi %le3A_101, %ge3A_103 : i1
    %convert_element_type3A_105 = arith.extui %and3A_104 : i1 to i32
    %cond3A_106 = arith.constant 0 : i32
    %cond3A_107 = arith.cmpi ne, %convert_element_type3A_105, %cond3A_106 : i32
    scf.if %cond3A_107 {
      %eq3A_177 = arith.constant 7 : i32
      %eq3A_178 = vector.broadcast %eq3A_177 : i32 to vector<256x1xi32>
      %eq3A_179 = arith.cmpi eq, %get3A_40, %eq3A_178 : vector<256x1xi32>
      %jit3A = arith.constant 0xFF800000 : f32
      %broadcast_in_dim3A = vector.shape_cast %eq3A_179 : vector<256x1xi1> to vector<256x1xi1>
      %broadcast_in_dim3A_180 = vector.broadcast %broadcast_in_dim3A : vector<256x1xi1> to vector<256x1024xi1>
      %broadcast_in_dim3A_181 = vector.broadcast %jit3A : f32 to vector<256x1024xf32>
      %select_n3A = arith.select %broadcast_in_dim3A_180, %add3A_37, %broadcast_in_dim3A_181 : vector<256x1024xi1>, vector<256x1024xf32>
      %reduce_max3A = arith.constant dense<0xFF800000> : vector<1024xf32>
      %reduce_max3A_182 = vector.multi_reduction <maximumf>, %select_n3A, %reduce_max3A [0] : vector<256x1024xf32> to vector<1024xf32>
      %broadcast_in_dim3A_183 = vector.shape_cast %reduce_max3A_182 : vector<1024xf32> to vector<1x1024xf32>
      %get3A_184 = arith.constant 7 : index
      %get3A_185 = arith.constant 0 : index
      %get3A_186 = vector.load %arg16[%get3A_184, %get3A_185] : memref<16x1024xf32, #tpu.memory_space<vmem>>, vector<1x1024xf32>
      %max3A_187 = arith.maximumf %get3A_186, %broadcast_in_dim3A_183 : vector<1x1024xf32>
      %swap3A = arith.constant 7 : index
      %swap3A_188 = arith.constant 0 : index
      %swap3A_189 = vector.load %arg16[%swap3A, %swap3A_188] : memref<16x1024xf32, #tpu.memory_space<vmem>>, vector<1x1024xf32>
      tpu.vector_store %arg16[%swap3A, %swap3A_188], %max3A_187 {strides = array<i32>} : memref<16x1024xf32, #tpu.memory_space<vmem>>, vector<1x1024xf32>,
    } else {
    }
    %le3A_108 = arith.constant 8 : i32
    %le3A_109 = arith.cmpi sle, %get3A_43, %le3A_108 : i32
    %ge3A_110 = arith.constant 8 : i32
    %ge3A_111 = arith.cmpi sge, %get3A_46, %ge3A_110 : i32
    %and3A_112 = arith.andi %le3A_109, %ge3A_111 : i1
    %convert_element_type3A_113 = arith.extui %and3A_112 : i1 to i32
    %cond3A_114 = arith.constant 0 : i32
    %cond3A_115 = arith.cmpi ne, %convert_element_type3A_113, %cond3A_114 : i32
    scf.if %cond3A_115 {
      %eq3A_177 = arith.constant 8 : i32
      %eq3A_178 = vector.broadcast %eq3A_177 : i32 to vector<256x1xi32>
      %eq3A_179 = arith.cmpi eq, %get3A_40, %eq3A_178 : vector<256x1xi32>
      %jit3A = arith.constant 0xFF800000 : f32
      %broadcast_in_dim3A = vector.shape_cast %eq3A_179 : vector<256x1xi1> to vector<256x1xi1>
      %broadcast_in_dim3A_180 = vector.broadcast %broadcast_in_dim3A : vector<256x1xi1> to vector<256x1024xi1>
      %broadcast_in_dim3A_181 = vector.broadcast %jit3A : f32 to vector<256x1024xf32>
      %select_n3A = arith.select %broadcast_in_dim3A_180, %add3A_37, %broadcast_in_dim3A_181 : vector<256x1024xi1>, vector<256x1024xf32>
      %reduce_max3A = arith.constant dense<0xFF800000> : vector<1024xf32>
      %reduce_max3A_182 = vector.multi_reduction <maximumf>, %select_n3A, %reduce_max3A [0] : vector<256x1024xf32> to vector<1024xf32>
      %broadcast_in_dim3A_183 = vector.shape_cast %reduce_max3A_182 : vector<1024xf32> to vector<1x1024xf32>
      %get3A_184 = arith.constant 8 : index
      %get3A_185 = arith.constant 0 : index
      %get3A_186 = vector.load %arg16[%get3A_184, %get3A_185] : memref<16x1024xf32, #tpu.memory_space<vmem>>, vector<1x1024xf32>
      %max3A_187 = arith.maximumf %get3A_186, %broadcast_in_dim3A_183 : vector<1x1024xf32>
      %swap3A = arith.constant 8 : index
      %swap3A_188 = arith.constant 0 : index
      %swap3A_189 = vector.load %arg16[%swap3A, %swap3A_188] : memref<16x1024xf32, #tpu.memory_space<vmem>>, vector<1x1024xf32>
      tpu.vector_store %arg16[%swap3A, %swap3A_188], %max3A_187 {strides = array<i32>} : memref<16x1024xf32, #tpu.memory_space<vmem>>, vector<1x1024xf32>,
    } else {
    }
    %le3A_116 = arith.constant 9 : i32
    %le3A_117 = arith.cmpi sle, %get3A_43, %le3A_116 : i32
    %ge3A_118 = arith.constant 9 : i32
    %ge3A_119 = arith.cmpi sge, %get3A_46, %ge3A_118 : i32
    %and3A_120 = arith.andi %le3A_117, %ge3A_119 : i1
    %convert_element_type3A_121 = arith.extui %and3A_120 : i1 to i32
    %cond3A_122 = arith.constant 0 : i32
    %cond3A_123 = arith.cmpi ne, %convert_element_type3A_121, %cond3A_122 : i32
    scf.if %cond3A_123 {
      %eq3A_177 = arith.constant 9 : i32
      %eq3A_178 = vector.broadcast %eq3A_177 : i32 to vector<256x1xi32>
      %eq3A_179 = arith.cmpi eq, %get3A_40, %eq3A_178 : vector<256x1xi32>
      %jit3A = arith.constant 0xFF800000 : f32
      %broadcast_in_dim3A = vector.shape_cast %eq3A_179 : vector<256x1xi1> to vector<256x1xi1>
      %broadcast_in_dim3A_180 = vector.broadcast %broadcast_in_dim3A : vector<256x1xi1> to vector<256x1024xi1>
      %broadcast_in_dim3A_181 = vector.broadcast %jit3A : f32 to vector<256x1024xf32>
      %select_n3A = arith.select %broadcast_in_dim3A_180, %add3A_37, %broadcast_in_dim3A_181 : vector<256x1024xi1>, vector<256x1024xf32>
      %reduce_max3A = arith.constant dense<0xFF800000> : vector<1024xf32>
      %reduce_max3A_182 = vector.multi_reduction <maximumf>, %select_n3A, %reduce_max3A [0] : vector<256x1024xf32> to vector<1024xf32>
      %broadcast_in_dim3A_183 = vector.shape_cast %reduce_max3A_182 : vector<1024xf32> to vector<1x1024xf32>
      %get3A_184 = arith.constant 9 : index
      %get3A_185 = arith.constant 0 : index
      %get3A_186 = vector.load %arg16[%get3A_184, %get3A_185] : memref<16x1024xf32, #tpu.memory_space<vmem>>, vector<1x1024xf32>
      %max3A_187 = arith.maximumf %get3A_186, %broadcast_in_dim3A_183 : vector<1x1024xf32>
      %swap3A = arith.constant 9 : index
      %swap3A_188 = arith.constant 0 : index
      %swap3A_189 = vector.load %arg16[%swap3A, %swap3A_188] : memref<16x1024xf32, #tpu.memory_space<vmem>>, vector<1x1024xf32>
      tpu.vector_store %arg16[%swap3A, %swap3A_188], %max3A_187 {strides = array<i32>} : memref<16x1024xf32, #tpu.memory_space<vmem>>, vector<1x1024xf32>,
    } else {
    }
    %le3A_124 = arith.constant 10 : i32
    %le3A_125 = arith.cmpi sle, %get3A_43, %le3A_124 : i32
    %ge3A_126 = arith.constant 10 : i32
    %ge3A_127 = arith.cmpi sge, %get3A_46, %ge3A_126 : i32
    %and3A_128 = arith.andi %le3A_125, %ge3A_127 : i1
    %convert_element_type3A_129 = arith.extui %and3A_128 : i1 to i32
    %cond3A_130 = arith.constant 0 : i32
    %cond3A_131 = arith.cmpi ne, %convert_element_type3A_129, %cond3A_130 : i32
    scf.if %cond3A_131 {
      %eq3A_177 = arith.constant 10 : i32
      %eq3A_178 = vector.broadcast %eq3A_177 : i32 to vector<256x1xi32>
      %eq3A_179 = arith.cmpi eq, %get3A_40, %eq3A_178 : vector<256x1xi32>
      %jit3A = arith.constant 0xFF800000 : f32
      %broadcast_in_dim3A = vector.shape_cast %eq3A_179 : vector<256x1xi1> to vector<256x1xi1>
      %broadcast_in_dim3A_180 = vector.broadcast %broadcast_in_dim3A : vector<256x1xi1> to vector<256x1024xi1>
      %broadcast_in_dim3A_181 = vector.broadcast %jit3A : f32 to vector<256x1024xf32>
      %select_n3A = arith.select %broadcast_in_dim3A_180, %add3A_37, %broadcast_in_dim3A_181 : vector<256x1024xi1>, vector<256x1024xf32>
      %reduce_max3A = arith.constant dense<0xFF800000> : vector<1024xf32>
      %reduce_max3A_182 = vector.multi_reduction <maximumf>, %select_n3A, %reduce_max3A [0] : vector<256x1024xf32> to vector<1024xf32>
      %broadcast_in_dim3A_183 = vector.shape_cast %reduce_max3A_182 : vector<1024xf32> to vector<1x1024xf32>
      %get3A_184 = arith.constant 10 : index
      %get3A_185 = arith.constant 0 : index
      %get3A_186 = vector.load %arg16[%get3A_184, %get3A_185] : memref<16x1024xf32, #tpu.memory_space<vmem>>, vector<1x1024xf32>
      %max3A_187 = arith.maximumf %get3A_186, %broadcast_in_dim3A_183 : vector<1x1024xf32>
      %swap3A = arith.constant 10 : index
      %swap3A_188 = arith.constant 0 : index
      %swap3A_189 = vector.load %arg16[%swap3A, %swap3A_188] : memref<16x1024xf32, #tpu.memory_space<vmem>>, vector<1x1024xf32>
      tpu.vector_store %arg16[%swap3A, %swap3A_188], %max3A_187 {strides = array<i32>} : memref<16x1024xf32, #tpu.memory_space<vmem>>, vector<1x1024xf32>,
    } else {
    }
    %le3A_132 = arith.constant 11 : i32
    %le3A_133 = arith.cmpi sle, %get3A_43, %le3A_132 : i32
    %ge3A_134 = arith.constant 11 : i32
    %ge3A_135 = arith.cmpi sge, %get3A_46, %ge3A_134 : i32
    %and3A_136 = arith.andi %le3A_133, %ge3A_135 : i1
    %convert_element_type3A_137 = arith.extui %and3A_136 : i1 to i32
    %cond3A_138 = arith.constant 0 : i32
    %cond3A_139 = arith.cmpi ne, %convert_element_type3A_137, %cond3A_138 : i32
    scf.if %cond3A_139 {
      %eq3A_177 = arith.constant 11 : i32
      %eq3A_178 = vector.broadcast %eq3A_177 : i32 to vector<256x1xi32>
      %eq3A_179 = arith.cmpi eq, %get3A_40, %eq3A_178 : vector<256x1xi32>
      %jit3A = arith.constant 0xFF800000 : f32
      %broadcast_in_dim3A = vector.shape_cast %eq3A_179 : vector<256x1xi1> to vector<256x1xi1>
      %broadcast_in_dim3A_180 = vector.broadcast %broadcast_in_dim3A : vector<256x1xi1> to vector<256x1024xi1>
      %broadcast_in_dim3A_181 = vector.broadcast %jit3A : f32 to vector<256x1024xf32>
      %select_n3A = arith.select %broadcast_in_dim3A_180, %add3A_37, %broadcast_in_dim3A_181 : vector<256x1024xi1>, vector<256x1024xf32>
      %reduce_max3A = arith.constant dense<0xFF800000> : vector<1024xf32>
      %reduce_max3A_182 = vector.multi_reduction <maximumf>, %select_n3A, %reduce_max3A [0] : vector<256x1024xf32> to vector<1024xf32>
      %broadcast_in_dim3A_183 = vector.shape_cast %reduce_max3A_182 : vector<1024xf32> to vector<1x1024xf32>
      %get3A_184 = arith.constant 11 : index
      %get3A_185 = arith.constant 0 : index
      %get3A_186 = vector.load %arg16[%get3A_184, %get3A_185] : memref<16x1024xf32, #tpu.memory_space<vmem>>, vector<1x1024xf32>
      %max3A_187 = arith.maximumf %get3A_186, %broadcast_in_dim3A_183 : vector<1x1024xf32>
      %swap3A = arith.constant 11 : index
      %swap3A_188 = arith.constant 0 : index
      %swap3A_189 = vector.load %arg16[%swap3A, %swap3A_188] : memref<16x1024xf32, #tpu.memory_space<vmem>>, vector<1x1024xf32>
      tpu.vector_store %arg16[%swap3A, %swap3A_188], %max3A_187 {strides = array<i32>} : memref<16x1024xf32, #tpu.memory_space<vmem>>, vector<1x1024xf32>,
    } else {
    }
    %le3A_140 = arith.constant 12 : i32
    %le3A_141 = arith.cmpi sle, %get3A_43, %le3A_140 : i32
    %ge3A_142 = arith.constant 12 : i32
    %ge3A_143 = arith.cmpi sge, %get3A_46, %ge3A_142 : i32
    %and3A_144 = arith.andi %le3A_141, %ge3A_143 : i1
    %convert_element_type3A_145 = arith.extui %and3A_144 : i1 to i32
    %cond3A_146 = arith.constant 0 : i32
    %cond3A_147 = arith.cmpi ne, %convert_element_type3A_145, %cond3A_146 : i32
    scf.if %cond3A_147 {
      %eq3A_177 = arith.constant 12 : i32
      %eq3A_178 = vector.broadcast %eq3A_177 : i32 to vector<256x1xi32>
      %eq3A_179 = arith.cmpi eq, %get3A_40, %eq3A_178 : vector<256x1xi32>
      %jit3A = arith.constant 0xFF800000 : f32
      %broadcast_in_dim3A = vector.shape_cast %eq3A_179 : vector<256x1xi1> to vector<256x1xi1>
      %broadcast_in_dim3A_180 = vector.broadcast %broadcast_in_dim3A : vector<256x1xi1> to vector<256x1024xi1>
      %broadcast_in_dim3A_181 = vector.broadcast %jit3A : f32 to vector<256x1024xf32>
      %select_n3A = arith.select %broadcast_in_dim3A_180, %add3A_37, %broadcast_in_dim3A_181 : vector<256x1024xi1>, vector<256x1024xf32>
      %reduce_max3A = arith.constant dense<0xFF800000> : vector<1024xf32>
      %reduce_max3A_182 = vector.multi_reduction <maximumf>, %select_n3A, %reduce_max3A [0] : vector<256x1024xf32> to vector<1024xf32>
      %broadcast_in_dim3A_183 = vector.shape_cast %reduce_max3A_182 : vector<1024xf32> to vector<1x1024xf32>
      %get3A_184 = arith.constant 12 : index
      %get3A_185 = arith.constant 0 : index
      %get3A_186 = vector.load %arg16[%get3A_184, %get3A_185] : memref<16x1024xf32, #tpu.memory_space<vmem>>, vector<1x1024xf32>
      %max3A_187 = arith.maximumf %get3A_186, %broadcast_in_dim3A_183 : vector<1x1024xf32>
      %swap3A = arith.constant 12 : index
      %swap3A_188 = arith.constant 0 : index
      %swap3A_189 = vector.load %arg16[%swap3A, %swap3A_188] : memref<16x1024xf32, #tpu.memory_space<vmem>>, vector<1x1024xf32>
      tpu.vector_store %arg16[%swap3A, %swap3A_188], %max3A_187 {strides = array<i32>} : memref<16x1024xf32, #tpu.memory_space<vmem>>, vector<1x1024xf32>,
    } else {
    }
    %le3A_148 = arith.constant 13 : i32
    %le3A_149 = arith.cmpi sle, %get3A_43, %le3A_148 : i32
    %ge3A_150 = arith.constant 13 : i32
    %ge3A_151 = arith.cmpi sge, %get3A_46, %ge3A_150 : i32
    %and3A_152 = arith.andi %le3A_149, %ge3A_151 : i1
    %convert_element_type3A_153 = arith.extui %and3A_152 : i1 to i32
    %cond3A_154 = arith.constant 0 : i32
    %cond3A_155 = arith.cmpi ne, %convert_element_type3A_153, %cond3A_154 : i32
    scf.if %cond3A_155 {
      %eq3A_177 = arith.constant 13 : i32
      %eq3A_178 = vector.broadcast %eq3A_177 : i32 to vector<256x1xi32>
      %eq3A_179 = arith.cmpi eq, %get3A_40, %eq3A_178 : vector<256x1xi32>
      %jit3A = arith.constant 0xFF800000 : f32
      %broadcast_in_dim3A = vector.shape_cast %eq3A_179 : vector<256x1xi1> to vector<256x1xi1>
      %broadcast_in_dim3A_180 = vector.broadcast %broadcast_in_dim3A : vector<256x1xi1> to vector<256x1024xi1>
      %broadcast_in_dim3A_181 = vector.broadcast %jit3A : f32 to vector<256x1024xf32>
      %select_n3A = arith.select %broadcast_in_dim3A_180, %add3A_37, %broadcast_in_dim3A_181 : vector<256x1024xi1>, vector<256x1024xf32>
      %reduce_max3A = arith.constant dense<0xFF800000> : vector<1024xf32>
      %reduce_max3A_182 = vector.multi_reduction <maximumf>, %select_n3A, %reduce_max3A [0] : vector<256x1024xf32> to vector<1024xf32>
      %broadcast_in_dim3A_183 = vector.shape_cast %reduce_max3A_182 : vector<1024xf32> to vector<1x1024xf32>
      %get3A_184 = arith.constant 13 : index
      %get3A_185 = arith.constant 0 : index
      %get3A_186 = vector.load %arg16[%get3A_184, %get3A_185] : memref<16x1024xf32, #tpu.memory_space<vmem>>, vector<1x1024xf32>
      %max3A_187 = arith.maximumf %get3A_186, %broadcast_in_dim3A_183 : vector<1x1024xf32>
      %swap3A = arith.constant 13 : index
      %swap3A_188 = arith.constant 0 : index
      %swap3A_189 = vector.load %arg16[%swap3A, %swap3A_188] : memref<16x1024xf32, #tpu.memory_space<vmem>>, vector<1x1024xf32>
      tpu.vector_store %arg16[%swap3A, %swap3A_188], %max3A_187 {strides = array<i32>} : memref<16x1024xf32, #tpu.memory_space<vmem>>, vector<1x1024xf32>,
    } else {
    }
    %le3A_156 = arith.constant 14 : i32
    %le3A_157 = arith.cmpi sle, %get3A_43, %le3A_156 : i32
    %ge3A_158 = arith.constant 14 : i32
    %ge3A_159 = arith.cmpi sge, %get3A_46, %ge3A_158 : i32
    %and3A_160 = arith.andi %le3A_157, %ge3A_159 : i1
    %convert_element_type3A_161 = arith.extui %and3A_160 : i1 to i32
    %cond3A_162 = arith.constant 0 : i32
    %cond3A_163 = arith.cmpi ne, %convert_element_type3A_161, %cond3A_162 : i32
    scf.if %cond3A_163 {
      %eq3A_177 = arith.constant 14 : i32
      %eq3A_178 = vector.broadcast %eq3A_177 : i32 to vector<256x1xi32>
      %eq3A_179 = arith.cmpi eq, %get3A_40, %eq3A_178 : vector<256x1xi32>
      %jit3A = arith.constant 0xFF800000 : f32
      %broadcast_in_dim3A = vector.shape_cast %eq3A_179 : vector<256x1xi1> to vector<256x1xi1>
      %broadcast_in_dim3A_180 = vector.broadcast %broadcast_in_dim3A : vector<256x1xi1> to vector<256x1024xi1>
      %broadcast_in_dim3A_181 = vector.broadcast %jit3A : f32 to vector<256x1024xf32>
      %select_n3A = arith.select %broadcast_in_dim3A_180, %add3A_37, %broadcast_in_dim3A_181 : vector<256x1024xi1>, vector<256x1024xf32>
      %reduce_max3A = arith.constant dense<0xFF800000> : vector<1024xf32>
      %reduce_max3A_182 = vector.multi_reduction <maximumf>, %select_n3A, %reduce_max3A [0] : vector<256x1024xf32> to vector<1024xf32>
      %broadcast_in_dim3A_183 = vector.shape_cast %reduce_max3A_182 : vector<1024xf32> to vector<1x1024xf32>
      %get3A_184 = arith.constant 14 : index
      %get3A_185 = arith.constant 0 : index
      %get3A_186 = vector.load %arg16[%get3A_184, %get3A_185] : memref<16x1024xf32, #tpu.memory_space<vmem>>, vector<1x1024xf32>
      %max3A_187 = arith.maximumf %get3A_186, %broadcast_in_dim3A_183 : vector<1x1024xf32>
      %swap3A = arith.constant 14 : index
      %swap3A_188 = arith.constant 0 : index
      %swap3A_189 = vector.load %arg16[%swap3A, %swap3A_188] : memref<16x1024xf32, #tpu.memory_space<vmem>>, vector<1x1024xf32>
      tpu.vector_store %arg16[%swap3A, %swap3A_188], %max3A_187 {strides = array<i32>} : memref<16x1024xf32, #tpu.memory_space<vmem>>, vector<1x1024xf32>,
    } else {
    }
    %le3A_164 = arith.constant 15 : i32
    %le3A_165 = arith.cmpi sle, %get3A_43, %le3A_164 : i32
    %ge3A_166 = arith.constant 15 : i32
    %ge3A_167 = arith.cmpi sge, %get3A_46, %ge3A_166 : i32
    %and3A_168 = arith.andi %le3A_165, %ge3A_167 : i1
    %convert_element_type3A_169 = arith.extui %and3A_168 : i1 to i32
    %cond3A_170 = arith.constant 0 : i32
    %cond3A_171 = arith.cmpi ne, %convert_element_type3A_169, %cond3A_170 : i32
    scf.if %cond3A_171 {
      %eq3A_177 = arith.constant 15 : i32
      %eq3A_178 = vector.broadcast %eq3A_177 : i32 to vector<256x1xi32>
      %eq3A_179 = arith.cmpi eq, %get3A_40, %eq3A_178 : vector<256x1xi32>
      %jit3A = arith.constant 0xFF800000 : f32
      %broadcast_in_dim3A = vector.shape_cast %eq3A_179 : vector<256x1xi1> to vector<256x1xi1>
      %broadcast_in_dim3A_180 = vector.broadcast %broadcast_in_dim3A : vector<256x1xi1> to vector<256x1024xi1>
      %broadcast_in_dim3A_181 = vector.broadcast %jit3A : f32 to vector<256x1024xf32>
      %select_n3A = arith.select %broadcast_in_dim3A_180, %add3A_37, %broadcast_in_dim3A_181 : vector<256x1024xi1>, vector<256x1024xf32>
      %reduce_max3A = arith.constant dense<0xFF800000> : vector<1024xf32>
      %reduce_max3A_182 = vector.multi_reduction <maximumf>, %select_n3A, %reduce_max3A [0] : vector<256x1024xf32> to vector<1024xf32>
      %broadcast_in_dim3A_183 = vector.shape_cast %reduce_max3A_182 : vector<1024xf32> to vector<1x1024xf32>
      %get3A_184 = arith.constant 15 : index
      %get3A_185 = arith.constant 0 : index
      %get3A_186 = vector.load %arg16[%get3A_184, %get3A_185] : memref<16x1024xf32, #tpu.memory_space<vmem>>, vector<1x1024xf32>
      %max3A_187 = arith.maximumf %get3A_186, %broadcast_in_dim3A_183 : vector<1x1024xf32>
      %swap3A = arith.constant 15 : index
      %swap3A_188 = arith.constant 0 : index
      %swap3A_189 = vector.load %arg16[%swap3A, %swap3A_188] : memref<16x1024xf32, #tpu.memory_space<vmem>>, vector<1x1024xf32>
      tpu.vector_store %arg16[%swap3A, %swap3A_188], %max3A_187 {strides = array<i32>} : memref<16x1024xf32, #tpu.memory_space<vmem>>, vector<1x1024xf32>,
    } else {
    }
    %eq3A_172 = arith.constant 31 : i32
    %eq3A_173 = arith.cmpi eq, %arg0, %eq3A_172 : i32
    %convert_element_type3A_174 = arith.extui %eq3A_173 : i1 to i32
    %cond3A_175 = arith.constant 0 : i32
    %cond3A_176 = arith.cmpi ne, %convert_element_type3A_174, %cond3A_175 : i32
    scf.if %cond3A_176 {
      %get3A_177 = arith.constant 0 : index
      %get3A_178 = arith.constant 0 : index
      %get3A_179 = vector.load %arg16[%get3A_177, %get3A_178] : memref<16x1024xf32, #tpu.memory_space<vmem>>, vector<16x1024xf32>
      %get3A_180 = arith.constant 0 : index
      %get3A_181 = arith.constant 0 : index
      %get3A_182 = vector.load %arg9[%get3A_180, %get3A_181] : memref<1024x512xf32, #tpu.memory_space<vmem>>, vector<1024x512xf32>
      %dot_general3A_183 = arith.constant dense<0.000000e+00> : vector<16x512xf32>
      %dot_general3A_184 = tpu.matmul %get3A_179, %get3A_182, %dot_general3A_183 {dimension_numbers = #tpu.dot_dimension_numbers<[1], [0], [0], [1], [0, 0, 1, 1], [], []>, transpose_lhs_hint = false} : vector<16x1024xf32>, vector<1024x512xf32>, vector<16x512xf32> -> vector<16x512xf32>
      %get3A_185 = arith.constant 0 : index
      %get3A_186 = arith.constant 0 : index
      %get3A_187 = vector.load %arg10[%get3A_185, %get3A_186] : memref<1x512xf32, #tpu.memory_space<vmem>>, vector<1x512xf32>
      %add3A_188 = vector.broadcast %get3A_187 : vector<1x512xf32> to vector<16x512xf32>
      %add3A_189 = arith.addf %dot_general3A_184, %add3A_188 : vector<16x512xf32>
      %max3A_190 = arith.constant 0.000000e+00 : f32
      %max3A_191 = vector.broadcast %max3A_190 : f32 to vector<16x512xf32>
      %max3A_192 = arith.maximumf %add3A_189, %max3A_191 : vector<16x512xf32>
      %get3A_193 = arith.constant 0 : index
      %get3A_194 = arith.constant 0 : index
      %get3A_195 = vector.load %arg11[%get3A_193, %get3A_194] : memref<512x256xf32, #tpu.memory_space<vmem>>, vector<512x256xf32>
      %dot_general3A_196 = arith.constant dense<0.000000e+00> : vector<16x256xf32>
      %dot_general3A_197 = tpu.matmul %max3A_192, %get3A_195, %dot_general3A_196 {dimension_numbers = #tpu.dot_dimension_numbers<[1], [0], [0], [1], [0, 0, 1, 1], [], []>, transpose_lhs_hint = false} : vector<16x512xf32>, vector<512x256xf32>, vector<16x256xf32> -> vector<16x256xf32>
      %get3A_198 = arith.constant 0 : index
      %get3A_199 = arith.constant 0 : index
      %get3A_200 = vector.load %arg12[%get3A_198, %get3A_199] : memref<1x256xf32, #tpu.memory_space<vmem>>, vector<1x256xf32>
      %add3A_201 = vector.broadcast %get3A_200 : vector<1x256xf32> to vector<16x256xf32>
      %add3A_202 = arith.addf %dot_general3A_197, %add3A_201 : vector<16x256xf32>
      %max3A_203 = arith.constant 0.000000e+00 : f32
      %max3A_204 = vector.broadcast %max3A_203 : f32 to vector<16x256xf32>
      %max3A_205 = arith.maximumf %add3A_202, %max3A_204 : vector<16x256xf32>
      %get3A_206 = arith.constant 0 : index
      %get3A_207 = arith.constant 0 : index
      %get3A_208 = vector.load %arg13[%get3A_206, %get3A_207] : memref<256x40xf32, #tpu.memory_space<vmem>>, vector<256x40xf32>
      %dot_general3A_209 = arith.constant dense<0.000000e+00> : vector<16x40xf32>
      %dot_general3A_210 = tpu.matmul %max3A_205, %get3A_208, %dot_general3A_209 {dimension_numbers = #tpu.dot_dimension_numbers<[1], [0], [0], [1], [0, 0, 1, 1], [], []>, transpose_lhs_hint = false} : vector<16x256xf32>, vector<256x40xf32>, vector<16x40xf32> -> vector<16x40xf32>
      %get3A_211 = arith.constant 0 : index
      %get3A_212 = arith.constant 0 : index
      %get3A_213 = vector.load %arg14[%get3A_211, %get3A_212] : memref<1x40xf32, #tpu.memory_space<vmem>>, vector<1x40xf32>
      %add3A_214 = vector.broadcast %get3A_213 : vector<1x40xf32> to vector<16x40xf32>
      %add3A_215 = arith.addf %dot_general3A_210, %add3A_214 : vector<16x40xf32>
      %swap3A = arith.constant 0 : index
      %swap3A_216 = arith.constant 0 : index
      %swap3A_217 = vector.load %arg15[%swap3A, %swap3A_216] : memref<16x40xf32, #tpu.memory_space<vmem>>, vector<16x40xf32>
      tpu.vector_store %arg15[%swap3A, %swap3A_216], %add3A_215 {strides = array<i32>} : memref<16x40xf32, #tpu.memory_space<vmem>>, vector<16x40xf32>,
    } else {
    }
    return
  }
  func.func @transform_0(%arg0: i32) -> (i32, i32) {
    %c0_i32 = arith.constant 0 : i32
    %c0_i32_0 = arith.constant 0 : i32
    %c0_i32_1 = arith.constant 0 : i32
    return %c0_i32, %c0_i32_0 : i32, i32
  }
  func.func @transform_1(%arg0: i32) -> (i32, i32) {
    %c0_i32 = arith.constant 0 : i32
    %c0_i32_0 = arith.constant 0 : i32
    return %arg0, %c0_i32 : i32, i32
  }
  func.func @transform_2(%arg0: i32) -> (i32, i32, i32) {
    %c0_i32 = arith.constant 0 : i32
    %c0_i32_0 = arith.constant 0 : i32
    %c0_i32_1 = arith.constant 0 : i32
    return %c0_i32, %arg0, %c0_i32_0 : i32, i32, i32
  }
  func.func @transform_3(%arg0: i32) -> (i32, i32) {
    %c0_i32 = arith.constant 0 : i32
    %c0_i32_0 = arith.constant 0 : i32
    %c0_i32_1 = arith.constant 0 : i32
    return %c0_i32, %c0_i32_0 : i32, i32
  }
  func.func @transform_4(%arg0: i32) -> (i32, i32) {
    %c0_i32 = arith.constant 0 : i32
    %c0_i32_0 = arith.constant 0 : i32
    %c0_i32_1 = arith.constant 0 : i32
    return %c0_i32, %c0_i32_0 : i32, i32
  }
  func.func @transform_5(%arg0: i32) -> (i32, i32) {
    %c0_i32 = arith.constant 0 : i32
    %c0_i32_0 = arith.constant 0 : i32
    %c0_i32_1 = arith.constant 0 : i32
    return %c0_i32, %c0_i32_0 : i32, i32
  }
  func.func @transform_6(%arg0: i32) -> (i32, i32) {
    %c0_i32 = arith.constant 0 : i32
    %c0_i32_0 = arith.constant 0 : i32
    %c0_i32_1 = arith.constant 0 : i32
    return %c0_i32, %c0_i32_0 : i32, i32
  }
  func.func @transform_7(%arg0: i32) -> (i32, i32) {
    %c0_i32 = arith.constant 0 : i32
    %c0_i32_0 = arith.constant 0 : i32
    return %arg0, %c0_i32 : i32, i32
  }
  func.func @transform_8(%arg0: i32) -> (i32, i32) {
    %c0_i32 = arith.constant 0 : i32
    %c0_i32_0 = arith.constant 0 : i32
    %c0_i32_1 = arith.constant 0 : i32
    return %c0_i32, %c0_i32_0 : i32, i32
  }
  func.func @transform_9(%arg0: i32) -> (i32, i32) {
    %c0_i32 = arith.constant 0 : i32
    %c0_i32_0 = arith.constant 0 : i32
    %c0_i32_1 = arith.constant 0 : i32
    return %c0_i32, %c0_i32_0 : i32, i32
  }
  func.func @transform_10(%arg0: i32) -> (i32, i32) {
    %c0_i32 = arith.constant 0 : i32
    %c0_i32_0 = arith.constant 0 : i32
    %c0_i32_1 = arith.constant 0 : i32
    return %c0_i32, %c0_i32_0 : i32, i32
  }
  func.func @transform_11(%arg0: i32) -> (i32, i32) {
    %c0_i32 = arith.constant 0 : i32
    %c0_i32_0 = arith.constant 0 : i32
    %c0_i32_1 = arith.constant 0 : i32
    return %c0_i32, %c0_i32_0 : i32, i32
  }
  func.func @transform_12(%arg0: i32) -> (i32, i32) {
    %c0_i32 = arith.constant 0 : i32
    %c0_i32_0 = arith.constant 0 : i32
    %c0_i32_1 = arith.constant 0 : i32
    return %c0_i32, %c0_i32_0 : i32, i32
  }
  func.func @transform_13(%arg0: i32) -> (i32, i32) {
    %c0_i32 = arith.constant 0 : i32
    %c0_i32_0 = arith.constant 0 : i32
    %c0_i32_1 = arith.constant 0 : i32
    return %c0_i32, %c0_i32_0 : i32, i32
  }
  func.func @transform_14(%arg0: i32) -> (i32, i32) {
    %c0_i32 = arith.constant 0 : i32
    %c0_i32_0 = arith.constant 0 : i32
    %c0_i32_1 = arith.constant 0 : i32
    return %c0_i32, %c0_i32_0 : i32, i32
  }
}

</mosaic_0001>

<sc_bundles>
// kernel: kernel.11.cloned.1.call-start
scs
__scs_entry_jumppad:
0x0: {  	(pc) =	sbr.rel $0x88, $3  }
0x1: {  	(tag) =	ssettag $0x0;
	lr =	simm.s32 $0x1  }
0x2: {  	[smem:$0x3F8E] =	sst lr;
	_ =	strace $0xD0000000  }
0x3: {  	_ = 	snop  }
0x4: {  	_ = 	snop  }
0x5: {  	_ = 	snop  }
0x6: {  	_ = 	snop  }
0x7: {  	_ = 	snop  }
__scs_overlays_trampoline_lowered:
0x8: {  	[smem:$0x3F9D] =	sst s0  }
0x9: {  	[smem:$0x3F9E] =	sst s1  }
0xa: {  	[smem:$0x3F9F] =	sst s2  }
0xb: {  	[smem:$0x3FA0] =	sst s3  }
0xc: {  	[smem:$0x3FA1] =	sst s4  }
0xd: {  	[smem:$0x3FA2] =	sst s5  }
0xe: {  	[smem:$0x3FA3] =	sst s6  }
0xf: {  	[smem:$0x3FA4] =	sst s7  }
0x10: {  	[smem:$0x3FA5] =	sst s8  }
0x11: {  	[smem:$0x3FA6] =	sst s9;
	s0 =	simm.s32 @!p0 $0x0  }
0x12: {  	s1 =	sld [smem:$0x3F8C];
	s0 =	simm.s32 @p0 $0x1  }
0x13: {  	[smem:$0x3FA7] =	sst s0;
	s0 =	simm.s32 @!p1 $0x0  }
0x14: {  	s2 =	sld [smem:$0x3F8B];
	s0 =	simm.s32 @p1 $0x1  }
0x15: {  	[smem:$0x3FA8] =	sst s0;
	s0 =	simm.s32 @!p2 $0x0  }
0x16: {  	s3 =	sld [smem:$0x3FDB];
	s0 =	simm.s32 @p2 $0x1  }
0x17: {  	s4 =	simm.s32 $0x1BF5;
	[smem:$0x3FAA] =	sst s0  }
0x18: {  	s0 =	sld [smem:$0x3F8D];
	_ =	swait.ge [sflag:s4], $0x0  }
0x19: {  	s7 =	sld [smem:$0x3F8E]  }
0x1a: {  	s8 =	sadd.s32 $0xFFFFE003, lr  }
0x1b: {  	s9 =	sadd.s32 $0xFFFFFEF7, lr;
	s5 =	simm.s32 $0xFFFFFFFF;
	p2 =	slt.u32 s8, $0xFFFFF086  }
0x1c: {  	p1 =	slt.u32 s9, $0xF7A;
	s5 =	simm.s32 @!p2 $0x0  }
0x1d: {  	s5 =	simm.s32 @p1 $0x1;
	p0 =	seq.s32 s7, s2  }
0x1e: {  	s7 =	smul.u32 @!p0 $0xF7A, s2;
	p2 =	seq.s32 @!p0 s5, $0x0  }
0x1f: {  	s9 =	smul.u32 $0xF7A, s1;
	s8 =	simm.s32 @!p0 $0x1BF5;
	p2 =	por !p2, p0  }
0x20: {  	[sflag:s8] =	ssyncset.s32 @!p0 $0xFFFFF086;
	s6 =	sadd.s32 @!p0 s3, s7;
	s7 =	simm.s32 @!p0 $0x108  }
0x21: {  	s3 =	sadd.s32 s3, s9;
	s6 =	sadd.s32 @!p0 $0x88, s6;
	s7 =	simm.s32 @p2 $0x1082  }
0x22: {  	[simem:s7], [sflag:s8] =	dma.local @!p0 [hbm:s6], $0xF7A  }
0x23: {  	s9 =	sor.u32 $0xD0000000, s2;
	s6 =	simm.s32 $0x108;
	_ =	swait.ge @!p0 [sflag:s8], $0x0  }
0x24: {  	s3 =	sadd.s32 $0x88, s3;
	s6 =	simm.s32 @!p1 $0x1082;
	[sflag:s4] =	ssyncset.s32 $0xFFFFF086  }
0x25: {  	[simem:s6], [sflag:s4] =	dma.local [hbm:s3], $0xF7A  }
0x26: {  	[smem:$0x3F8E] =	sst s1;
	(tag) =	ssettag s2;
	_ =	strace s9  }
0x27: {  	s1 =	sld [smem:$0x3F9E]  }
0x28: {  	s2 =	sld [smem:$0x3F9F]  }
0x29: {  	s4 =	sld [smem:$0x3FA1]  }
0x2a: {  	p0 =	seq.s32 s5, $0x0;
	s5 =	sld [smem:$0x3FA2]  }
0x2b: {  	s6 =	sld [smem:$0x3FA3]  }
0x2c: {  	s7 =	sld [smem:$0x3FA4]  }
0x2d: {  	s3 =	simm.s32 $0x108;
	s8 =	sld [smem:$0x3FA5]  }
0x2e: {  	s3 =	simm.s32 @!p0 $0x1082;
	s9 =	sld [smem:$0x3FA6]  }
0x2f: {  	lr =	sadd.s32 s0, s3;
	s0 =	sld [smem:$0x3F9D]  }
0x30: {  	s3 =	sld [smem:$0x3FA0]  }
0x31: {  	[smem:$0x3FA9] =	sst s10  }
0x32: {  	s10 =	sld [smem:$0x3FA7];
	_ =	sdelay $0x3  }
0x33: {  	p0 =	seq.s32 s10, $0x1;
	s10 =	sld [smem:$0x3FA9];
	_ =	sdelay $0x3  }
0x34: {  	[smem:$0x3FA9] =	sst s10  }
0x35: {  	s10 =	sld [smem:$0x3FA8];
	_ =	sdelay $0x3  }
0x36: {  	p1 =	seq.s32 s10, $0x1;
	s10 =	sld [smem:$0x3FA9];
	_ =	sdelay $0x3  }
0x37: {  	[smem:$0x3FA9] =	sst s10  }
0x38: {  	s10 =	sld [smem:$0x3FAA]  }
0x39: {  	_ = 	snop;
	(pc) =	sbr.ind lr, $3  }
0x3a: {  	_ = 	snop  }
0x3b: {  	_ = 	snop  }
0x3c: {  	p2 =	seq.s32 s10, $0x1;
	s10 =	sld [smem:$0x3FA9]  }
0x3d: {  	_ =	shalt  }
0x3e: {  	_ =	shalt  }
0x3f: {  	_ =	shalt  }
0x40: {  	_ =	shalt  }
0x41: {  	_ =	shalt  }
0x42: {  	_ =	shalt  }
0x43: {  	_ =	shalt  }
0x44: {  	_ =	shalt  }
0x45: {  	_ =	shalt  }
0x46: {  	_ =	shalt  }
0x47: {  	_ =	shalt  }
0x48: {  	_ =	shalt  }
0x49: {  	_ =	shalt  }
0x4a: {  	_ =	shalt  }
0x4b: {  	_ =	shalt  }
0x4c: {  	_ =	shalt  }
0x4d: {  	_ =	shalt  }
0x4e: {  	_ =	shalt  }
0x4f: {  	_ =	shalt  }
0x50: {  	_ =	shalt  }
0x51: {  	_ =	shalt  }
0x52: {  	_ =	shalt  }
0x53: {  	_ =	shalt  }
0x54: {  	_ =	shalt  }
0x55: {  	_ =	shalt  }
0x56: {  	_ =	shalt  }
0x57: {  	_ =	shalt  }
0x58: {  	_ =	shalt  }
0x59: {  	_ =	shalt  }
0x5a: {  	_ =	shalt  }
0x5b: {  	_ =	shalt  }
0x5c: {  	_ =	shalt  }
0x5d: {  	_ =	shalt  }
0x5e: {  	_ =	shalt  }
0x5f: {  	_ =	shalt  }
0x60: {  	_ =	shalt  }
0x61: {  	_ =	shalt  }
0x62: {  	_ =	shalt  }
0x63: {  	_ =	shalt  }
0x64: {  	_ =	shalt  }
0x65: {  	_ =	shalt  }
0x66: {  	_ =	shalt  }
0x67: {  	_ =	shalt  }
0x68: {  	_ =	shalt  }
0x69: {  	_ =	shalt  }
0x6a: {  	_ =	shalt  }
0x6b: {  	_ =	shalt  }
0x6c: {  	_ =	shalt  }
0x6d: {  	_ =	shalt  }
0x6e: {  	_ =	shalt  }
0x6f: {  	_ =	shalt  }
0x70: {  	_ =	shalt  }
0x71: {  	_ =	shalt  }
0x72: {  	_ =	shalt  }
0x73: {  	_ =	shalt  }
0x74: {  	_ =	shalt  }
0x75: {  	_ =	shalt  }
0x76: {  	_ =	shalt  }
0x77: {  	_ =	shalt  }
0x78: {  	_ =	shalt  }
0x79: {  	_ =	shalt  }
0x7a: {  	_ =	shalt  }
0x7b: {  	_ =	shalt  }
0x7c: {  	_ =	shalt  }
0x7d: {  	_ =	shalt  }
0x7e: {  	_ =	shalt  }
0x7f: {  	_ =	shalt  }
0x80: {  	_ =	shalt  }
0x81: {  	_ =	shalt  }
0x82: {  	_ =	shalt  }
0x83: {  	_ =	shalt  }
0x84: {  	_ =	shalt  }
0x85: {  	_ =	shalt  }
0x86: {  	_ =	shalt  }
0x87: {  	_ =	shalt  }
.Lfunc_end0:
.L_simem_size_0:
called_computation.1_lowered:
.L_overlay_start_0:
0x88: {  	s2 =	sld [smem:$0x3FD9]  }
0x89: {  	s3 =	sld [smem:$0x3FFE];
	_ =	sdelay $0x1  }
0x8a: {  	s1 =	srdreg.scid  }
0x8b: {  	s0 =	sand.u32 $0x1, s1  }
0x8c: {  	s16 =	sshll.u32 s0, $0xA;
	s2 =	sadd.s32 s3, s2  }
0x8d: {  	s2 =	sadd.s32 s2, s16  }
0x8e: {  	[smem:$0x3FB5] =	sst s2  }
0x8f: {  	_ = 	snop  }
0x90: {  	(tm) =	ssettm $0x1  }
0x91: {  	s17 =	sld [smem:$0x3FFB];
	_ =	sdelay $0x3  }
0x92: {  	_ =	strace s17  }
0x93: {  	s2 =	sld [smem:$0x3FFC];
	_ =	sdelay $0x3  }
0x94: {  	_ =	strace s2  }
0x95: {  	s2 =	sld [smem:$0x3FFD];
	_ =	sdelay $0x3  }
0x96: {  	_ =	strace s2  }
0x97: {  	_ =	strace $0x8FFFFFFF  }
0x98: {  	s18 =	sld [smem:$0x3FDB];
	_ =	sdelay $0x1  }
0x99: {  	s19 =	simm.s32 $_scs_section_size  }
0x9a: {  	s4 =	simm.s32 $_size__tile_overlayer_lowered;
	s5 =	simm.s32 $_tile_overlayer_lowered  }
0x9b: {  	s22 =	simm.s32 $0x1BFF;
	s21 =	sshll.u32 s5, $0x1;
	s2 =	sadd.s32 s19, s18  }
0x9c: {  	s6 =	simm.s32 $0x0;
	s20 =	sshll.u32 s4, $0x1;
	s4 =	sadd.s32 s21, s2  }
0x9d: {  	[timem:s6], [sflag:s22] =	dma.local [hbm:s4], s20  }
0x9e: {  	_ =	swait.ge [sflag:s22], s20  }
0x9f: {  	s3 =	ssub.s32 $0x0, s20;
	[sflag:s22] =	ssyncset.done $0x0  }
0xa0: {  	[sflag:s22] =	ssyncadd.s32 s3;
	_ =	sdelay $0x1  }
0xa1: {  	s23 =	simm.s32 $0x1B8B  }
0xa2: {  	_ =	swait.ge [sflag:s23], $0x1  }
0xa3: {  	[sflag:s23] =	ssyncset.done $0x0  }
0xa4: {  	s25 =	simm.s32 $0x1B8E;
	s24 =	sld [smem:$0x3FFE];
	[sflag:s23] =	ssyncadd.s32 $0xFFFFFFFF  }
0xa5: {  	s26 =	simm.s32 $execute0_lowered;
	[smem:$0x3FD2] =	sst s25  }
0xa6: {  	s4 =	sshll.u32 s26, $0x1;
	_ =	strace $0x80000049;
	[dreg:$0x1] =	wrdreg $0xFFFFFFFF  }
0xa7: {  	s28 =	simm.s32 $_size_execute0_lowered;
	s2 =	sadd.s32 s2, s4;
	[dreg:$0x0] =	wrdreg $0x0  }
0xa8: {  	s4 =	sshll.u32 s28, $0x1;
	[dreg:$0x2] =	wrdreg s2  }
0xa9: {  	[dreg:$0x3] =	wrdreg s4  }
0xaa: {  	[dreg:$0x4] =	wrdreg $0xC0  }
0xab: {  	_ =	task [dreg:s6], $0x5FFFF  }
0xac: {  	[dreg:$0x1] =	wrdreg $0xFFFFFFFF  }
0xad: {  	[dreg:$0x0] =	wrdreg $0x60  }
0xae: {  	[dreg:$0x2] =	wrdreg s24  }
0xaf: {  	[dreg:$0x3] =	wrdreg $0x9  }
0xb0: {  	_ =	task.clear_ibuf [dreg:s6], $0x4FFFF;
	_ =	strace $0x90000049  }
0xb1: {  	s29 =	simm.s32 $0x9;
	_ =	strace $0x8000004B  }
0xb2: {  	_ =	swait.ge [sflag:s29], $0x1  }
0xb3: {  	[sflag:s29] =	ssyncadd.s32 $0xFFFFFFFF  }
0xb4: {  	_ =	strace $0x9000004B  }
0xb5: {  	_ =	sfence  }
0xb6: {  	s30 =	sld [smem:$0x0];
	_ =	sdelay $0x2  }
0xb7: {  	s31 =	sshll.u32 s1, $0xD;
	s1 =	sshrl.u32 s1, $0x2  }
0xb8: {  	s3 =	sand.u32 $0x4000, s31;
	s1 =	sadd.s32 s1, s30  }
0xb9: {  	s0 =	sor.u32 s3, s0;
	s1 =	sshll.u32 s1, $0x11  }
0xba: {  	s0 =	sor.u32 s1, s0  }
0xbb: {  	s0 =	sadd.s32 $0x8F2B, s0  }
0xbc: {  	[sflag:s0] =	ssyncadd.remote.s32 $0x1  }
0xbd: {  	_ =	sfence.sel $0xFFFF  }
0xbe: {  	[dreg:$0x0] =	wrdreg $0xFFFFFFFF;
	(pc) =	sbr.abs _section_cstart, $3  }
0xbf: {  	[dreg:$0x1] =	wrdreg $0xFFFFFFFF  }
0xc0: {  	_ =	task.clear_ibuf [dreg:s6], $0x2FFFF;
	_ =	strace $0x9FFFFFFF  }
0xc1: {  	(tm) =	ssettm $0x7FFFFFFF  }
tec
execute0_lowered:
.L_overlay_start_1:
0x0: {  	(tag) =	ssettag $0x1  }
0x1: {  	s1 =	srdreg.scid;
	s0 =	stileid.u32  }
0x2: {  	s26 =	sand.u32 $0x1, s1;
	s29 =	sshll.u32 s0, $0x1  }
0x3: {  	s8 =	sor.u32 s26, s29  }
0x4: {  	s9 =	rddreg [dreg:$0x0];
	s28 =	smul.u32 $0x500, s8  }
0x5: {  	s2 =	simm.s32 $0x0;
	s1 =	rddreg [dreg:$0x1]  }
0x6: {  	[smem:$0x7FF] =	sst s2;
	s25 =	sadd.s32 $0x13400, s9;
	s3 =	sshrl.u32 s28, $0x3  }
0x7: {  	_ =	strace $0x8000004A;
	s4 =	sadd.s32 s25, s3;
	s3 =	simm.s32 $0x2  }
0x8: {  	[tilespmem:s2], [sflag:$0x2] =	stream.linear.gather [hbm4b:s4+s2], $0x80, $0x38;
	[tilespmem:$0x2080] =	vst v63  }
0x9: {  	_ =	swait.ge [sflag:s3], $0x80  }
0xa: {  	s6 =	simm.s32 $0x80;
	[sflag:s3] =	ssyncset.done $0x0  }
0xb: {  	s7 =	simm.s32 $0x1;
	s5 =	sadd.s32 $0x3400, s9;
	[sflag:s3] =	ssyncadd.s32 $0xFFFFFF80  }
0xc: {  	[tilespmem:s6], [sflag:$0x1] =	stream.indirect.gather [hbm4b:s5+s6], $0x40, s2, s6, $0xb8;
	[tilespmem:$0x2080] =	vst v63  }
0xd: {  	s8 =	smul.u32 $0x2800, s8;
	_ =	swait.ge [sflag:s7], $0x2000  }
0xe: {  	s29 =	sadd.s32 $0x14800, s9;
	[sflag:s7] =	ssyncset.done $0x0  }
0xf: {  	s8 =	sadd.s32 s29, s8;
	[sflag:s7] =	ssyncadd.s32 $0xFFFFE000  }
0x10: {  	[hbm4b:s8+s2] =	stream.linear.scatter [tilespmem:s6], [sflag:$0x2], $0x2000, $0x38;
	[tilespmem:$0x2080] =	vst v63  }
0x11: {  	s10 =	sor.u32 $0x80, s28;
	_ =	swait.ge [sflag:s3], $0x2000  }
0x12: {  	s30 =	sshrl.u32 s10, $0x3;
	[sflag:s3] =	ssyncset.done $0x0  }
0x13: {  	s9 =	sadd.s32 s25, s30;
	[sflag:s3] =	ssyncadd.s32 $0xFFFFE000  }
0x14: {  	[tilespmem:s2], [sflag:$0x2] =	stream.linear.gather [hbm4b:s9+s2], $0x80, $0x38;
	[tilespmem:$0x2080] =	vst v63  }
0x15: {  	_ =	swait.ge [sflag:s3], $0x80  }
0x16: {  	[sflag:s3] =	ssyncset.done $0x0  }
0x17: {  	[sflag:s3] =	ssyncadd.s32 $0xFFFFFF80  }
0x18: {  	[tilespmem:s6], [sflag:$0x1] =	stream.indirect.gather [hbm4b:s5+s6], $0x40, s2, s6, $0xb8;
	[tilespmem:$0x2080] =	vst v63  }
0x19: {  	_ =	swait.ge [sflag:s7], $0x2000  }
0x1a: {  	s10 =	sshll.u32 s10, $0x3;
	[sflag:s7] =	ssyncset.done $0x0  }
0x1b: {  	s10 =	sadd.s32 s29, s10;
	[sflag:s7] =	ssyncadd.s32 $0xFFFFE000  }
0x1c: {  	[hbm4b:s10+s2] =	stream.linear.scatter [tilespmem:s6], [sflag:$0x2], $0x2000, $0x38;
	[tilespmem:$0x2080] =	vst v63  }
0x1d: {  	s12 =	sadd.s32 $0x100, s28;
	_ =	swait.ge [sflag:s3], $0x2000  }
0x1e: {  	s11 =	sshrl.u32 s12, $0x3;
	[sflag:s3] =	ssyncset.done $0x0  }
0x1f: {  	s11 =	sadd.s32 s25, s11;
	[sflag:s3] =	ssyncadd.s32 $0xFFFFE000  }
0x20: {  	[tilespmem:s2], [sflag:$0x2] =	stream.linear.gather [hbm4b:s11+s2], $0x80, $0x38;
	[tilespmem:$0x2080] =	vst v63  }
0x21: {  	_ =	swait.ge [sflag:s3], $0x80  }
0x22: {  	[sflag:s3] =	ssyncset.done $0x0  }
0x23: {  	[sflag:s3] =	ssyncadd.s32 $0xFFFFFF80  }
0x24: {  	[tilespmem:s6], [sflag:$0x1] =	stream.indirect.gather [hbm4b:s5+s6], $0x40, s2, s6, $0xb8;
	[tilespmem:$0x2080] =	vst v63  }
0x25: {  	_ =	swait.ge [sflag:s7], $0x2000  }
0x26: {  	s12 =	sshll.u32 s12, $0x3;
	[sflag:s7] =	ssyncset.done $0x0  }
0x27: {  	s12 =	sadd.s32 s29, s12;
	[sflag:s7] =	ssyncadd.s32 $0xFFFFE000  }
0x28: {  	[hbm4b:s12+s2] =	stream.linear.scatter [tilespmem:s6], [sflag:$0x2], $0x2000, $0x38;
	[tilespmem:$0x2080] =	vst v63  }
0x29: {  	s14 =	sadd.s32 $0x180, s28;
	_ =	swait.ge [sflag:s3], $0x2000  }
0x2a: {  	s13 =	sshrl.u32 s14, $0x3;
	[sflag:s3] =	ssyncset.done $0x0  }
0x2b: {  	s13 =	sadd.s32 s25, s13;
	[sflag:s3] =	ssyncadd.s32 $0xFFFFE000  }
0x2c: {  	[tilespmem:s2], [sflag:$0x2] =	stream.linear.gather [hbm4b:s13+s2], $0x80, $0x38;
	[tilespmem:$0x2080] =	vst v63  }
0x2d: {  	_ =	swait.ge [sflag:s3], $0x80  }
0x2e: {  	[sflag:s3] =	ssyncset.done $0x0  }
0x2f: {  	[sflag:s3] =	ssyncadd.s32 $0xFFFFFF80  }
0x30: {  	[tilespmem:s6], [sflag:$0x1] =	stream.indirect.gather [hbm4b:s5+s6], $0x40, s2, s6, $0xb8;
	[tilespmem:$0x2080] =	vst v63  }
0x31: {  	_ =	swait.ge [sflag:s7], $0x2000  }
0x32: {  	s14 =	sshll.u32 s14, $0x3;
	[sflag:s7] =	ssyncset.done $0x0  }
0x33: {  	s14 =	sadd.s32 s29, s14;
	[sflag:s7] =	ssyncadd.s32 $0xFFFFE000  }
0x34: {  	[hbm4b:s14+s2] =	stream.linear.scatter [tilespmem:s6], [sflag:$0x2], $0x2000, $0x38;
	[tilespmem:$0x2080] =	vst v63  }
0x35: {  	s16 =	sadd.s32 $0x200, s28;
	_ =	swait.ge [sflag:s3], $0x2000  }
0x36: {  	s15 =	sshrl.u32 s16, $0x3;
	[sflag:s3] =	ssyncset.done $0x0  }
0x37: {  	s15 =	sadd.s32 s25, s15;
	[sflag:s3] =	ssyncadd.s32 $0xFFFFE000  }
0x38: {  	[tilespmem:s2], [sflag:$0x2] =	stream.linear.gather [hbm4b:s15+s2], $0x80, $0x38;
	[tilespmem:$0x2080] =	vst v63  }
0x39: {  	_ =	swait.ge [sflag:s3], $0x80  }
0x3a: {  	[sflag:s3] =	ssyncset.done $0x0  }
0x3b: {  	[sflag:s3] =	ssyncadd.s32 $0xFFFFFF80  }
0x3c: {  	[tilespmem:s6], [sflag:$0x1] =	stream.indirect.gather [hbm4b:s5+s6], $0x40, s2, s6, $0xb8;
	[tilespmem:$0x2080] =	vst v63  }
0x3d: {  	_ =	swait.ge [sflag:s7], $0x2000  }
0x3e: {  	s16 =	sshll.u32 s16, $0x3;
	[sflag:s7] =	ssyncset.done $0x0  }
0x3f: {  	s16 =	sadd.s32 s29, s16;
	[sflag:s7] =	ssyncadd.s32 $0xFFFFE000  }
0x40: {  	[hbm4b:s16+s2] =	stream.linear.scatter [tilespmem:s6], [sflag:$0x2], $0x2000, $0x38;
	[tilespmem:$0x2080] =	vst v63  }
0x41: {  	s18 =	sadd.s32 $0x280, s28;
	_ =	swait.ge [sflag:s3], $0x2000  }
0x42: {  	s17 =	sshrl.u32 s18, $0x3;
	[sflag:s3] =	ssyncset.done $0x0  }
0x43: {  	s17 =	sadd.s32 s25, s17;
	[sflag:s3] =	ssyncadd.s32 $0xFFFFE000  }
0x44: {  	[tilespmem:s2], [sflag:$0x2] =	stream.linear.gather [hbm4b:s17+s2], $0x80, $0x38;
	[tilespmem:$0x2080] =	vst v63  }
0x45: {  	_ =	swait.ge [sflag:s3], $0x80  }
0x46: {  	[sflag:s3] =	ssyncset.done $0x0  }
0x47: {  	[sflag:s3] =	ssyncadd.s32 $0xFFFFFF80  }
0x48: {  	[tilespmem:s6], [sflag:$0x1] =	stream.indirect.gather [hbm4b:s5+s6], $0x40, s2, s6, $0xb8;
	[tilespmem:$0x2080] =	vst v63  }
0x49: {  	_ =	swait.ge [sflag:s7], $0x2000  }
0x4a: {  	s18 =	sshll.u32 s18, $0x3;
	[sflag:s7] =	ssyncset.done $0x0  }
0x4b: {  	s18 =	sadd.s32 s29, s18;
	[sflag:s7] =	ssyncadd.s32 $0xFFFFE000  }
0x4c: {  	[hbm4b:s18+s2] =	stream.linear.scatter [tilespmem:s6], [sflag:$0x2], $0x2000, $0x38;
	[tilespmem:$0x2080] =	vst v63  }
0x4d: {  	s20 =	sadd.s32 $0x300, s28;
	_ =	swait.ge [sflag:s3], $0x2000  }
0x4e: {  	s19 =	sshrl.u32 s20, $0x3;
	[sflag:s3] =	ssyncset.done $0x0  }
0x4f: {  	s19 =	sadd.s32 s25, s19;
	[sflag:s3] =	ssyncadd.s32 $0xFFFFE000  }
0x50: {  	[tilespmem:s2], [sflag:$0x2] =	stream.linear.gather [hbm4b:s19+s2], $0x80, $0x38;
	[tilespmem:$0x2080] =	vst v63  }
0x51: {  	_ =	swait.ge [sflag:s3], $0x80  }
0x52: {  	[sflag:s3] =	ssyncset.done $0x0  }
0x53: {  	[sflag:s3] =	ssyncadd.s32 $0xFFFFFF80  }
0x54: {  	[tilespmem:s6], [sflag:$0x1] =	stream.indirect.gather [hbm4b:s5+s6], $0x40, s2, s6, $0xb8;
	[tilespmem:$0x2080] =	vst v63  }
0x55: {  	_ =	swait.ge [sflag:s7], $0x2000  }
0x56: {  	s20 =	sshll.u32 s20, $0x3;
	[sflag:s7] =	ssyncset.done $0x0  }
0x57: {  	s20 =	sadd.s32 s29, s20;
	[sflag:s7] =	ssyncadd.s32 $0xFFFFE000  }
0x58: {  	[hbm4b:s20+s2] =	stream.linear.scatter [tilespmem:s6], [sflag:$0x2], $0x2000, $0x38;
	[tilespmem:$0x2080] =	vst v63  }
0x59: {  	s22 =	sadd.s32 $0x380, s28;
	_ =	swait.ge [sflag:s3], $0x2000  }
0x5a: {  	s21 =	sshrl.u32 s22, $0x3;
	[sflag:s3] =	ssyncset.done $0x0  }
0x5b: {  	s21 =	sadd.s32 s25, s21;
	[sflag:s3] =	ssyncadd.s32 $0xFFFFE000  }
0x5c: {  	[tilespmem:s2], [sflag:$0x2] =	stream.linear.gather [hbm4b:s21+s2], $0x80, $0x38;
	[tilespmem:$0x2080] =	vst v63  }
0x5d: {  	_ =	swait.ge [sflag:s3], $0x80  }
0x5e: {  	[sflag:s3] =	ssyncset.done $0x0  }
0x5f: {  	[sflag:s3] =	ssyncadd.s32 $0xFFFFFF80  }
0x60: {  	[tilespmem:s6], [sflag:$0x1] =	stream.indirect.gather [hbm4b:s5+s6], $0x40, s2, s6, $0xb8;
	[tilespmem:$0x2080] =	vst v63  }
0x61: {  	_ =	swait.ge [sflag:s7], $0x2000  }
0x62: {  	s22 =	sshll.u32 s22, $0x3;
	[sflag:s7] =	ssyncset.done $0x0  }
0x63: {  	s22 =	sadd.s32 s29, s22;
	[sflag:s7] =	ssyncadd.s32 $0xFFFFE000  }
0x64: {  	[hbm4b:s22+s2] =	stream.linear.scatter [tilespmem:s6], [sflag:$0x2], $0x2000, $0x38;
	[tilespmem:$0x2080] =	vst v63  }
0x65: {  	s24 =	sadd.s32 $0x400, s28;
	_ =	swait.ge [sflag:s3], $0x2000  }
0x66: {  	s23 =	sshrl.u32 s24, $0x3;
	[sflag:s3] =	ssyncset.done $0x0  }
0x67: {  	s23 =	sadd.s32 s25, s23;
	[sflag:s3] =	ssyncadd.s32 $0xFFFFE000  }
0x68: {  	[tilespmem:s2], [sflag:$0x2] =	stream.linear.gather [hbm4b:s23+s2], $0x80, $0x38;
	[tilespmem:$0x2080] =	vst v63  }
0x69: {  	_ =	swait.ge [sflag:s3], $0x80  }
0x6a: {  	[sflag:s3] =	ssyncset.done $0x0  }
0x6b: {  	[sflag:s3] =	ssyncadd.s32 $0xFFFFFF80  }
0x6c: {  	[tilespmem:s6], [sflag:$0x1] =	stream.indirect.gather [hbm4b:s5+s6], $0x40, s2, s6, $0xb8;
	[tilespmem:$0x2080] =	vst v63  }
0x6d: {  	_ =	swait.ge [sflag:s7], $0x2000  }
0x6e: {  	s24 =	sshll.u32 s24, $0x3;
	[sflag:s7] =	ssyncset.done $0x0  }
0x6f: {  	s24 =	sadd.s32 s29, s24;
	[sflag:s7] =	ssyncadd.s32 $0xFFFFE000  }
0x70: {  	[hbm4b:s24+s2] =	stream.linear.scatter [tilespmem:s6], [sflag:$0x2], $0x2000, $0x38;
	[tilespmem:$0x2080] =	vst v63  }
0x71: {  	s28 =	sadd.s32 $0x480, s28;
	_ =	swait.ge [sflag:s3], $0x2000  }
0x72: {  	s30 =	sshrl.u32 s28, $0x3;
	[sflag:s3] =	ssyncset.done $0x0  }
0x73: {  	s26 =	ssub.s32 $0x2, s26;
	s25 =	sadd.s32 s25, s30;
	[sflag:s3] =	ssyncadd.s32 $0xFFFFE000  }
0x74: {  	[tilespmem:s2], [sflag:$0x2] =	stream.linear.gather [hbm4b:s25+s2], $0x80, $0x38;
	[tilespmem:$0x2080] =	vst v63  }
0x75: {  	s31 =	sshrl.u32 s26, $0x1;
	_ =	swait.ge [sflag:s3], $0x80  }
0x76: {  	s30 =	ssub.s32 s26, s31;
	[sflag:s3] =	ssyncset.done $0x0  }
0x77: {  	s31 =	sshll.u32 s28, $0x3;
	s28 =	smax.u32 s30, $0x1;
	[sflag:s3] =	ssyncadd.s32 $0xFFFFFF80  }
0x78: {  	[tilespmem:s6], [sflag:$0x1] =	stream.indirect.gather [hbm4b:s5+s6], $0x40, s2, s6, $0xb8;
	[tilespmem:$0x2080] =	vst v63  }
0x79: {  	p0 =	sne.s32 s28, $0x1;
	_ =	swait.ge [sflag:s7], $0x2000  }
.Ltmp0:
0x7a: {  	[sflag:s7] =	ssyncset.done $0x0;
	(pc) =	sbr.rel @!p0 .LBB2_2-.Ltmp0, $4  }
0x7b: {  	s26 =	sadd.s32 s29, s31;
	[sflag:s7] =	ssyncadd.s32 $0xFFFFE000  }
0x7c: {  	[hbm4b:s26+s2] =	stream.linear.scatter [tilespmem:s6], [sflag:$0x2], $0x2000, $0x38;
	[tilespmem:$0x2080] =	vst v63  }
0x7d: {  	_ =	swait.ge [sflag:s3], $0x2000  }
0x7e: {  	s28 =	sadd.s32 $0xFFFFFFFF, s28;
	[sflag:s3] =	ssyncset.done $0x0  }
.LBB2_1:
0x7f: {  	p0 =	sne.s32 s28, $0x1;
	s28 =	sadd.s32 $0xFFFFFFFF, s28;
	[sflag:s3] =	ssyncadd.s32 $0xFFFFE000  }
0x80: {  	[tilespmem:s2], [sflag:$0x2] =	stream.linear.gather [hbm4b:s4+s2], $0x80, $0x38;
	[tilespmem:$0x2080] =	vst v63  }
0x81: {  	_ =	swait.ge [sflag:s3], $0x80  }
0x82: {  	[sflag:s3] =	ssyncset.done $0x0  }
0x83: {  	[sflag:s3] =	ssyncadd.s32 $0xFFFFFF80  }
0x84: {  	[tilespmem:s6], [sflag:$0x1] =	stream.indirect.gather [hbm4b:s5+s6], $0x40, s2, s6, $0xb8;
	[tilespmem:$0x2080] =	vst v63  }
0x85: {  	_ =	swait.ge [sflag:s7], $0x2000  }
0x86: {  	[sflag:s7] =	ssyncset.done $0x0  }
0x87: {  	[sflag:s7] =	ssyncadd.s32 $0xFFFFE000  }
0x88: {  	[hbm4b:s8+s2] =	stream.linear.scatter [tilespmem:s6], [sflag:$0x2], $0x2000, $0x38;
	[tilespmem:$0x2080] =	vst v63  }
0x89: {  	_ =	swait.ge [sflag:s3], $0x2000  }
0x8a: {  	[sflag:s3] =	ssyncset.done $0x0  }
0x8b: {  	[sflag:s3] =	ssyncadd.s32 $0xFFFFE000  }
0x8c: {  	[tilespmem:s2], [sflag:$0x2] =	stream.linear.gather [hbm4b:s9+s2], $0x80, $0x38;
	[tilespmem:$0x2080] =	vst v63  }
0x8d: {  	_ =	swait.ge [sflag:s3], $0x80  }
0x8e: {  	[sflag:s3] =	ssyncset.done $0x0  }
0x8f: {  	[sflag:s3] =	ssyncadd.s32 $0xFFFFFF80  }
0x90: {  	[tilespmem:s6], [sflag:$0x1] =	stream.indirect.gather [hbm4b:s5+s6], $0x40, s2, s6, $0xb8;
	[tilespmem:$0x2080] =	vst v63  }
0x91: {  	_ =	swait.ge [sflag:s7], $0x2000  }
0x92: {  	[sflag:s7] =	ssyncset.done $0x0  }
0x93: {  	[sflag:s7] =	ssyncadd.s32 $0xFFFFE000  }
0x94: {  	[hbm4b:s10+s2] =	stream.linear.scatter [tilespmem:s6], [sflag:$0x2], $0x2000, $0x38;
	[tilespmem:$0x2080] =	vst v63  }
0x95: {  	_ =	swait.ge [sflag:s3], $0x2000  }
0x96: {  	[sflag:s3] =	ssyncset.done $0x0  }
0x97: {  	[sflag:s3] =	ssyncadd.s32 $0xFFFFE000  }
0x98: {  	[tilespmem:s2], [sflag:$0x2] =	stream.linear.gather [hbm4b:s11+s2], $0x80, $0x38;
	[tilespmem:$0x2080] =	vst v63  }
0x99: {  	_ =	swait.ge [sflag:s3], $0x80  }
0x9a: {  	[sflag:s3] =	ssyncset.done $0x0  }
0x9b: {  	[sflag:s3] =	ssyncadd.s32 $0xFFFFFF80  }
0x9c: {  	[tilespmem:s6], [sflag:$0x1] =	stream.indirect.gather [hbm4b:s5+s6], $0x40, s2, s6, $0xb8;
	[tilespmem:$0x2080] =	vst v63  }
0x9d: {  	_ =	swait.ge [sflag:s7], $0x2000  }
0x9e: {  	[sflag:s7] =	ssyncset.done $0x0  }
0x9f: {  	[sflag:s7] =	ssyncadd.s32 $0xFFFFE000  }
0xa0: {  	[hbm4b:s12+s2] =	stream.linear.scatter [tilespmem:s6], [sflag:$0x2], $0x2000, $0x38;
	[tilespmem:$0x2080] =	vst v63  }
0xa1: {  	_ =	swait.ge [sflag:s3], $0x2000  }
0xa2: {  	[sflag:s3] =	ssyncset.done $0x0  }
0xa3: {  	[sflag:s3] =	ssyncadd.s32 $0xFFFFE000  }
0xa4: {  	[tilespmem:s2], [sflag:$0x2] =	stream.linear.gather [hbm4b:s13+s2], $0x80, $0x38;
	[tilespmem:$0x2080] =	vst v63  }
0xa5: {  	_ =	swait.ge [sflag:s3], $0x80  }
0xa6: {  	[sflag:s3] =	ssyncset.done $0x0  }
0xa7: {  	[sflag:s3] =	ssyncadd.s32 $0xFFFFFF80  }
0xa8: {  	[tilespmem:s6], [sflag:$0x1] =	stream.indirect.gather [hbm4b:s5+s6], $0x40, s2, s6, $0xb8;
	[tilespmem:$0x2080] =	vst v63  }
0xa9: {  	_ =	swait.ge [sflag:s7], $0x2000  }
0xaa: {  	[sflag:s7] =	ssyncset.done $0x0  }
0xab: {  	[sflag:s7] =	ssyncadd.s32 $0xFFFFE000  }
0xac: {  	[hbm4b:s14+s2] =	stream.linear.scatter [tilespmem:s6], [sflag:$0x2], $0x2000, $0x38;
	[tilespmem:$0x2080] =	vst v63  }
0xad: {  	_ =	swait.ge [sflag:s3], $0x2000  }
0xae: {  	[sflag:s3] =	ssyncset.done $0x0  }
0xaf: {  	[sflag:s3] =	ssyncadd.s32 $0xFFFFE000  }
0xb0: {  	[tilespmem:s2], [sflag:$0x2] =	stream.linear.gather [hbm4b:s15+s2], $0x80, $0x38;
	[tilespmem:$0x2080] =	vst v63  }
0xb1: {  	_ =	swait.ge [sflag:s3], $0x80  }
0xb2: {  	[sflag:s3] =	ssyncset.done $0x0  }
0xb3: {  	[sflag:s3] =	ssyncadd.s32 $0xFFFFFF80  }
0xb4: {  	[tilespmem:s6], [sflag:$0x1] =	stream.indirect.gather [hbm4b:s5+s6], $0x40, s2, s6, $0xb8;
	[tilespmem:$0x2080] =	vst v63  }
0xb5: {  	_ =	swait.ge [sflag:s7], $0x2000  }
0xb6: {  	[sflag:s7] =	ssyncset.done $0x0  }
0xb7: {  	[sflag:s7] =	ssyncadd.s32 $0xFFFFE000  }
0xb8: {  	[hbm4b:s16+s2] =	stream.linear.scatter [tilespmem:s6], [sflag:$0x2], $0x2000, $0x38;
	[tilespmem:$0x2080] =	vst v63  }
0xb9: {  	_ =	swait.ge [sflag:s3], $0x2000  }
0xba: {  	[sflag:s3] =	ssyncset.done $0x0  }
0xbb: {  	[sflag:s3] =	ssyncadd.s32 $0xFFFFE000  }
0xbc: {  	[tilespmem:s2], [sflag:$0x2] =	stream.linear.gather [hbm4b:s17+s2], $0x80, $0x38;
	[tilespmem:$0x2080] =	vst v63  }
0xbd: {  	_ =	swait.ge [sflag:s3], $0x80  }
0xbe: {  	[sflag:s3] =	ssyncset.done $0x0  }
0xbf: {  	[sflag:s3] =	ssyncadd.s32 $0xFFFFFF80  }
0xc0: {  	[tilespmem:s6], [sflag:$0x1] =	stream.indirect.gather [hbm4b:s5+s6], $0x40, s2, s6, $0xb8;
	[tilespmem:$0x2080] =	vst v63  }
0xc1: {  	_ =	swait.ge [sflag:s7], $0x2000  }
0xc2: {  	[sflag:s7] =	ssyncset.done $0x0  }
0xc3: {  	[sflag:s7] =	ssyncadd.s32 $0xFFFFE000  }
0xc4: {  	[hbm4b:s18+s2] =	stream.linear.scatter [tilespmem:s6], [sflag:$0x2], $0x2000, $0x38;
	[tilespmem:$0x2080] =	vst v63  }
0xc5: {  	_ =	swait.ge [sflag:s3], $0x2000  }
0xc6: {  	[sflag:s3] =	ssyncset.done $0x0  }
0xc7: {  	[sflag:s3] =	ssyncadd.s32 $0xFFFFE000  }
0xc8: {  	[tilespmem:s2], [sflag:$0x2] =	stream.linear.gather [hbm4b:s19+s2], $0x80, $0x38;
	[tilespmem:$0x2080] =	vst v63  }
0xc9: {  	_ =	swait.ge [sflag:s3], $0x80  }
0xca: {  	[sflag:s3] =	ssyncset.done $0x0  }
0xcb: {  	[sflag:s3] =	ssyncadd.s32 $0xFFFFFF80  }
0xcc: {  	[tilespmem:s6], [sflag:$0x1] =	stream.indirect.gather [hbm4b:s5+s6], $0x40, s2, s6, $0xb8;
	[tilespmem:$0x2080] =	vst v63  }
0xcd: {  	_ =	swait.ge [sflag:s7], $0x2000  }
0xce: {  	[sflag:s7] =	ssyncset.done $0x0  }
0xcf: {  	[sflag:s7] =	ssyncadd.s32 $0xFFFFE000  }
0xd0: {  	[hbm4b:s20+s2] =	stream.linear.scatter [tilespmem:s6], [sflag:$0x2], $0x2000, $0x38;
	[tilespmem:$0x2080] =	vst v63  }
0xd1: {  	_ =	swait.ge [sflag:s3], $0x2000  }
0xd2: {  	[sflag:s3] =	ssyncset.done $0x0  }
0xd3: {  	[sflag:s3] =	ssyncadd.s32 $0xFFFFE000  }
0xd4: {  	[tilespmem:s2], [sflag:$0x2] =	stream.linear.gather [hbm4b:s21+s2], $0x80, $0x38;
	[tilespmem:$0x2080] =	vst v63  }
0xd5: {  	_ =	swait.ge [sflag:s3], $0x80  }
0xd6: {  	[sflag:s3] =	ssyncset.done $0x0  }
0xd7: {  	[sflag:s3] =	ssyncadd.s32 $0xFFFFFF80  }
0xd8: {  	[tilespmem:s6], [sflag:$0x1] =	stream.indirect.gather [hbm4b:s5+s6], $0x40, s2, s6, $0xb8;
	[tilespmem:$0x2080] =	vst v63  }
0xd9: {  	_ =	swait.ge [sflag:s7], $0x2000  }
0xda: {  	[sflag:s7] =	ssyncset.done $0x0  }
0xdb: {  	[sflag:s7] =	ssyncadd.s32 $0xFFFFE000  }
0xdc: {  	[hbm4b:s22+s2] =	stream.linear.scatter [tilespmem:s6], [sflag:$0x2], $0x2000, $0x38;
	[tilespmem:$0x2080] =	vst v63  }
0xdd: {  	_ =	swait.ge [sflag:s3], $0x2000  }
0xde: {  	[sflag:s3] =	ssyncset.done $0x0  }
0xdf: {  	[sflag:s3] =	ssyncadd.s32 $0xFFFFE000  }
0xe0: {  	[tilespmem:s2], [sflag:$0x2] =	stream.linear.gather [hbm4b:s23+s2], $0x80, $0x38;
	[tilespmem:$0x2080] =	vst v63  }
0xe1: {  	_ =	swait.ge [sflag:s3], $0x80  }
0xe2: {  	[sflag:s3] =	ssyncset.done $0x0  }
0xe3: {  	[sflag:s3] =	ssyncadd.s32 $0xFFFFFF80  }
0xe4: {  	[tilespmem:s6], [sflag:$0x1] =	stream.indirect.gather [hbm4b:s5+s6], $0x40, s2, s6, $0xb8;
	[tilespmem:$0x2080] =	vst v63  }
0xe5: {  	_ =	swait.ge [sflag:s7], $0x2000  }
0xe6: {  	[sflag:s7] =	ssyncset.done $0x0  }
0xe7: {  	[sflag:s7] =	ssyncadd.s32 $0xFFFFE000  }
0xe8: {  	[hbm4b:s24+s2] =	stream.linear.scatter [tilespmem:s6], [sflag:$0x2], $0x2000, $0x38;
	[tilespmem:$0x2080] =	vst v63  }
0xe9: {  	_ =	swait.ge [sflag:s3], $0x2000  }
0xea: {  	[sflag:s3] =	ssyncset.done $0x0  }
0xeb: {  	[sflag:s3] =	ssyncadd.s32 $0xFFFFE000  }
0xec: {  	[tilespmem:s2], [sflag:$0x2] =	stream.linear.gather [hbm4b:s25+s2], $0x80, $0x38;
	[tilespmem:$0x2080] =	vst v63  }
0xed: {  	_ =	swait.ge [sflag:s3], $0x80  }
0xee: {  	[sflag:s3] =	ssyncset.done $0x0  }
0xef: {  	[sflag:s3] =	ssyncadd.s32 $0xFFFFFF80  }
0xf0: {  	[tilespmem:s6], [sflag:$0x1] =	stream.indirect.gather [hbm4b:s5+s6], $0x40, s2, s6, $0xb8;
	[tilespmem:$0x2080] =	vst v63  }
0xf1: {  	_ =	swait.ge [sflag:s7], $0x2000  }
.Ltmp1:
0xf2: {  	[sflag:s7] =	ssyncset.done $0x0;
	(pc) =	sbr.rel @p0 .LBB2_1-.Ltmp1, $4  }
0xf3: {  	[sflag:s7] =	ssyncadd.s32 $0xFFFFE000  }
0xf4: {  	[hbm4b:s26+s2] =	stream.linear.scatter [tilespmem:s6], [sflag:$0x2], $0x2000, $0x38;
	[tilespmem:$0x2080] =	vst v63  }
0xf5: {  	_ =	swait.ge [sflag:s3], $0x2000  }
0xf6: {  	[sflag:s3] =	ssyncset.done $0x0  }
.LBB2_2:
0xf7: {  	[sflag:s3] =	ssyncadd.s32 $0xFFFFE000  }
0xf8: {  	_ =	sfence.sel $0x180000  }
0xf9: {  	[bflag:$0x0] =	sbarrier.arrive $0xFFFF  }
0xfa: {  	p0 =	sne.s32 s0, $0x0;
	_ =	strace $0x9000004A  }
0xfb: {  	s0 =	sadd.s32 @!p0 $0x100000, s1;
	[bflag:$0x2] =	sbarrier.arrive $0xFFFF  }
0xfc: {  	[sflag:s0] =	ssyncadd.tile.s32 @!p0 $0x1;
	_ =	shalt  }
.Lfunc_end2:
_tile_overlayer_lowered:
.L_overlay_start_2:
0xfd: {  	(tag) =	ssettag $0x2  }
0xfe: {  	s0 =	rddreg [dreg:$0x0];
	s2 =	stileid.u32  }
0xff: {  	s1 =	rddreg [dreg:$0x1];
	p0 =	sne.s32 s2, $0x0  }
0x100: {  	s3 =	rddreg [dreg:$0x2];
	[bflag:$0x3] =	sbarrier.arrive $0xFFFF;
	s2 =	simm.s32 @!p0 $0x1C02  }
0x101: {  	[timem:s3], [sflag:s2] =	dma.local @!p0 [hbm:s0], s1  }
0x102: {  	s0 =	simm.s32 @!p0 $0x2  }
0x103: {  	_ =	swait.ge @!p0 [sflag:s0], s1  }
0x104: {  	s1 =	ssub.s32 @!p0 $0x0, s1;
	[sflag:s0] =	ssyncset.done @!p0 $0x0  }
0x105: {  	[sflag:s0] =	ssyncadd.s32 @!p0 s1  }
0x106: {  	[bflag:$0x3] =	sbarrier.arrive $0xFFFF  }
0x107: {  	_ =	shalt  }

// kernel: kernel.8.cloned.1.call-start
scs
__scs_entry_jumppad:
0x0: {  	(pc) =	sbr.rel $0x88, $3  }
0x1: {  	(tag) =	ssettag $0x0;
	lr =	simm.s32 $0x1  }
0x2: {  	[smem:$0x3F8E] =	sst lr;
	_ =	strace $0xD0000000  }
0x3: {  	_ = 	snop  }
0x4: {  	_ = 	snop  }
0x5: {  	_ = 	snop  }
0x6: {  	_ = 	snop  }
0x7: {  	_ = 	snop  }
__scs_overlays_trampoline_lowered:
0x8: {  	[smem:$0x3F9D] =	sst s0  }
0x9: {  	[smem:$0x3F9E] =	sst s1  }
0xa: {  	[smem:$0x3F9F] =	sst s2  }
0xb: {  	[smem:$0x3FA0] =	sst s3  }
0xc: {  	[smem:$0x3FA1] =	sst s4  }
0xd: {  	[smem:$0x3FA2] =	sst s5  }
0xe: {  	[smem:$0x3FA3] =	sst s6  }
0xf: {  	[smem:$0x3FA4] =	sst s7  }
0x10: {  	[smem:$0x3FA5] =	sst s8  }
0x11: {  	[smem:$0x3FA6] =	sst s9;
	s0 =	simm.s32 @!p0 $0x0  }
0x12: {  	s1 =	sld [smem:$0x3F8C];
	s0 =	simm.s32 @p0 $0x1  }
0x13: {  	[smem:$0x3FA7] =	sst s0;
	s0 =	simm.s32 @!p1 $0x0  }
0x14: {  	s2 =	sld [smem:$0x3F8B];
	s0 =	simm.s32 @p1 $0x1  }
0x15: {  	[smem:$0x3FA8] =	sst s0;
	s0 =	simm.s32 @!p2 $0x0  }
0x16: {  	s3 =	sld [smem:$0x3FDB];
	s0 =	simm.s32 @p2 $0x1  }
0x17: {  	s4 =	simm.s32 $0x1BF5;
	[smem:$0x3FAA] =	sst s0  }
0x18: {  	s0 =	sld [smem:$0x3F8D];
	_ =	swait.ge [sflag:s4], $0x0  }
0x19: {  	s7 =	sld [smem:$0x3F8E]  }
0x1a: {  	s8 =	sadd.s32 $0xFFFFE003, lr  }
0x1b: {  	s9 =	sadd.s32 $0xFFFFFEF7, lr;
	s5 =	simm.s32 $0xFFFFFFFF;
	p2 =	slt.u32 s8, $0xFFFFF086  }
0x1c: {  	p1 =	slt.u32 s9, $0xF7A;
	s5 =	simm.s32 @!p2 $0x0  }
0x1d: {  	s5 =	simm.s32 @p1 $0x1;
	p0 =	seq.s32 s7, s2  }
0x1e: {  	s7 =	smul.u32 @!p0 $0xF7A, s2;
	p2 =	seq.s32 @!p0 s5, $0x0  }
0x1f: {  	s9 =	smul.u32 $0xF7A, s1;
	s8 =	simm.s32 @!p0 $0x1BF5;
	p2 =	por !p2, p0  }
0x20: {  	[sflag:s8] =	ssyncset.s32 @!p0 $0xFFFFF086;
	s6 =	sadd.s32 @!p0 s3, s7;
	s7 =	simm.s32 @!p0 $0x108  }
0x21: {  	s3 =	sadd.s32 s3, s9;
	s6 =	sadd.s32 @!p0 $0x88, s6;
	s7 =	simm.s32 @p2 $0x1082  }
0x22: {  	[simem:s7], [sflag:s8] =	dma.local @!p0 [hbm:s6], $0xF7A  }
0x23: {  	s9 =	sor.u32 $0xD0000000, s2;
	s6 =	simm.s32 $0x108;
	_ =	swait.ge @!p0 [sflag:s8], $0x0  }
0x24: {  	s3 =	sadd.s32 $0x88, s3;
	s6 =	simm.s32 @!p1 $0x1082;
	[sflag:s4] =	ssyncset.s32 $0xFFFFF086  }
0x25: {  	[simem:s6], [sflag:s4] =	dma.local [hbm:s3], $0xF7A  }
0x26: {  	[smem:$0x3F8E] =	sst s1;
	(tag) =	ssettag s2;
	_ =	strace s9  }
0x27: {  	s1 =	sld [smem:$0x3F9E]  }
0x28: {  	s2 =	sld [smem:$0x3F9F]  }
0x29: {  	s4 =	sld [smem:$0x3FA1]  }
0x2a: {  	p0 =	seq.s32 s5, $0x0;
	s5 =	sld [smem:$0x3FA2]  }
0x2b: {  	s6 =	sld [smem:$0x3FA3]  }
0x2c: {  	s7 =	sld [smem:$0x3FA4]  }
0x2d: {  	s3 =	simm.s32 $0x108;
	s8 =	sld [smem:$0x3FA5]  }
0x2e: {  	s3 =	simm.s32 @!p0 $0x1082;
	s9 =	sld [smem:$0x3FA6]  }
0x2f: {  	lr =	sadd.s32 s0, s3;
	s0 =	sld [smem:$0x3F9D]  }
0x30: {  	s3 =	sld [smem:$0x3FA0]  }
0x31: {  	[smem:$0x3FA9] =	sst s10  }
0x32: {  	s10 =	sld [smem:$0x3FA7];
	_ =	sdelay $0x3  }
0x33: {  	p0 =	seq.s32 s10, $0x1;
	s10 =	sld [smem:$0x3FA9];
	_ =	sdelay $0x3  }
0x34: {  	[smem:$0x3FA9] =	sst s10  }
0x35: {  	s10 =	sld [smem:$0x3FA8];
	_ =	sdelay $0x3  }
0x36: {  	p1 =	seq.s32 s10, $0x1;
	s10 =	sld [smem:$0x3FA9];
	_ =	sdelay $0x3  }
0x37: {  	[smem:$0x3FA9] =	sst s10  }
0x38: {  	s10 =	sld [smem:$0x3FAA]  }
0x39: {  	_ = 	snop;
	(pc) =	sbr.ind lr, $3  }
0x3a: {  	_ = 	snop  }
0x3b: {  	_ = 	snop  }
0x3c: {  	p2 =	seq.s32 s10, $0x1;
	s10 =	sld [smem:$0x3FA9]  }
0x3d: {  	_ =	shalt  }
0x3e: {  	_ =	shalt  }
0x3f: {  	_ =	shalt  }
0x40: {  	_ =	shalt  }
0x41: {  	_ =	shalt  }
0x42: {  	_ =	shalt  }
0x43: {  	_ =	shalt  }
0x44: {  	_ =	shalt  }
0x45: {  	_ =	shalt  }
0x46: {  	_ =	shalt  }
0x47: {  	_ =	shalt  }
0x48: {  	_ =	shalt  }
0x49: {  	_ =	shalt  }
0x4a: {  	_ =	shalt  }
0x4b: {  	_ =	shalt  }
0x4c: {  	_ =	shalt  }
0x4d: {  	_ =	shalt  }
0x4e: {  	_ =	shalt  }
0x4f: {  	_ =	shalt  }
0x50: {  	_ =	shalt  }
0x51: {  	_ =	shalt  }
0x52: {  	_ =	shalt  }
0x53: {  	_ =	shalt  }
0x54: {  	_ =	shalt  }
0x55: {  	_ =	shalt  }
0x56: {  	_ =	shalt  }
0x57: {  	_ =	shalt  }
0x58: {  	_ =	shalt  }
0x59: {  	_ =	shalt  }
0x5a: {  	_ =	shalt  }
0x5b: {  	_ =	shalt  }
0x5c: {  	_ =	shalt  }
0x5d: {  	_ =	shalt  }
0x5e: {  	_ =	shalt  }
0x5f: {  	_ =	shalt  }
0x60: {  	_ =	shalt  }
0x61: {  	_ =	shalt  }
0x62: {  	_ =	shalt  }
0x63: {  	_ =	shalt  }
0x64: {  	_ =	shalt  }
0x65: {  	_ =	shalt  }
0x66: {  	_ =	shalt  }
0x67: {  	_ =	shalt  }
0x68: {  	_ =	shalt  }
0x69: {  	_ =	shalt  }
0x6a: {  	_ =	shalt  }
0x6b: {  	_ =	shalt  }
0x6c: {  	_ =	shalt  }
0x6d: {  	_ =	shalt  }
0x6e: {  	_ =	shalt  }
0x6f: {  	_ =	shalt  }
0x70: {  	_ =	shalt  }
0x71: {  	_ =	shalt  }
0x72: {  	_ =	shalt  }
0x73: {  	_ =	shalt  }
0x74: {  	_ =	shalt  }
0x75: {  	_ =	shalt  }
0x76: {  	_ =	shalt  }
0x77: {  	_ =	shalt  }
0x78: {  	_ =	shalt  }
0x79: {  	_ =	shalt  }
0x7a: {  	_ =	shalt  }
0x7b: {  	_ =	shalt  }
0x7c: {  	_ =	shalt  }
0x7d: {  	_ =	shalt  }
0x7e: {  	_ =	shalt  }
0x7f: {  	_ =	shalt  }
0x80: {  	_ =	shalt  }
0x81: {  	_ =	shalt  }
0x82: {  	_ =	shalt  }
0x83: {  	_ =	shalt  }
0x84: {  	_ =	shalt  }
0x85: {  	_ =	shalt  }
0x86: {  	_ =	shalt  }
0x87: {  	_ =	shalt  }
.Lfunc_end0:
.L_simem_size_0:
called_computation_lowered:
.L_overlay_start_0:
0x88: {  	s2 =	sld [smem:$0x3FD9]  }
0x89: {  	s3 =	sld [smem:$0x3FFE];
	_ =	sdelay $0x1  }
0x8a: {  	s1 =	srdreg.scid  }
0x8b: {  	s0 =	sand.u32 $0x1, s1  }
0x8c: {  	s16 =	sshll.u32 s0, $0xA;
	s2 =	sadd.s32 s3, s2  }
0x8d: {  	s2 =	sadd.s32 s2, s16  }
0x8e: {  	[smem:$0x3FB5] =	sst s2  }
0x8f: {  	_ = 	snop  }
0x90: {  	(tm) =	ssettm $0x1  }
0x91: {  	s17 =	sld [smem:$0x3FFB];
	_ =	sdelay $0x3  }
0x92: {  	_ =	strace s17  }
0x93: {  	s2 =	sld [smem:$0x3FFC];
	_ =	sdelay $0x3  }
0x94: {  	_ =	strace s2  }
0x95: {  	s2 =	sld [smem:$0x3FFD];
	_ =	sdelay $0x3  }
0x96: {  	_ =	strace s2  }
0x97: {  	_ =	strace $0x8FFFFFFF  }
0x98: {  	s18 =	sld [smem:$0x3FDB];
	_ =	sdelay $0x1  }
0x99: {  	s19 =	simm.s32 $_scs_section_size  }
0x9a: {  	s4 =	simm.s32 $_size__tile_overlayer_lowered;
	s5 =	simm.s32 $_tile_overlayer_lowered  }
0x9b: {  	s22 =	simm.s32 $0x1BFF;
	s21 =	sshll.u32 s5, $0x1;
	s2 =	sadd.s32 s19, s18  }
0x9c: {  	s6 =	simm.s32 $0x0;
	s20 =	sshll.u32 s4, $0x1;
	s4 =	sadd.s32 s21, s2  }
0x9d: {  	[timem:s6], [sflag:s22] =	dma.local [hbm:s4], s20  }
0x9e: {  	_ =	swait.ge [sflag:s22], s20  }
0x9f: {  	s3 =	ssub.s32 $0x0, s20;
	[sflag:s22] =	ssyncset.done $0x0  }
0xa0: {  	[sflag:s22] =	ssyncadd.s32 s3;
	_ =	sdelay $0x1  }
0xa1: {  	s23 =	simm.s32 $0x1B8B  }
0xa2: {  	_ =	swait.ge [sflag:s23], $0x1  }
0xa3: {  	[sflag:s23] =	ssyncset.done $0x0  }
0xa4: {  	s25 =	simm.s32 $0x1B8E;
	s24 =	sld [smem:$0x3FFE];
	[sflag:s23] =	ssyncadd.s32 $0xFFFFFFFF  }
0xa5: {  	s26 =	simm.s32 $execute0_lowered;
	[smem:$0x3FD2] =	sst s25  }
0xa6: {  	s4 =	sshll.u32 s26, $0x1;
	_ =	strace $0x80000046;
	[dreg:$0x1] =	wrdreg $0xFFFFFFFF  }
0xa7: {  	s28 =	simm.s32 $_size_execute0_lowered;
	s2 =	sadd.s32 s2, s4;
	[dreg:$0x0] =	wrdreg $0x0  }
0xa8: {  	s4 =	sshll.u32 s28, $0x1;
	[dreg:$0x2] =	wrdreg s2  }
0xa9: {  	[dreg:$0x3] =	wrdreg s4  }
0xaa: {  	[dreg:$0x4] =	wrdreg $0xC0  }
0xab: {  	_ =	task [dreg:s6], $0x5FFFF  }
0xac: {  	[dreg:$0x1] =	wrdreg $0xFFFFFFFF  }
0xad: {  	[dreg:$0x0] =	wrdreg $0x60  }
0xae: {  	[dreg:$0x2] =	wrdreg s24  }
0xaf: {  	[dreg:$0x3] =	wrdreg $0x9  }
0xb0: {  	_ =	task.clear_ibuf [dreg:s6], $0x4FFFF;
	_ =	strace $0x90000046  }
0xb1: {  	s29 =	simm.s32 $0x9;
	_ =	strace $0x80000048  }
0xb2: {  	_ =	swait.ge [sflag:s29], $0x1  }
0xb3: {  	[sflag:s29] =	ssyncadd.s32 $0xFFFFFFFF  }
0xb4: {  	_ =	strace $0x90000048  }
0xb5: {  	_ =	sfence  }
0xb6: {  	s30 =	sld [smem:$0x0];
	_ =	sdelay $0x2  }
0xb7: {  	s31 =	sshll.u32 s1, $0xD;
	s1 =	sshrl.u32 s1, $0x2  }
0xb8: {  	s3 =	sand.u32 $0x4000, s31;
	s1 =	sadd.s32 s1, s30  }
0xb9: {  	s0 =	sor.u32 s3, s0;
	s1 =	sshll.u32 s1, $0x11  }
0xba: {  	s0 =	sor.u32 s1, s0  }
0xbb: {  	s0 =	sadd.s32 $0x8F2B, s0  }
0xbc: {  	[sflag:s0] =	ssyncadd.remote.s32 $0x1  }
0xbd: {  	_ =	sfence.sel $0xFFFF  }
0xbe: {  	[dreg:$0x0] =	wrdreg $0xFFFFFFFF;
	(pc) =	sbr.abs _section_cstart, $3  }
0xbf: {  	[dreg:$0x1] =	wrdreg $0xFFFFFFFF  }
0xc0: {  	_ =	task.clear_ibuf [dreg:s6], $0x2FFFF;
	_ =	strace $0x9FFFFFFF  }
0xc1: {  	(tm) =	ssettm $0x7FFFFFFF  }
tec
execute0_lowered:
.L_overlay_start_1:
0x0: {  	(tag) =	ssettag $0x1  }
0x1: {  	s1 =	srdreg.scid;
	s0 =	stileid.u32  }
0x2: {  	s26 =	sand.u32 $0x1, s1;
	s30 =	sshll.u32 s0, $0x1  }
0x3: {  	s1 =	sor.u32 s26, s30  }
0x4: {  	s8 =	rddreg [dreg:$0x0];
	s2 =	simm.s32 $0x0;
	s28 =	smul.u32 $0x500, s1  }
0x5: {  	[smem:$0x7FF] =	sst s2  }
0x6: {  	s25 =	sadd.s32 $0x3400, s8;
	s1 =	rddreg [dreg:$0x1];
	s3 =	sshrl.u32 s28, $0x3  }
0x7: {  	_ =	strace $0x80000047;
	s4 =	sadd.s32 s25, s3;
	s3 =	simm.s32 $0x2  }
0x8: {  	[tilespmem:s2], [sflag:$0x2] =	stream.linear.gather [hbm4b:s4+s2], $0x80, $0x38;
	[tilespmem:$0x480] =	vst v63  }
0x9: {  	_ =	swait.ge [sflag:s3], $0x80  }
0xa: {  	s6 =	simm.s32 $0x80;
	[sflag:s3] =	ssyncset.done $0x0  }
0xb: {  	s7 =	simm.s32 $0x1;
	s5 =	sadd.s32 $0x4800, s8;
	[sflag:s3] =	ssyncadd.s32 $0xFFFFFF80  }
0xc: {  	[tilespmem:s6], [sflag:$0x1] =	stream.indirect.gather [hbm4b:s5+s6], $0x8, s2, s6, $0xb8;
	[tilespmem:$0x480] =	vst v63  }
0xd: {  	_ =	swait.ge [sflag:s7], $0x400  }
0xe: {  	s29 =	sadd.s32 $0x6800, s8;
	[sflag:s7] =	ssyncset.done $0x0  }
0xf: {  	s8 =	sadd.s32 s29, s28;
	[sflag:s7] =	ssyncadd.s32 $0xFFFFFC00  }
0x10: {  	[hbm4b:s8+s2] =	stream.linear.scatter [tilespmem:s6], [sflag:$0x2], $0x400, $0x38;
	[tilespmem:$0x480] =	vst v63  }
0x11: {  	s10 =	sor.u32 $0x80, s28;
	_ =	swait.ge [sflag:s3], $0x400  }
0x12: {  	s9 =	sshrl.u32 s10, $0x3;
	[sflag:s3] =	ssyncset.done $0x0  }
0x13: {  	s9 =	sadd.s32 s25, s9;
	[sflag:s3] =	ssyncadd.s32 $0xFFFFFC00  }
0x14: {  	[tilespmem:s2], [sflag:$0x2] =	stream.linear.gather [hbm4b:s9+s2], $0x80, $0x38;
	[tilespmem:$0x480] =	vst v63  }
0x15: {  	_ =	swait.ge [sflag:s3], $0x80  }
0x16: {  	[sflag:s3] =	ssyncset.done $0x0  }
0x17: {  	[sflag:s3] =	ssyncadd.s32 $0xFFFFFF80  }
0x18: {  	[tilespmem:s6], [sflag:$0x1] =	stream.indirect.gather [hbm4b:s5+s6], $0x8, s2, s6, $0xb8;
	[tilespmem:$0x480] =	vst v63  }
0x19: {  	_ =	swait.ge [sflag:s7], $0x400  }
0x1a: {  	[sflag:s7] =	ssyncset.done $0x0  }
0x1b: {  	s10 =	sadd.s32 s29, s10;
	[sflag:s7] =	ssyncadd.s32 $0xFFFFFC00  }
0x1c: {  	[hbm4b:s10+s2] =	stream.linear.scatter [tilespmem:s6], [sflag:$0x2], $0x400, $0x38;
	[tilespmem:$0x480] =	vst v63  }
0x1d: {  	s12 =	sadd.s32 $0x100, s28;
	_ =	swait.ge [sflag:s3], $0x400  }
0x1e: {  	s11 =	sshrl.u32 s12, $0x3;
	[sflag:s3] =	ssyncset.done $0x0  }
0x1f: {  	s11 =	sadd.s32 s25, s11;
	[sflag:s3] =	ssyncadd.s32 $0xFFFFFC00  }
0x20: {  	[tilespmem:s2], [sflag:$0x2] =	stream.linear.gather [hbm4b:s11+s2], $0x80, $0x38;
	[tilespmem:$0x480] =	vst v63  }
0x21: {  	_ =	swait.ge [sflag:s3], $0x80  }
0x22: {  	[sflag:s3] =	ssyncset.done $0x0  }
0x23: {  	[sflag:s3] =	ssyncadd.s32 $0xFFFFFF80  }
0x24: {  	[tilespmem:s6], [sflag:$0x1] =	stream.indirect.gather [hbm4b:s5+s6], $0x8, s2, s6, $0xb8;
	[tilespmem:$0x480] =	vst v63  }
0x25: {  	_ =	swait.ge [sflag:s7], $0x400  }
0x26: {  	[sflag:s7] =	ssyncset.done $0x0  }
0x27: {  	s12 =	sadd.s32 s29, s12;
	[sflag:s7] =	ssyncadd.s32 $0xFFFFFC00  }
0x28: {  	[hbm4b:s12+s2] =	stream.linear.scatter [tilespmem:s6], [sflag:$0x2], $0x400, $0x38;
	[tilespmem:$0x480] =	vst v63  }
0x29: {  	s14 =	sadd.s32 $0x180, s28;
	_ =	swait.ge [sflag:s3], $0x400  }
0x2a: {  	s13 =	sshrl.u32 s14, $0x3;
	[sflag:s3] =	ssyncset.done $0x0  }
0x2b: {  	s13 =	sadd.s32 s25, s13;
	[sflag:s3] =	ssyncadd.s32 $0xFFFFFC00  }
0x2c: {  	[tilespmem:s2], [sflag:$0x2] =	stream.linear.gather [hbm4b:s13+s2], $0x80, $0x38;
	[tilespmem:$0x480] =	vst v63  }
0x2d: {  	_ =	swait.ge [sflag:s3], $0x80  }
0x2e: {  	[sflag:s3] =	ssyncset.done $0x0  }
0x2f: {  	[sflag:s3] =	ssyncadd.s32 $0xFFFFFF80  }
0x30: {  	[tilespmem:s6], [sflag:$0x1] =	stream.indirect.gather [hbm4b:s5+s6], $0x8, s2, s6, $0xb8;
	[tilespmem:$0x480] =	vst v63  }
0x31: {  	_ =	swait.ge [sflag:s7], $0x400  }
0x32: {  	[sflag:s7] =	ssyncset.done $0x0  }
0x33: {  	s14 =	sadd.s32 s29, s14;
	[sflag:s7] =	ssyncadd.s32 $0xFFFFFC00  }
0x34: {  	[hbm4b:s14+s2] =	stream.linear.scatter [tilespmem:s6], [sflag:$0x2], $0x400, $0x38;
	[tilespmem:$0x480] =	vst v63  }
0x35: {  	s16 =	sadd.s32 $0x200, s28;
	_ =	swait.ge [sflag:s3], $0x400  }
0x36: {  	s15 =	sshrl.u32 s16, $0x3;
	[sflag:s3] =	ssyncset.done $0x0  }
0x37: {  	s15 =	sadd.s32 s25, s15;
	[sflag:s3] =	ssyncadd.s32 $0xFFFFFC00  }
0x38: {  	[tilespmem:s2], [sflag:$0x2] =	stream.linear.gather [hbm4b:s15+s2], $0x80, $0x38;
	[tilespmem:$0x480] =	vst v63  }
0x39: {  	_ =	swait.ge [sflag:s3], $0x80  }
0x3a: {  	[sflag:s3] =	ssyncset.done $0x0  }
0x3b: {  	[sflag:s3] =	ssyncadd.s32 $0xFFFFFF80  }
0x3c: {  	[tilespmem:s6], [sflag:$0x1] =	stream.indirect.gather [hbm4b:s5+s6], $0x8, s2, s6, $0xb8;
	[tilespmem:$0x480] =	vst v63  }
0x3d: {  	_ =	swait.ge [sflag:s7], $0x400  }
0x3e: {  	[sflag:s7] =	ssyncset.done $0x0  }
0x3f: {  	s16 =	sadd.s32 s29, s16;
	[sflag:s7] =	ssyncadd.s32 $0xFFFFFC00  }
0x40: {  	[hbm4b:s16+s2] =	stream.linear.scatter [tilespmem:s6], [sflag:$0x2], $0x400, $0x38;
	[tilespmem:$0x480] =	vst v63  }
0x41: {  	s18 =	sadd.s32 $0x280, s28;
	_ =	swait.ge [sflag:s3], $0x400  }
0x42: {  	s17 =	sshrl.u32 s18, $0x3;
	[sflag:s3] =	ssyncset.done $0x0  }
0x43: {  	s17 =	sadd.s32 s25, s17;
	[sflag:s3] =	ssyncadd.s32 $0xFFFFFC00  }
0x44: {  	[tilespmem:s2], [sflag:$0x2] =	stream.linear.gather [hbm4b:s17+s2], $0x80, $0x38;
	[tilespmem:$0x480] =	vst v63  }
0x45: {  	_ =	swait.ge [sflag:s3], $0x80  }
0x46: {  	[sflag:s3] =	ssyncset.done $0x0  }
0x47: {  	[sflag:s3] =	ssyncadd.s32 $0xFFFFFF80  }
0x48: {  	[tilespmem:s6], [sflag:$0x1] =	stream.indirect.gather [hbm4b:s5+s6], $0x8, s2, s6, $0xb8;
	[tilespmem:$0x480] =	vst v63  }
0x49: {  	_ =	swait.ge [sflag:s7], $0x400  }
0x4a: {  	[sflag:s7] =	ssyncset.done $0x0  }
0x4b: {  	s18 =	sadd.s32 s29, s18;
	[sflag:s7] =	ssyncadd.s32 $0xFFFFFC00  }
0x4c: {  	[hbm4b:s18+s2] =	stream.linear.scatter [tilespmem:s6], [sflag:$0x2], $0x400, $0x38;
	[tilespmem:$0x480] =	vst v63  }
0x4d: {  	s20 =	sadd.s32 $0x300, s28;
	_ =	swait.ge [sflag:s3], $0x400  }
0x4e: {  	s19 =	sshrl.u32 s20, $0x3;
	[sflag:s3] =	ssyncset.done $0x0  }
0x4f: {  	s19 =	sadd.s32 s25, s19;
	[sflag:s3] =	ssyncadd.s32 $0xFFFFFC00  }
0x50: {  	[tilespmem:s2], [sflag:$0x2] =	stream.linear.gather [hbm4b:s19+s2], $0x80, $0x38;
	[tilespmem:$0x480] =	vst v63  }
0x51: {  	_ =	swait.ge [sflag:s3], $0x80  }
0x52: {  	[sflag:s3] =	ssyncset.done $0x0  }
0x53: {  	[sflag:s3] =	ssyncadd.s32 $0xFFFFFF80  }
0x54: {  	[tilespmem:s6], [sflag:$0x1] =	stream.indirect.gather [hbm4b:s5+s6], $0x8, s2, s6, $0xb8;
	[tilespmem:$0x480] =	vst v63  }
0x55: {  	_ =	swait.ge [sflag:s7], $0x400  }
0x56: {  	[sflag:s7] =	ssyncset.done $0x0  }
0x57: {  	s20 =	sadd.s32 s29, s20;
	[sflag:s7] =	ssyncadd.s32 $0xFFFFFC00  }
0x58: {  	[hbm4b:s20+s2] =	stream.linear.scatter [tilespmem:s6], [sflag:$0x2], $0x400, $0x38;
	[tilespmem:$0x480] =	vst v63  }
0x59: {  	s22 =	sadd.s32 $0x380, s28;
	_ =	swait.ge [sflag:s3], $0x400  }
0x5a: {  	s21 =	sshrl.u32 s22, $0x3;
	[sflag:s3] =	ssyncset.done $0x0  }
0x5b: {  	s21 =	sadd.s32 s25, s21;
	[sflag:s3] =	ssyncadd.s32 $0xFFFFFC00  }
0x5c: {  	[tilespmem:s2], [sflag:$0x2] =	stream.linear.gather [hbm4b:s21+s2], $0x80, $0x38;
	[tilespmem:$0x480] =	vst v63  }
0x5d: {  	_ =	swait.ge [sflag:s3], $0x80  }
0x5e: {  	[sflag:s3] =	ssyncset.done $0x0  }
0x5f: {  	[sflag:s3] =	ssyncadd.s32 $0xFFFFFF80  }
0x60: {  	[tilespmem:s6], [sflag:$0x1] =	stream.indirect.gather [hbm4b:s5+s6], $0x8, s2, s6, $0xb8;
	[tilespmem:$0x480] =	vst v63  }
0x61: {  	_ =	swait.ge [sflag:s7], $0x400  }
0x62: {  	[sflag:s7] =	ssyncset.done $0x0  }
0x63: {  	s22 =	sadd.s32 s29, s22;
	[sflag:s7] =	ssyncadd.s32 $0xFFFFFC00  }
0x64: {  	[hbm4b:s22+s2] =	stream.linear.scatter [tilespmem:s6], [sflag:$0x2], $0x400, $0x38;
	[tilespmem:$0x480] =	vst v63  }
0x65: {  	s24 =	sadd.s32 $0x400, s28;
	_ =	swait.ge [sflag:s3], $0x400  }
0x66: {  	s23 =	sshrl.u32 s24, $0x3;
	[sflag:s3] =	ssyncset.done $0x0  }
0x67: {  	s23 =	sadd.s32 s25, s23;
	[sflag:s3] =	ssyncadd.s32 $0xFFFFFC00  }
0x68: {  	[tilespmem:s2], [sflag:$0x2] =	stream.linear.gather [hbm4b:s23+s2], $0x80, $0x38;
	[tilespmem:$0x480] =	vst v63  }
0x69: {  	_ =	swait.ge [sflag:s3], $0x80  }
0x6a: {  	[sflag:s3] =	ssyncset.done $0x0  }
0x6b: {  	[sflag:s3] =	ssyncadd.s32 $0xFFFFFF80  }
0x6c: {  	[tilespmem:s6], [sflag:$0x1] =	stream.indirect.gather [hbm4b:s5+s6], $0x8, s2, s6, $0xb8;
	[tilespmem:$0x480] =	vst v63  }
0x6d: {  	_ =	swait.ge [sflag:s7], $0x400  }
0x6e: {  	[sflag:s7] =	ssyncset.done $0x0  }
0x6f: {  	s24 =	sadd.s32 s29, s24;
	[sflag:s7] =	ssyncadd.s32 $0xFFFFFC00  }
0x70: {  	[hbm4b:s24+s2] =	stream.linear.scatter [tilespmem:s6], [sflag:$0x2], $0x400, $0x38;
	[tilespmem:$0x480] =	vst v63  }
0x71: {  	s28 =	sadd.s32 $0x480, s28;
	_ =	swait.ge [sflag:s3], $0x400  }
0x72: {  	s30 =	sshrl.u32 s28, $0x3;
	[sflag:s3] =	ssyncset.done $0x0  }
0x73: {  	s26 =	ssub.s32 $0x2, s26;
	s25 =	sadd.s32 s25, s30;
	[sflag:s3] =	ssyncadd.s32 $0xFFFFFC00  }
0x74: {  	[tilespmem:s2], [sflag:$0x2] =	stream.linear.gather [hbm4b:s25+s2], $0x80, $0x38;
	[tilespmem:$0x480] =	vst v63  }
0x75: {  	s31 =	sshrl.u32 s26, $0x1;
	_ =	swait.ge [sflag:s3], $0x80  }
0x76: {  	s30 =	ssub.s32 s26, s31;
	[sflag:s3] =	ssyncset.done $0x0  }
0x77: {  	s26 =	sadd.s32 s29, s28;
	s28 =	smax.u32 s30, $0x1;
	[sflag:s3] =	ssyncadd.s32 $0xFFFFFF80  }
0x78: {  	[tilespmem:s6], [sflag:$0x1] =	stream.indirect.gather [hbm4b:s5+s6], $0x8, s2, s6, $0xb8;
	[tilespmem:$0x480] =	vst v63  }
0x79: {  	p0 =	sne.s32 s28, $0x1;
	_ =	swait.ge [sflag:s7], $0x400  }
.Ltmp0:
0x7a: {  	[sflag:s7] =	ssyncset.done $0x0;
	(pc) =	sbr.rel @!p0 .LBB2_2-.Ltmp0, $4  }
0x7b: {  	[sflag:s7] =	ssyncadd.s32 $0xFFFFFC00  }
0x7c: {  	[hbm4b:s26+s2] =	stream.linear.scatter [tilespmem:s6], [sflag:$0x2], $0x400, $0x38;
	[tilespmem:$0x480] =	vst v63  }
0x7d: {  	_ =	swait.ge [sflag:s3], $0x400  }
0x7e: {  	s28 =	sadd.s32 $0xFFFFFFFF, s28;
	[sflag:s3] =	ssyncset.done $0x0  }
.LBB2_1:
0x7f: {  	p0 =	sne.s32 s28, $0x1;
	s28 =	sadd.s32 $0xFFFFFFFF, s28;
	[sflag:s3] =	ssyncadd.s32 $0xFFFFFC00  }
0x80: {  	[tilespmem:s2], [sflag:$0x2] =	stream.linear.gather [hbm4b:s4+s2], $0x80, $0x38;
	[tilespmem:$0x480] =	vst v63  }
0x81: {  	_ =	swait.ge [sflag:s3], $0x80  }
0x82: {  	[sflag:s3] =	ssyncset.done $0x0  }
0x83: {  	[sflag:s3] =	ssyncadd.s32 $0xFFFFFF80  }
0x84: {  	[tilespmem:s6], [sflag:$0x1] =	stream.indirect.gather [hbm4b:s5+s6], $0x8, s2, s6, $0xb8;
	[tilespmem:$0x480] =	vst v63  }
0x85: {  	_ =	swait.ge [sflag:s7], $0x400  }
0x86: {  	[sflag:s7] =	ssyncset.done $0x0  }
0x87: {  	[sflag:s7] =	ssyncadd.s32 $0xFFFFFC00  }
0x88: {  	[hbm4b:s8+s2] =	stream.linear.scatter [tilespmem:s6], [sflag:$0x2], $0x400, $0x38;
	[tilespmem:$0x480] =	vst v63  }
0x89: {  	_ =	swait.ge [sflag:s3], $0x400  }
0x8a: {  	[sflag:s3] =	ssyncset.done $0x0  }
0x8b: {  	[sflag:s3] =	ssyncadd.s32 $0xFFFFFC00  }
0x8c: {  	[tilespmem:s2], [sflag:$0x2] =	stream.linear.gather [hbm4b:s9+s2], $0x80, $0x38;
	[tilespmem:$0x480] =	vst v63  }
0x8d: {  	_ =	swait.ge [sflag:s3], $0x80  }
0x8e: {  	[sflag:s3] =	ssyncset.done $0x0  }
0x8f: {  	[sflag:s3] =	ssyncadd.s32 $0xFFFFFF80  }
0x90: {  	[tilespmem:s6], [sflag:$0x1] =	stream.indirect.gather [hbm4b:s5+s6], $0x8, s2, s6, $0xb8;
	[tilespmem:$0x480] =	vst v63  }
0x91: {  	_ =	swait.ge [sflag:s7], $0x400  }
0x92: {  	[sflag:s7] =	ssyncset.done $0x0  }
0x93: {  	[sflag:s7] =	ssyncadd.s32 $0xFFFFFC00  }
0x94: {  	[hbm4b:s10+s2] =	stream.linear.scatter [tilespmem:s6], [sflag:$0x2], $0x400, $0x38;
	[tilespmem:$0x480] =	vst v63  }
0x95: {  	_ =	swait.ge [sflag:s3], $0x400  }
0x96: {  	[sflag:s3] =	ssyncset.done $0x0  }
0x97: {  	[sflag:s3] =	ssyncadd.s32 $0xFFFFFC00  }
0x98: {  	[tilespmem:s2], [sflag:$0x2] =	stream.linear.gather [hbm4b:s11+s2], $0x80, $0x38;
	[tilespmem:$0x480] =	vst v63  }
0x99: {  	_ =	swait.ge [sflag:s3], $0x80  }
0x9a: {  	[sflag:s3] =	ssyncset.done $0x0  }
0x9b: {  	[sflag:s3] =	ssyncadd.s32 $0xFFFFFF80  }
0x9c: {  	[tilespmem:s6], [sflag:$0x1] =	stream.indirect.gather [hbm4b:s5+s6], $0x8, s2, s6, $0xb8;
	[tilespmem:$0x480] =	vst v63  }
0x9d: {  	_ =	swait.ge [sflag:s7], $0x400  }
0x9e: {  	[sflag:s7] =	ssyncset.done $0x0  }
0x9f: {  	[sflag:s7] =	ssyncadd.s32 $0xFFFFFC00  }
0xa0: {  	[hbm4b:s12+s2] =	stream.linear.scatter [tilespmem:s6], [sflag:$0x2], $0x400, $0x38;
	[tilespmem:$0x480] =	vst v63  }
0xa1: {  	_ =	swait.ge [sflag:s3], $0x400  }
0xa2: {  	[sflag:s3] =	ssyncset.done $0x0  }
0xa3: {  	[sflag:s3] =	ssyncadd.s32 $0xFFFFFC00  }
0xa4: {  	[tilespmem:s2], [sflag:$0x2] =	stream.linear.gather [hbm4b:s13+s2], $0x80, $0x38;
	[tilespmem:$0x480] =	vst v63  }
0xa5: {  	_ =	swait.ge [sflag:s3], $0x80  }
0xa6: {  	[sflag:s3] =	ssyncset.done $0x0  }
0xa7: {  	[sflag:s3] =	ssyncadd.s32 $0xFFFFFF80  }
0xa8: {  	[tilespmem:s6], [sflag:$0x1] =	stream.indirect.gather [hbm4b:s5+s6], $0x8, s2, s6, $0xb8;
	[tilespmem:$0x480] =	vst v63  }
0xa9: {  	_ =	swait.ge [sflag:s7], $0x400  }
0xaa: {  	[sflag:s7] =	ssyncset.done $0x0  }
0xab: {  	[sflag:s7] =	ssyncadd.s32 $0xFFFFFC00  }
0xac: {  	[hbm4b:s14+s2] =	stream.linear.scatter [tilespmem:s6], [sflag:$0x2], $0x400, $0x38;
	[tilespmem:$0x480] =	vst v63  }
0xad: {  	_ =	swait.ge [sflag:s3], $0x400  }
0xae: {  	[sflag:s3] =	ssyncset.done $0x0  }
0xaf: {  	[sflag:s3] =	ssyncadd.s32 $0xFFFFFC00  }
0xb0: {  	[tilespmem:s2], [sflag:$0x2] =	stream.linear.gather [hbm4b:s15+s2], $0x80, $0x38;
	[tilespmem:$0x480] =	vst v63  }
0xb1: {  	_ =	swait.ge [sflag:s3], $0x80  }
0xb2: {  	[sflag:s3] =	ssyncset.done $0x0  }
0xb3: {  	[sflag:s3] =	ssyncadd.s32 $0xFFFFFF80  }
0xb4: {  	[tilespmem:s6], [sflag:$0x1] =	stream.indirect.gather [hbm4b:s5+s6], $0x8, s2, s6, $0xb8;
	[tilespmem:$0x480] =	vst v63  }
0xb5: {  	_ =	swait.ge [sflag:s7], $0x400  }
0xb6: {  	[sflag:s7] =	ssyncset.done $0x0  }
0xb7: {  	[sflag:s7] =	ssyncadd.s32 $0xFFFFFC00  }
0xb8: {  	[hbm4b:s16+s2] =	stream.linear.scatter [tilespmem:s6], [sflag:$0x2], $0x400, $0x38;
	[tilespmem:$0x480] =	vst v63  }
0xb9: {  	_ =	swait.ge [sflag:s3], $0x400  }
0xba: {  	[sflag:s3] =	ssyncset.done $0x0  }
0xbb: {  	[sflag:s3] =	ssyncadd.s32 $0xFFFFFC00  }
0xbc: {  	[tilespmem:s2], [sflag:$0x2] =	stream.linear.gather [hbm4b:s17+s2], $0x80, $0x38;
	[tilespmem:$0x480] =	vst v63  }
0xbd: {  	_ =	swait.ge [sflag:s3], $0x80  }
0xbe: {  	[sflag:s3] =	ssyncset.done $0x0  }
0xbf: {  	[sflag:s3] =	ssyncadd.s32 $0xFFFFFF80  }
0xc0: {  	[tilespmem:s6], [sflag:$0x1] =	stream.indirect.gather [hbm4b:s5+s6], $0x8, s2, s6, $0xb8;
	[tilespmem:$0x480] =	vst v63  }
0xc1: {  	_ =	swait.ge [sflag:s7], $0x400  }
0xc2: {  	[sflag:s7] =	ssyncset.done $0x0  }
0xc3: {  	[sflag:s7] =	ssyncadd.s32 $0xFFFFFC00  }
0xc4: {  	[hbm4b:s18+s2] =	stream.linear.scatter [tilespmem:s6], [sflag:$0x2], $0x400, $0x38;
	[tilespmem:$0x480] =	vst v63  }
0xc5: {  	_ =	swait.ge [sflag:s3], $0x400  }
0xc6: {  	[sflag:s3] =	ssyncset.done $0x0  }
0xc7: {  	[sflag:s3] =	ssyncadd.s32 $0xFFFFFC00  }
0xc8: {  	[tilespmem:s2], [sflag:$0x2] =	stream.linear.gather [hbm4b:s19+s2], $0x80, $0x38;
	[tilespmem:$0x480] =	vst v63  }
0xc9: {  	_ =	swait.ge [sflag:s3], $0x80  }
0xca: {  	[sflag:s3] =	ssyncset.done $0x0  }
0xcb: {  	[sflag:s3] =	ssyncadd.s32 $0xFFFFFF80  }
0xcc: {  	[tilespmem:s6], [sflag:$0x1] =	stream.indirect.gather [hbm4b:s5+s6], $0x8, s2, s6, $0xb8;
	[tilespmem:$0x480] =	vst v63  }
0xcd: {  	_ =	swait.ge [sflag:s7], $0x400  }
0xce: {  	[sflag:s7] =	ssyncset.done $0x0  }
0xcf: {  	[sflag:s7] =	ssyncadd.s32 $0xFFFFFC00  }
0xd0: {  	[hbm4b:s20+s2] =	stream.linear.scatter [tilespmem:s6], [sflag:$0x2], $0x400, $0x38;
	[tilespmem:$0x480] =	vst v63  }
0xd1: {  	_ =	swait.ge [sflag:s3], $0x400  }
0xd2: {  	[sflag:s3] =	ssyncset.done $0x0  }
0xd3: {  	[sflag:s3] =	ssyncadd.s32 $0xFFFFFC00  }
0xd4: {  	[tilespmem:s2], [sflag:$0x2] =	stream.linear.gather [hbm4b:s21+s2], $0x80, $0x38;
	[tilespmem:$0x480] =	vst v63  }
0xd5: {  	_ =	swait.ge [sflag:s3], $0x80  }
0xd6: {  	[sflag:s3] =	ssyncset.done $0x0  }
0xd7: {  	[sflag:s3] =	ssyncadd.s32 $0xFFFFFF80  }
0xd8: {  	[tilespmem:s6], [sflag:$0x1] =	stream.indirect.gather [hbm4b:s5+s6], $0x8, s2, s6, $0xb8;
	[tilespmem:$0x480] =	vst v63  }
0xd9: {  	_ =	swait.ge [sflag:s7], $0x400  }
0xda: {  	[sflag:s7] =	ssyncset.done $0x0  }
0xdb: {  	[sflag:s7] =	ssyncadd.s32 $0xFFFFFC00  }
0xdc: {  	[hbm4b:s22+s2] =	stream.linear.scatter [tilespmem:s6], [sflag:$0x2], $0x400, $0x38;
	[tilespmem:$0x480] =	vst v63  }
0xdd: {  	_ =	swait.ge [sflag:s3], $0x400  }
0xde: {  	[sflag:s3] =	ssyncset.done $0x0  }
0xdf: {  	[sflag:s3] =	ssyncadd.s32 $0xFFFFFC00  }
0xe0: {  	[tilespmem:s2], [sflag:$0x2] =	stream.linear.gather [hbm4b:s23+s2], $0x80, $0x38;
	[tilespmem:$0x480] =	vst v63  }
0xe1: {  	_ =	swait.ge [sflag:s3], $0x80  }
0xe2: {  	[sflag:s3] =	ssyncset.done $0x0  }
0xe3: {  	[sflag:s3] =	ssyncadd.s32 $0xFFFFFF80  }
0xe4: {  	[tilespmem:s6], [sflag:$0x1] =	stream.indirect.gather [hbm4b:s5+s6], $0x8, s2, s6, $0xb8;
	[tilespmem:$0x480] =	vst v63  }
0xe5: {  	_ =	swait.ge [sflag:s7], $0x400  }
0xe6: {  	[sflag:s7] =	ssyncset.done $0x0  }
0xe7: {  	[sflag:s7] =	ssyncadd.s32 $0xFFFFFC00  }
0xe8: {  	[hbm4b:s24+s2] =	stream.linear.scatter [tilespmem:s6], [sflag:$0x2], $0x400, $0x38;
	[tilespmem:$0x480] =	vst v63  }
0xe9: {  	_ =	swait.ge [sflag:s3], $0x400  }
0xea: {  	[sflag:s3] =	ssyncset.done $0x0  }
0xeb: {  	[sflag:s3] =	ssyncadd.s32 $0xFFFFFC00  }
0xec: {  	[tilespmem:s2], [sflag:$0x2] =	stream.linear.gather [hbm4b:s25+s2], $0x80, $0x38;
	[tilespmem:$0x480] =	vst v63  }
0xed: {  	_ =	swait.ge [sflag:s3], $0x80  }
0xee: {  	[sflag:s3] =	ssyncset.done $0x0  }
0xef: {  	[sflag:s3] =	ssyncadd.s32 $0xFFFFFF80  }
0xf0: {  	[tilespmem:s6], [sflag:$0x1] =	stream.indirect.gather [hbm4b:s5+s6], $0x8, s2, s6, $0xb8;
	[tilespmem:$0x480] =	vst v63  }
0xf1: {  	_ =	swait.ge [sflag:s7], $0x400  }
.Ltmp1:
0xf2: {  	[sflag:s7] =	ssyncset.done $0x0;
	(pc) =	sbr.rel @p0 .LBB2_1-.Ltmp1, $4  }
0xf3: {  	[sflag:s7] =	ssyncadd.s32 $0xFFFFFC00  }
0xf4: {  	[hbm4b:s26+s2] =	stream.linear.scatter [tilespmem:s6], [sflag:$0x2], $0x400, $0x38;
	[tilespmem:$0x480] =	vst v63  }
0xf5: {  	_ =	swait.ge [sflag:s3], $0x400  }
0xf6: {  	[sflag:s3] =	ssyncset.done $0x0  }
.LBB2_2:
0xf7: {  	[sflag:s3] =	ssyncadd.s32 $0xFFFFFC00  }
0xf8: {  	_ =	sfence.sel $0x180000  }
0xf9: {  	[bflag:$0x0] =	sbarrier.arrive $0xFFFF  }
0xfa: {  	p0 =	sne.s32 s0, $0x0;
	_ =	strace $0x90000047  }
0xfb: {  	s0 =	sadd.s32 @!p0 $0x100000, s1;
	[bflag:$0x2] =	sbarrier.arrive $0xFFFF  }
0xfc: {  	[sflag:s0] =	ssyncadd.tile.s32 @!p0 $0x1;
	_ =	shalt  }
.Lfunc_end2:
_tile_overlayer_lowered:
.L_overlay_start_2:
0xfd: {  	(tag) =	ssettag $0x2  }
0xfe: {  	s0 =	rddreg [dreg:$0x0];
	s2 =	stileid.u32  }
0xff: {  	s1 =	rddreg [dreg:$0x1];
	p0 =	sne.s32 s2, $0x0  }
0x100: {  	s3 =	rddreg [dreg:$0x2];
	[bflag:$0x3] =	sbarrier.arrive $0xFFFF;
	s2 =	simm.s32 @!p0 $0x1C02  }
0x101: {  	[timem:s3], [sflag:s2] =	dma.local @!p0 [hbm:s0], s1  }
0x102: {  	s0 =	simm.s32 @!p0 $0x2  }
0x103: {  	_ =	swait.ge @!p0 [sflag:s0], s1  }
0x104: {  	s1 =	ssub.s32 @!p0 $0x0, s1;
	[sflag:s0] =	ssyncset.done @!p0 $0x0  }
0x105: {  	[sflag:s0] =	ssyncadd.s32 @!p0 s1  }
0x106: {  	[bflag:$0x3] =	sbarrier.arrive $0xFFFF  }
0x107: {  	_ =	shalt  }

</sc_bundles>
